<compile_context>
chip_gen: v7x
topology: tpu7x:2x2x1
jax: 0.10.2.dev20260603
libtpu: 0.0.44.dev20260713+nightly
codegen_flags: <defaults>
</compile_context>

<pallas_src>
import functools

import jax
import jax.numpy as jnp
from jax import lax
from jax.experimental import pallas as pl
from jax.experimental.pallas import tpu as pltpu
from jax.experimental.pallas import tpu_sc as plsc

N = 10000
E = 320000
D = 128
G = 64
EPS = 1e-5

NC = 2
NS = 16
EPC = E // NC
EPT = E // (NC * NS)
C = 80
NCHUNK = EPT // C
NPAD = 10240
RPT = NPAD // NS

_mesh = plsc.VectorSubcoreMesh(core_axis_name="c", subcore_axis_name="s")


def _copy_idx(src_ref, src_off, dst_ref, n):
    for i in range(n // 16):
        dst_ref[pl.ds(i * 16, 16)] = src_ref[pl.ds(src_off + i * 16, 16)]



DEGW = D
DC = 96
DNF = EPT // DC
DTAIL = EPT - DNF * DC
DK = 4


@functools.partial(
    pl.kernel,
    mesh=_mesh,
    out_type=jax.ShapeDtypeStruct((NC * NPAD, DEGW), jnp.float32),
    scratch_types=[
        pltpu.VMEM((EPT,), jnp.int32),
        pltpu.VMEM((DC,), jnp.int32),
        pltpu.VMEM((DC,), jnp.int32),
        pltpu.VMEM((DC,), jnp.int32),
        pltpu.VMEM((DC,), jnp.int32),
        pltpu.VMEM((DTAIL,), jnp.int32),
        pltpu.VMEM((DC, DEGW), jnp.float32),
        pltpu.VMEM_SHARED((NPAD, DEGW), jnp.float32),
        pltpu.SemaphoreType.DMA,
    ],
)
def _sc_deg(dst_hbm, ones_hbm, zeros_hbm, out_hbm,
            dst_all, i0, i1, i2, i3, it, ones_v, acc_sh, sem):
    cid = lax.axis_index("c")
    sid = lax.axis_index("s")
    base = cid * EPC + sid * EPT
    pltpu.sync_copy(dst_hbm.at[pl.ds(base, EPT)], dst_all)
    pltpu.sync_copy(zeros_hbm.at[pl.ds(sid * RPT, RPT)],
                    acc_sh.at[pl.ds(sid * RPT, RPT)])
    pltpu.sync_copy(ones_hbm, ones_v)
    plsc.subcore_barrier()
    ibufs = (i0, i1, i2, i3)

    def group(kk, carry):
        j0 = kk * DK
        hs = []
        for p in range(DK):
            _copy_idx(dst_all, (j0 + p) * DC, ibufs[p], DC)
            hs.append(pltpu.async_copy(ones_v, acc_sh.at[ibufs[p]], sem,
                                       add=True))
        for h in hs:
            h.wait()
        return carry

    lax.fori_loop(0, DNF // DK, group, 0)
    _copy_idx(dst_all, DNF * DC, it, DTAIL)
    pltpu.sync_copy(ones_v.at[pl.ds(0, DTAIL)], acc_sh.at[it], add=True)
    plsc.subcore_barrier()
    pltpu.sync_copy(acc_sh.at[pl.ds(sid * RPT, RPT)],
                    out_hbm.at[pl.ds(cid * NPAD + sid * RPT, RPT)])



CF = 96
NFULL = EPT // CF
TAIL = EPT - NFULL * CF


@functools.partial(
    pl.kernel,
    mesh=_mesh,
    out_type=jax.ShapeDtypeStruct((NC * NPAD, D), jnp.float32),
    scratch_types=[
        pltpu.VMEM((EPT,), jnp.int32),
        pltpu.VMEM((EPT,), jnp.int32),
        pltpu.VMEM((CF,), jnp.int32),
        pltpu.VMEM((TAIL,), jnp.int32),
        pltpu.VMEM((CF, D), jnp.float32),
        pltpu.VMEM((CF, D), jnp.float32),
        pltpu.VMEM_SHARED((NPAD, D), jnp.float32),
        pltpu.SemaphoreType.DMA,
        pltpu.SemaphoreType.DMA,
    ],
)
def _sc_mp(g_hbm, src_hbm, dst_hbm, zeros_hbm, out_hbm,
           src_all, dst_all, sidx, idx_t, rows0, rows1, acc_sh,
           sem0, sem1):
    cid = lax.axis_index("c")
    sid = lax.axis_index("s")
    base = cid * EPC + sid * EPT
    pltpu.sync_copy(src_hbm.at[pl.ds(base, EPT)], src_all)
    pltpu.sync_copy(dst_hbm.at[pl.ds(base, EPT)], dst_all)
    pltpu.sync_copy(zeros_hbm.at[pl.ds(sid * RPT, RPT)],
                    acc_sh.at[pl.ds(sid * RPT, RPT)])
    plsc.subcore_barrier()

    rows = (rows0, rows1)
    sems = (sem0, sem1)

    def issue_gather(j, p):
        return pltpu.async_copy(g_hbm.at[src_all.at[pl.ds(j * CF, CF)]],
                                rows[p], sems[p])

    def scatter(j, p):
        _copy_idx(dst_all, j * CF, sidx, CF)
        pltpu.sync_copy(rows[p], acc_sh.at[sidx], add=True)

    issue_gather(0, 0).wait()

    def pair(k, carry):
        j = 2 * k + 1
        h = issue_gather(j, 1)
        scatter(j - 1, 0)
        h.wait()
        h = issue_gather(j + 1, 0)
        scatter(j, 1)
        h.wait()
        return carry

    lax.fori_loop(0, (NFULL - 2) // 2, pair, 0)
    h = issue_gather(NFULL - 1, 1)
    scatter(NFULL - 2, 0)
    h.wait()
    scatter(NFULL - 1, 1)
    pltpu.async_copy(g_hbm.at[src_all.at[pl.ds(NFULL * CF, TAIL)]],
                     rows0.at[pl.ds(0, TAIL)], sems[0]).wait()
    _copy_idx(dst_all, NFULL * CF, idx_t, TAIL)
    pltpu.sync_copy(rows0.at[pl.ds(0, TAIL)], acc_sh.at[idx_t], add=True)

    plsc.subcore_barrier()
    pltpu.sync_copy(acc_sh.at[pl.ds(sid * RPT, RPT)],
                    out_hbm.at[pl.ds(cid * NPAD + sid * RPT, RPT)])



def _mm0_body(x_ref, w_ref, degp_ref, g_ref):
    deg = 1.0 + degp_ref[0, :N, :1] + degp_ref[1, :N, :1]
    dinv = 1.0 / jnp.sqrt(deg)
    g_ref[...] = dinv * jnp.dot(x_ref[...], w_ref[...],
                                preferred_element_type=jnp.float32)


_mm0 = pl.pallas_call(
    _mm0_body,
    out_shape=jax.ShapeDtypeStruct((N, D), jnp.float32),
)



def _epi_body(with_next, s_ref, g_ref, degp_ref, b_ref, gamma_ref, beta_ref,
              batch_ref, w_ref, pool_ref, gnext_ref=None):
    deg = 1.0 + degp_ref[0, :N, :1] + degp_ref[1, :N, :1]
    dinv = 1.0 / jnp.sqrt(deg)
    s = s_ref[0, :N] + s_ref[1, :N] + g_ref[...]
    u = jnp.maximum(dinv * s + b_ref[...], 0.0)
    mean = jnp.mean(u, axis=0, keepdims=True)
    var = jnp.mean((u - mean) ** 2, axis=0, keepdims=True)
    h = gamma_ref[...] * (u - mean) / jnp.sqrt(var + EPS) + beta_ref[...]
    sel = (batch_ref[...] ==
           lax.broadcasted_iota(jnp.int32, (G, N), 0)).astype(jnp.float32)
    pool_ref[...] = jnp.dot(sel, h, preferred_element_type=jnp.float32,
                            precision=lax.Precision.HIGHEST)
    if with_next:
        gnext_ref[...] = dinv * jnp.dot(h, w_ref[...],
                                        preferred_element_type=jnp.float32)


_epi_mid = pl.pallas_call(
    functools.partial(_epi_body, True),
    out_shape=(jax.ShapeDtypeStruct((G, D), jnp.float32),
               jax.ShapeDtypeStruct((N, D), jnp.float32)),
)

_epi_last = pl.pallas_call(
    functools.partial(_epi_body, False),
    out_shape=jax.ShapeDtypeStruct((G, D), jnp.float32),
)



def kernel(x, edge_index, batch,
           W0, b0, gamma0, beta0,
           W1, b1, gamma1, beta1,
           W2, b2, gamma2, beta2):
    src = edge_index[0]
    dst = edge_index[1]
    ones_c = jnp.ones((DC, DEGW), jnp.float32)
    zeros_deg = jnp.zeros((NPAD, DEGW), jnp.float32)
    zeros_nd = jnp.zeros((NPAD, D), jnp.float32)
    batch2 = batch.reshape(1, N)

    degp = _sc_deg(dst, ones_c, zeros_deg).reshape(NC, NPAD, DEGW)

    g = _mm0(x, W0, degp)

    params = [(b0, gamma0, beta0, W1), (b1, gamma1, beta1, W2),
              (b2, gamma2, beta2, None)]
    pools = []
    for li, (b, gamma, beta, Wn) in enumerate(params):
        s = _sc_mp(g, src, dst, zeros_nd).reshape(NC, NPAD, D)
        b2d = b.reshape(1, D)
        g2d = gamma.reshape(1, D)
        bt2d = beta.reshape(1, D)
        if Wn is not None:
            pool, g = _epi_mid(s, g, degp, b2d, g2d, bt2d, batch2, Wn)
        else:
            wd = jnp.zeros((D, D), jnp.float32)
            pool = _epi_last(s, g, degp, b2d, g2d, bt2d, batch2, wd)
        pools.append(pool)

    return jnp.concatenate(pools, axis=1)

# --- scband reference (transcript-rebuilt; emitter-appended) ---
"""Pipeline reference for scband-encoder-gcn-69045894250778 (READ-ONLY COPY).

The authoritative reference and input builder live on the scoring server;
editing this copy changes nothing except your own understanding.
"""

import jax, jax.numpy as jnp
import numpy as np

N = 10000
E = 320000
D = 128
G = 64
L = 3
EPS = 1e-5


def setup_inputs(seed: int = 0) -> dict:
    key = jax.random.key(seed)
    ks = jax.random.split(key, 4 + 4 * L)
    inp = {}
    inp["x"] = jax.random.normal(ks[0], (N, D), dtype=jnp.float32)
    inp["edge_index"] = jax.random.randint(ks[1], (2, E), 0, N, dtype=jnp.int32)
    inp["batch"] = jnp.sort(jax.random.randint(ks[2], (N,), 0, G, dtype=jnp.int32))
    for i in range(L):
        inp[f"W{i}"] = jax.random.normal(ks[3 + 4 * i], (D, D), dtype=jnp.float32) * (1.0 / np.sqrt(D))
        inp[f"b{i}"] = jnp.zeros((D,), dtype=jnp.float32)
        inp[f"gamma{i}"] = jnp.ones((D,), dtype=jnp.float32)
        inp[f"beta{i}"] = jnp.zeros((D,), dtype=jnp.float32)
    return inp


def reference(x, edge_index, batch,
              W0, b0, gamma0, beta0,
              W1, b1, gamma1, beta1,
              W2, b2, gamma2, beta2):
    # add self loops (GCNConv default)
    loop = jnp.arange(N, dtype=edge_index.dtype)
    src = jnp.concatenate([edge_index[0], loop])
    dst = jnp.concatenate([edge_index[1], loop])
    deg = jax.ops.segment_sum(jnp.ones(src.shape[0], jnp.float32), dst, num_segments=N)
    dinv = jnp.where(deg > 0, 1.0 / jnp.sqrt(deg), 0.0)
    norm = dinv[src] * dinv[dst]

    params = [(W0, b0, gamma0, beta0), (W1, b1, gamma1, beta1), (W2, b2, gamma2, beta2)]
    xs = []
    h = x
    for (W, b, g, bt) in params:
        h = h @ W
        msg = h[src] * norm[:, None]
        h = jax.ops.segment_sum(msg, dst, num_segments=N) + b
        h = jax.nn.relu(h)
        # BatchNorm1d in training mode (batch statistics, biased variance)
        mean = jnp.mean(h, axis=0)
        var = jnp.mean((h - mean) ** 2, axis=0)
        h = g * (h - mean) / jnp.sqrt(var + EPS) + bt
        xs.append(h)

    pools = [jax.ops.segment_sum(xl, batch, num_segments=G) for xl in xs]
    return jnp.concatenate(pools, axis=1)

if __name__ == "__main__":
    import jax
    _d = setup_inputs()
    print(jax.jit(kernel)(*tuple(_d.values())))

</pallas_src>

<mosaic_0001>
#map = affine_map<(d0, d1) -> (0)>
#map1 = affine_map<(d0, d1) -> (0, 0)>
module attributes {stable_mosaic.version = 14 : i64} {
  func.func @_sc_deg(%arg0: i32, %arg1: i32, %arg2: memref<320000xi32, #tpu.memory_space<hbm>>, %arg3: memref<96x128xf32, #tpu.memory_space<hbm>>, %arg4: memref<10240x128xf32, #tpu.memory_space<hbm>>, %arg5: memref<20480x128xf32, #tpu.memory_space<hbm>>, %arg6: memref<10000xi32, #tpu.memory_space<vmem>>, %arg7: memref<96xi32, #tpu.memory_space<vmem>>, %arg8: memref<96xi32, #tpu.memory_space<vmem>>, %arg9: memref<96xi32, #tpu.memory_space<vmem>>, %arg10: memref<96xi32, #tpu.memory_space<vmem>>, %arg11: memref<16xi32, #tpu.memory_space<vmem>>, %arg12: memref<96x128xf32, #tpu.memory_space<vmem>>, %arg13: memref<10240x128xf32, #tpu.memory_space<vmem_shared>>, %arg14: memref<!tpu.dma_semaphore, #tpu.memory_space<semaphore_mem>>) attributes {dimension_semantics = [#tpu.dimension_semantics<core_parallel>, #tpu.dimension_semantics<subcore_parallel>], iteration_bounds = array<i64: 2, 16>, scalar_prefetch = 0 : i64, scratch_operands = 9 : i64, tpu.core_type = #tpu.core_type<sc_vector_subcore>, window_params = [{transform_indices = #map}, {transform_indices = #map1}, {transform_indices = #map1}, {transform_indices = #map1}]} {
    %mul3A = arith.constant 160000 : i32
    %mul3A_0 = arith.muli %arg0, %mul3A : i32
    %mul3A_1 = arith.constant 10000 : i32
    %mul3A_2 = arith.muli %arg1, %mul3A_1 : i32
    %add3A = arith.addi %mul3A_0, %mul3A_2 : i32
    "tpu.region"() ({
      %run_scoped3A = tpu.sem_alloc : memref<!tpu.dma_semaphore, #tpu.memory_space<semaphore_mem>>
      %dma_start3A = tpu.memref_slice %arg2[%add3A] : memref<320000xi32, #tpu.memory_space<hbm>> -> memref<10000xi32, #tpu.memory_space<hbm>>
      %dma_start3A_25 = tpu.memref_slice %arg2[%add3A] : memref<320000xi32, #tpu.memory_space<hbm>> -> memref<10000xi32, #tpu.memory_space<hbm>>
      tpu.enqueue_dma source(%dma_start3A_25 : memref<10000xi32, #tpu.memory_space<hbm>>) target(%arg6 : memref<10000xi32, #tpu.memory_space<vmem>>) target_semaphore(%run_scoped3A : memref<!tpu.dma_semaphore, #tpu.memory_space<semaphore_mem>>)
      %dma_wait3A = tpu.memref_slice %arg2[%add3A] : memref<320000xi32, #tpu.memory_space<hbm>> -> memref<10000xi32, #tpu.memory_space<hbm>>
      %dma_wait3A_26 = tpu.memref_slice %arg2[%add3A] : memref<320000xi32, #tpu.memory_space<hbm>> -> memref<10000xi32, #tpu.memory_space<hbm>>
      tpu.wait_dma2 semaphore(%run_scoped3A : memref<!tpu.dma_semaphore, #tpu.memory_space<semaphore_mem>>) src(%dma_wait3A_26 : memref<10000xi32, #tpu.memory_space<hbm>>) dst(%arg6 : memref<10000xi32, #tpu.memory_space<vmem>>)
      tpu.yield
    }) : () -> ()
    %mul3A_3 = arith.constant 640 : i32
    %mul3A_4 = arith.muli %arg1, %mul3A_3 : i32
    %mul3A_5 = arith.constant 640 : i32
    %mul3A_6 = arith.muli %arg1, %mul3A_5 : i32
    "tpu.region"() ({
      %run_scoped3A = tpu.sem_alloc : memref<!tpu.dma_semaphore, #tpu.memory_space<semaphore_mem>>
      %dma_start3A = arith.constant 0 : i32
      %dma_start3A_25 = tpu.memref_slice %arg13[%mul3A_6, %dma_start3A] : memref<10240x128xf32, #tpu.memory_space<vmem_shared>> -> memref<640x128xf32, #tpu.memory_space<vmem_shared>>
      %dma_start3A_26 = arith.constant 0 : i32
      %dma_start3A_27 = tpu.memref_slice %arg4[%mul3A_4, %dma_start3A_26] : memref<10240x128xf32, #tpu.memory_space<hbm>> -> memref<640x128xf32, #tpu.memory_space<hbm>>
      tpu.enqueue_dma source(%dma_start3A_27 : memref<640x128xf32, #tpu.memory_space<hbm>>) target(%dma_start3A_25 : memref<640x128xf32, #tpu.memory_space<vmem_shared>>) target_semaphore(%run_scoped3A : memref<!tpu.dma_semaphore, #tpu.memory_space<semaphore_mem>>)
      %dma_wait3A = arith.constant 0 : i32
      %dma_wait3A_28 = tpu.memref_slice %arg13[%mul3A_6, %dma_wait3A] : memref<10240x128xf32, #tpu.memory_space<vmem_shared>> -> memref<640x128xf32, #tpu.memory_space<vmem_shared>>
      %dma_wait3A_29 = arith.constant 0 : i32
      %dma_wait3A_30 = tpu.memref_slice %arg4[%mul3A_4, %dma_wait3A_29] : memref<10240x128xf32, #tpu.memory_space<hbm>> -> memref<640x128xf32, #tpu.memory_space<hbm>>
      tpu.wait_dma2 semaphore(%run_scoped3A : memref<!tpu.dma_semaphore, #tpu.memory_space<semaphore_mem>>) src(%dma_wait3A_30 : memref<640x128xf32, #tpu.memory_space<hbm>>) dst(%dma_wait3A_28 : memref<640x128xf32, #tpu.memory_space<vmem_shared>>)
      tpu.yield
    }) : () -> ()
    "tpu.region"() ({
      %run_scoped3A = tpu.sem_alloc : memref<!tpu.dma_semaphore, #tpu.memory_space<semaphore_mem>>
      tpu.enqueue_dma source(%arg3 : memref<96x128xf32, #tpu.memory_space<hbm>>) target(%arg12 : memref<96x128xf32, #tpu.memory_space<vmem>>) target_semaphore(%run_scoped3A : memref<!tpu.dma_semaphore, #tpu.memory_space<semaphore_mem>>)
      tpu.wait_dma2 semaphore(%run_scoped3A : memref<!tpu.dma_semaphore, #tpu.memory_space<semaphore_mem>>) src(%arg3 : memref<96x128xf32, #tpu.memory_space<hbm>>) dst(%arg12 : memref<96x128xf32, #tpu.memory_space<vmem>>)
      tpu.yield
    }) : () -> ()
    %barrier3A = arith.constant 0 : index
    tpu.barrier barrier_id(%barrier3A)
    %scan3A = arith.constant 0 : i32
    %scan3A_7 = arith.constant 0 : i32
    %scan3A_8 = arith.constant 26 : i32
    %scan3A_9 = arith.addi %scan3A_7, %scan3A_8 : i32
    %scan3A_10 = arith.constant 1 : i32
    scf.for %scan3A_25 = %scan3A_7 to %scan3A_9 step %scan3A_10  : i32 {
      %mul3A_26 = arith.constant 4 : i32
      %mul3A_27 = arith.muli %scan3A_25, %mul3A_26 : i32
      %add3A_28 = arith.constant 0 : i32
      %add3A_29 = arith.addi %mul3A_27, %add3A_28 : i32
      %mul3A_30 = arith.constant 96 : i32
      %mul3A_31 = arith.muli %add3A_29, %mul3A_30 : i32
      %add3A_32 = arith.constant 0 : i32
      %add3A_33 = arith.addi %mul3A_31, %add3A_32 : i32
      %get3A_34 = arith.index_cast %add3A_33 : i32 to index
      %get3A_35 = tpu.vector_load %arg6[%get3A_34] {strides = array<i32>} : memref<10000xi32, #tpu.memory_space<vmem>>, vector<16xi32>,
      %get3A_36 = vector.shape_cast %get3A_35 : vector<16xi32> to vector<16xi32>
      %swap3A_37 = arith.constant 0 : index
      %swap3A_38 = tpu.vector_load %arg7[%swap3A_37] {strides = array<i32>} : memref<96xi32, #tpu.memory_space<vmem>>, vector<16xi32>,
      %swap3A_39 = vector.shape_cast %swap3A_38 : vector<16xi32> to vector<16xi32>
      %swap3A_40 = vector.shape_cast %get3A_36 : vector<16xi32> to vector<16xi32>
      tpu.vector_store %arg7[%swap3A_37], %swap3A_40 {strides = array<i32>} : memref<96xi32, #tpu.memory_space<vmem>>, vector<16xi32>,
      %add3A_41 = arith.constant 16 : i32
      %add3A_42 = arith.addi %mul3A_31, %add3A_41 : i32
      %get3A_43 = arith.index_cast %add3A_42 : i32 to index
      %get3A_44 = tpu.vector_load %arg6[%get3A_43] {strides = array<i32>} : memref<10000xi32, #tpu.memory_space<vmem>>, vector<16xi32>,
      %get3A_45 = vector.shape_cast %get3A_44 : vector<16xi32> to vector<16xi32>
      %swap3A_46 = arith.constant 16 : index
      %swap3A_47 = tpu.vector_load %arg7[%swap3A_46] {strides = array<i32>} : memref<96xi32, #tpu.memory_space<vmem>>, vector<16xi32>,
      %swap3A_48 = vector.shape_cast %swap3A_47 : vector<16xi32> to vector<16xi32>
      %swap3A_49 = vector.shape_cast %get3A_45 : vector<16xi32> to vector<16xi32>
      tpu.vector_store %arg7[%swap3A_46], %swap3A_49 {strides = array<i32>} : memref<96xi32, #tpu.memory_space<vmem>>, vector<16xi32>,
      %add3A_50 = arith.constant 32 : i32
      %add3A_51 = arith.addi %mul3A_31, %add3A_50 : i32
      %get3A_52 = arith.index_cast %add3A_51 : i32 to index
      %get3A_53 = tpu.vector_load %arg6[%get3A_52] {strides = array<i32>} : memref<10000xi32, #tpu.memory_space<vmem>>, vector<16xi32>,
      %get3A_54 = vector.shape_cast %get3A_53 : vector<16xi32> to vector<16xi32>
      %swap3A_55 = arith.constant 32 : index
      %swap3A_56 = tpu.vector_load %arg7[%swap3A_55] {strides = array<i32>} : memref<96xi32, #tpu.memory_space<vmem>>, vector<16xi32>,
      %swap3A_57 = vector.shape_cast %swap3A_56 : vector<16xi32> to vector<16xi32>
      %swap3A_58 = vector.shape_cast %get3A_54 : vector<16xi32> to vector<16xi32>
      tpu.vector_store %arg7[%swap3A_55], %swap3A_58 {strides = array<i32>} : memref<96xi32, #tpu.memory_space<vmem>>, vector<16xi32>,
      %add3A_59 = arith.constant 48 : i32
      %add3A_60 = arith.addi %mul3A_31, %add3A_59 : i32
      %get3A_61 = arith.index_cast %add3A_60 : i32 to index
      %get3A_62 = tpu.vector_load %arg6[%get3A_61] {strides = array<i32>} : memref<10000xi32, #tpu.memory_space<vmem>>, vector<16xi32>,
      %get3A_63 = vector.shape_cast %get3A_62 : vector<16xi32> to vector<16xi32>
      %swap3A_64 = arith.constant 48 : index
      %swap3A_65 = tpu.vector_load %arg7[%swap3A_64] {strides = array<i32>} : memref<96xi32, #tpu.memory_space<vmem>>, vector<16xi32>,
      %swap3A_66 = vector.shape_cast %swap3A_65 : vector<16xi32> to vector<16xi32>
      %swap3A_67 = vector.shape_cast %get3A_63 : vector<16xi32> to vector<16xi32>
      tpu.vector_store %arg7[%swap3A_64], %swap3A_67 {strides = array<i32>} : memref<96xi32, #tpu.memory_space<vmem>>, vector<16xi32>,
      %add3A_68 = arith.constant 64 : i32
      %add3A_69 = arith.addi %mul3A_31, %add3A_68 : i32
      %get3A_70 = arith.index_cast %add3A_69 : i32 to index
      %get3A_71 = tpu.vector_load %arg6[%get3A_70] {strides = array<i32>} : memref<10000xi32, #tpu.memory_space<vmem>>, vector<16xi32>,
      %get3A_72 = vector.shape_cast %get3A_71 : vector<16xi32> to vector<16xi32>
      %swap3A_73 = arith.constant 64 : index
      %swap3A_74 = tpu.vector_load %arg7[%swap3A_73] {strides = array<i32>} : memref<96xi32, #tpu.memory_space<vmem>>, vector<16xi32>,
      %swap3A_75 = vector.shape_cast %swap3A_74 : vector<16xi32> to vector<16xi32>
      %swap3A_76 = vector.shape_cast %get3A_72 : vector<16xi32> to vector<16xi32>
      tpu.vector_store %arg7[%swap3A_73], %swap3A_76 {strides = array<i32>} : memref<96xi32, #tpu.memory_space<vmem>>, vector<16xi32>,
      %add3A_77 = arith.constant 80 : i32
      %add3A_78 = arith.addi %mul3A_31, %add3A_77 : i32
      %get3A_79 = arith.index_cast %add3A_78 : i32 to index
      %get3A_80 = tpu.vector_load %arg6[%get3A_79] {strides = array<i32>} : memref<10000xi32, #tpu.memory_space<vmem>>, vector<16xi32>,
      %get3A_81 = vector.shape_cast %get3A_80 : vector<16xi32> to vector<16xi32>
      %swap3A_82 = arith.constant 80 : index
      %swap3A_83 = tpu.vector_load %arg7[%swap3A_82] {strides = array<i32>} : memref<96xi32, #tpu.memory_space<vmem>>, vector<16xi32>,
      %swap3A_84 = vector.shape_cast %swap3A_83 : vector<16xi32> to vector<16xi32>
      %swap3A_85 = vector.shape_cast %get3A_81 : vector<16xi32> to vector<16xi32>
      tpu.vector_store %arg7[%swap3A_82], %swap3A_85 {strides = array<i32>} : memref<96xi32, #tpu.memory_space<vmem>>, vector<16xi32>,
      %dma_start3A = arith.constant 0 : i32
      %dma_start3A_86 = arith.constant 0 : i32
      %dma_start3A_87 = tpu.memref_slice %arg13[%dma_start3A, %dma_start3A_86] : memref<10240x128xf32, #tpu.memory_space<vmem_shared>> -> memref<10240x128xf32, #tpu.memory_space<vmem_shared>>
      tpu.enqueue_indirect_dma source(%arg12 : memref<96x128xf32, #tpu.memory_space<vmem>>) target(%dma_start3A_87 : memref<10240x128xf32, #tpu.memory_space<vmem_shared>>) offsets(%arg7 : memref<96xi32, #tpu.memory_space<vmem>>) semaphore(%arg14 : memref<!tpu.dma_semaphore, #tpu.memory_space<semaphore_mem>>) {add = true}
      %add3A_88 = arith.constant 1 : i32
      %add3A_89 = arith.addi %mul3A_27, %add3A_88 : i32
      %mul3A_90 = arith.constant 96 : i32
      %mul3A_91 = arith.muli %add3A_89, %mul3A_90 : i32
      %add3A_92 = arith.constant 0 : i32
      %add3A_93 = arith.addi %mul3A_91, %add3A_92 : i32
      %get3A_94 = arith.index_cast %add3A_93 : i32 to index
      %get3A_95 = tpu.vector_load %arg6[%get3A_94] {strides = array<i32>} : memref<10000xi32, #tpu.memory_space<vmem>>, vector<16xi32>,
      %get3A_96 = vector.shape_cast %get3A_95 : vector<16xi32> to vector<16xi32>
      %swap3A_97 = arith.constant 0 : index
      %swap3A_98 = tpu.vector_load %arg8[%swap3A_97] {strides = array<i32>} : memref<96xi32, #tpu.memory_space<vmem>>, vector<16xi32>,
      %swap3A_99 = vector.shape_cast %swap3A_98 : vector<16xi32> to vector<16xi32>
      %swap3A_100 = vector.shape_cast %get3A_96 : vector<16xi32> to vector<16xi32>
      tpu.vector_store %arg8[%swap3A_97], %swap3A_100 {strides = array<i32>} : memref<96xi32, #tpu.memory_space<vmem>>, vector<16xi32>,
      %add3A_101 = arith.constant 16 : i32
      %add3A_102 = arith.addi %mul3A_91, %add3A_101 : i32
      %get3A_103 = arith.index_cast %add3A_102 : i32 to index
      %get3A_104 = tpu.vector_load %arg6[%get3A_103] {strides = array<i32>} : memref<10000xi32, #tpu.memory_space<vmem>>, vector<16xi32>,
      %get3A_105 = vector.shape_cast %get3A_104 : vector<16xi32> to vector<16xi32>
      %swap3A_106 = arith.constant 16 : index
      %swap3A_107 = tpu.vector_load %arg8[%swap3A_106] {strides = array<i32>} : memref<96xi32, #tpu.memory_space<vmem>>, vector<16xi32>,
      %swap3A_108 = vector.shape_cast %swap3A_107 : vector<16xi32> to vector<16xi32>
      %swap3A_109 = vector.shape_cast %get3A_105 : vector<16xi32> to vector<16xi32>
      tpu.vector_store %arg8[%swap3A_106], %swap3A_109 {strides = array<i32>} : memref<96xi32, #tpu.memory_space<vmem>>, vector<16xi32>,
      %add3A_110 = arith.constant 32 : i32
      %add3A_111 = arith.addi %mul3A_91, %add3A_110 : i32
      %get3A_112 = arith.index_cast %add3A_111 : i32 to index
      %get3A_113 = tpu.vector_load %arg6[%get3A_112] {strides = array<i32>} : memref<10000xi32, #tpu.memory_space<vmem>>, vector<16xi32>,
      %get3A_114 = vector.shape_cast %get3A_113 : vector<16xi32> to vector<16xi32>
      %swap3A_115 = arith.constant 32 : index
      %swap3A_116 = tpu.vector_load %arg8[%swap3A_115] {strides = array<i32>} : memref<96xi32, #tpu.memory_space<vmem>>, vector<16xi32>,
      %swap3A_117 = vector.shape_cast %swap3A_116 : vector<16xi32> to vector<16xi32>
      %swap3A_118 = vector.shape_cast %get3A_114 : vector<16xi32> to vector<16xi32>
      tpu.vector_store %arg8[%swap3A_115], %swap3A_118 {strides = array<i32>} : memref<96xi32, #tpu.memory_space<vmem>>, vector<16xi32>,
      %add3A_119 = arith.constant 48 : i32
      %add3A_120 = arith.addi %mul3A_91, %add3A_119 : i32
      %get3A_121 = arith.index_cast %add3A_120 : i32 to index
      %get3A_122 = tpu.vector_load %arg6[%get3A_121] {strides = array<i32>} : memref<10000xi32, #tpu.memory_space<vmem>>, vector<16xi32>,
      %get3A_123 = vector.shape_cast %get3A_122 : vector<16xi32> to vector<16xi32>
      %swap3A_124 = arith.constant 48 : index
      %swap3A_125 = tpu.vector_load %arg8[%swap3A_124] {strides = array<i32>} : memref<96xi32, #tpu.memory_space<vmem>>, vector<16xi32>,
      %swap3A_126 = vector.shape_cast %swap3A_125 : vector<16xi32> to vector<16xi32>
      %swap3A_127 = vector.shape_cast %get3A_123 : vector<16xi32> to vector<16xi32>
      tpu.vector_store %arg8[%swap3A_124], %swap3A_127 {strides = array<i32>} : memref<96xi32, #tpu.memory_space<vmem>>, vector<16xi32>,
      %add3A_128 = arith.constant 64 : i32
      %add3A_129 = arith.addi %mul3A_91, %add3A_128 : i32
      %get3A_130 = arith.index_cast %add3A_129 : i32 to index
      %get3A_131 = tpu.vector_load %arg6[%get3A_130] {strides = array<i32>} : memref<10000xi32, #tpu.memory_space<vmem>>, vector<16xi32>,
      %get3A_132 = vector.shape_cast %get3A_131 : vector<16xi32> to vector<16xi32>
      %swap3A_133 = arith.constant 64 : index
      %swap3A_134 = tpu.vector_load %arg8[%swap3A_133] {strides = array<i32>} : memref<96xi32, #tpu.memory_space<vmem>>, vector<16xi32>,
      %swap3A_135 = vector.shape_cast %swap3A_134 : vector<16xi32> to vector<16xi32>
      %swap3A_136 = vector.shape_cast %get3A_132 : vector<16xi32> to vector<16xi32>
      tpu.vector_store %arg8[%swap3A_133], %swap3A_136 {strides = array<i32>} : memref<96xi32, #tpu.memory_space<vmem>>, vector<16xi32>,
      %add3A_137 = arith.constant 80 : i32
      %add3A_138 = arith.addi %mul3A_91, %add3A_137 : i32
      %get3A_139 = arith.index_cast %add3A_138 : i32 to index
      %get3A_140 = tpu.vector_load %arg6[%get3A_139] {strides = array<i32>} : memref<10000xi32, #tpu.memory_space<vmem>>, vector<16xi32>,
      %get3A_141 = vector.shape_cast %get3A_140 : vector<16xi32> to vector<16xi32>
      %swap3A_142 = arith.constant 80 : index
      %swap3A_143 = tpu.vector_load %arg8[%swap3A_142] {strides = array<i32>} : memref<96xi32, #tpu.memory_space<vmem>>, vector<16xi32>,
      %swap3A_144 = vector.shape_cast %swap3A_143 : vector<16xi32> to vector<16xi32>
      %swap3A_145 = vector.shape_cast %get3A_141 : vector<16xi32> to vector<16xi32>
      tpu.vector_store %arg8[%swap3A_142], %swap3A_145 {strides = array<i32>} : memref<96xi32, #tpu.memory_space<vmem>>, vector<16xi32>,
      %dma_start3A_146 = arith.constant 0 : i32
      %dma_start3A_147 = arith.constant 0 : i32
      %dma_start3A_148 = tpu.memref_slice %arg13[%dma_start3A_146, %dma_start3A_147] : memref<10240x128xf32, #tpu.memory_space<vmem_shared>> -> memref<10240x128xf32, #tpu.memory_space<vmem_shared>>
      tpu.enqueue_indirect_dma source(%arg12 : memref<96x128xf32, #tpu.memory_space<vmem>>) target(%dma_start3A_148 : memref<10240x128xf32, #tpu.memory_space<vmem_shared>>) offsets(%arg8 : memref<96xi32, #tpu.memory_space<vmem>>) semaphore(%arg14 : memref<!tpu.dma_semaphore, #tpu.memory_space<semaphore_mem>>) {add = true}
      %add3A_149 = arith.constant 2 : i32
      %add3A_150 = arith.addi %mul3A_27, %add3A_149 : i32
      %mul3A_151 = arith.constant 96 : i32
      %mul3A_152 = arith.muli %add3A_150, %mul3A_151 : i32
      %add3A_153 = arith.constant 0 : i32
      %add3A_154 = arith.addi %mul3A_152, %add3A_153 : i32
      %get3A_155 = arith.index_cast %add3A_154 : i32 to index
      %get3A_156 = tpu.vector_load %arg6[%get3A_155] {strides = array<i32>} : memref<10000xi32, #tpu.memory_space<vmem>>, vector<16xi32>,
      %get3A_157 = vector.shape_cast %get3A_156 : vector<16xi32> to vector<16xi32>
      %swap3A_158 = arith.constant 0 : index
      %swap3A_159 = tpu.vector_load %arg9[%swap3A_158] {strides = array<i32>} : memref<96xi32, #tpu.memory_space<vmem>>, vector<16xi32>,
      %swap3A_160 = vector.shape_cast %swap3A_159 : vector<16xi32> to vector<16xi32>
      %swap3A_161 = vector.shape_cast %get3A_157 : vector<16xi32> to vector<16xi32>
      tpu.vector_store %arg9[%swap3A_158], %swap3A_161 {strides = array<i32>} : memref<96xi32, #tpu.memory_space<vmem>>, vector<16xi32>,
      %add3A_162 = arith.constant 16 : i32
      %add3A_163 = arith.addi %mul3A_152, %add3A_162 : i32
      %get3A_164 = arith.index_cast %add3A_163 : i32 to index
      %get3A_165 = tpu.vector_load %arg6[%get3A_164] {strides = array<i32>} : memref<10000xi32, #tpu.memory_space<vmem>>, vector<16xi32>,
      %get3A_166 = vector.shape_cast %get3A_165 : vector<16xi32> to vector<16xi32>
      %swap3A_167 = arith.constant 16 : index
      %swap3A_168 = tpu.vector_load %arg9[%swap3A_167] {strides = array<i32>} : memref<96xi32, #tpu.memory_space<vmem>>, vector<16xi32>,
      %swap3A_169 = vector.shape_cast %swap3A_168 : vector<16xi32> to vector<16xi32>
      %swap3A_170 = vector.shape_cast %get3A_166 : vector<16xi32> to vector<16xi32>
      tpu.vector_store %arg9[%swap3A_167], %swap3A_170 {strides = array<i32>} : memref<96xi32, #tpu.memory_space<vmem>>, vector<16xi32>,
      %add3A_171 = arith.constant 32 : i32
      %add3A_172 = arith.addi %mul3A_152, %add3A_171 : i32
      %get3A_173 = arith.index_cast %add3A_172 : i32 to index
      %get3A_174 = tpu.vector_load %arg6[%get3A_173] {strides = array<i32>} : memref<10000xi32, #tpu.memory_space<vmem>>, vector<16xi32>,
      %get3A_175 = vector.shape_cast %get3A_174 : vector<16xi32> to vector<16xi32>
      %swap3A_176 = arith.constant 32 : index
      %swap3A_177 = tpu.vector_load %arg9[%swap3A_176] {strides = array<i32>} : memref<96xi32, #tpu.memory_space<vmem>>, vector<16xi32>,
      %swap3A_178 = vector.shape_cast %swap3A_177 : vector<16xi32> to vector<16xi32>
      %swap3A_179 = vector.shape_cast %get3A_175 : vector<16xi32> to vector<16xi32>
      tpu.vector_store %arg9[%swap3A_176], %swap3A_179 {strides = array<i32>} : memref<96xi32, #tpu.memory_space<vmem>>, vector<16xi32>,
      %add3A_180 = arith.constant 48 : i32
      %add3A_181 = arith.addi %mul3A_152, %add3A_180 : i32
      %get3A_182 = arith.index_cast %add3A_181 : i32 to index
      %get3A_183 = tpu.vector_load %arg6[%get3A_182] {strides = array<i32>} : memref<10000xi32, #tpu.memory_space<vmem>>, vector<16xi32>,
      %get3A_184 = vector.shape_cast %get3A_183 : vector<16xi32> to vector<16xi32>
      %swap3A_185 = arith.constant 48 : index
      %swap3A_186 = tpu.vector_load %arg9[%swap3A_185] {strides = array<i32>} : memref<96xi32, #tpu.memory_space<vmem>>, vector<16xi32>,
      %swap3A_187 = vector.shape_cast %swap3A_186 : vector<16xi32> to vector<16xi32>
      %swap3A_188 = vector.shape_cast %get3A_184 : vector<16xi32> to vector<16xi32>
      tpu.vector_store %arg9[%swap3A_185], %swap3A_188 {strides = array<i32>} : memref<96xi32, #tpu.memory_space<vmem>>, vector<16xi32>,
      %add3A_189 = arith.constant 64 : i32
      %add3A_190 = arith.addi %mul3A_152, %add3A_189 : i32
      %get3A_191 = arith.index_cast %add3A_190 : i32 to index
      %get3A_192 = tpu.vector_load %arg6[%get3A_191] {strides = array<i32>} : memref<10000xi32, #tpu.memory_space<vmem>>, vector<16xi32>,
      %get3A_193 = vector.shape_cast %get3A_192 : vector<16xi32> to vector<16xi32>
      %swap3A_194 = arith.constant 64 : index
      %swap3A_195 = tpu.vector_load %arg9[%swap3A_194] {strides = array<i32>} : memref<96xi32, #tpu.memory_space<vmem>>, vector<16xi32>,
      %swap3A_196 = vector.shape_cast %swap3A_195 : vector<16xi32> to vector<16xi32>
      %swap3A_197 = vector.shape_cast %get3A_193 : vector<16xi32> to vector<16xi32>
      tpu.vector_store %arg9[%swap3A_194], %swap3A_197 {strides = array<i32>} : memref<96xi32, #tpu.memory_space<vmem>>, vector<16xi32>,
      %add3A_198 = arith.constant 80 : i32
      %add3A_199 = arith.addi %mul3A_152, %add3A_198 : i32
      %get3A_200 = arith.index_cast %add3A_199 : i32 to index
      %get3A_201 = tpu.vector_load %arg6[%get3A_200] {strides = array<i32>} : memref<10000xi32, #tpu.memory_space<vmem>>, vector<16xi32>,
      %get3A_202 = vector.shape_cast %get3A_201 : vector<16xi32> to vector<16xi32>
      %swap3A_203 = arith.constant 80 : index
      %swap3A_204 = tpu.vector_load %arg9[%swap3A_203] {strides = array<i32>} : memref<96xi32, #tpu.memory_space<vmem>>, vector<16xi32>,
      %swap3A_205 = vector.shape_cast %swap3A_204 : vector<16xi32> to vector<16xi32>
      %swap3A_206 = vector.shape_cast %get3A_202 : vector<16xi32> to vector<16xi32>
      tpu.vector_store %arg9[%swap3A_203], %swap3A_206 {strides = array<i32>} : memref<96xi32, #tpu.memory_space<vmem>>, vector<16xi32>,
      %dma_start3A_207 = arith.constant 0 : i32
      %dma_start3A_208 = arith.constant 0 : i32
      %dma_start3A_209 = tpu.memref_slice %arg13[%dma_start3A_207, %dma_start3A_208] : memref<10240x128xf32, #tpu.memory_space<vmem_shared>> -> memref<10240x128xf32, #tpu.memory_space<vmem_shared>>
      tpu.enqueue_indirect_dma source(%arg12 : memref<96x128xf32, #tpu.memory_space<vmem>>) target(%dma_start3A_209 : memref<10240x128xf32, #tpu.memory_space<vmem_shared>>) offsets(%arg9 : memref<96xi32, #tpu.memory_space<vmem>>) semaphore(%arg14 : memref<!tpu.dma_semaphore, #tpu.memory_space<semaphore_mem>>) {add = true}
      %add3A_210 = arith.constant 3 : i32
      %add3A_211 = arith.addi %mul3A_27, %add3A_210 : i32
      %mul3A_212 = arith.constant 96 : i32
      %mul3A_213 = arith.muli %add3A_211, %mul3A_212 : i32
      %add3A_214 = arith.constant 0 : i32
      %add3A_215 = arith.addi %mul3A_213, %add3A_214 : i32
      %get3A_216 = arith.index_cast %add3A_215 : i32 to index
      %get3A_217 = tpu.vector_load %arg6[%get3A_216] {strides = array<i32>} : memref<10000xi32, #tpu.memory_space<vmem>>, vector<16xi32>,
      %get3A_218 = vector.shape_cast %get3A_217 : vector<16xi32> to vector<16xi32>
      %swap3A_219 = arith.constant 0 : index
      %swap3A_220 = tpu.vector_load %arg10[%swap3A_219] {strides = array<i32>} : memref<96xi32, #tpu.memory_space<vmem>>, vector<16xi32>,
      %swap3A_221 = vector.shape_cast %swap3A_220 : vector<16xi32> to vector<16xi32>
      %swap3A_222 = vector.shape_cast %get3A_218 : vector<16xi32> to vector<16xi32>
      tpu.vector_store %arg10[%swap3A_219], %swap3A_222 {strides = array<i32>} : memref<96xi32, #tpu.memory_space<vmem>>, vector<16xi32>,
      %add3A_223 = arith.constant 16 : i32
      %add3A_224 = arith.addi %mul3A_213, %add3A_223 : i32
      %get3A_225 = arith.index_cast %add3A_224 : i32 to index
      %get3A_226 = tpu.vector_load %arg6[%get3A_225] {strides = array<i32>} : memref<10000xi32, #tpu.memory_space<vmem>>, vector<16xi32>,
      %get3A_227 = vector.shape_cast %get3A_226 : vector<16xi32> to vector<16xi32>
      %swap3A_228 = arith.constant 16 : index
      %swap3A_229 = tpu.vector_load %arg10[%swap3A_228] {strides = array<i32>} : memref<96xi32, #tpu.memory_space<vmem>>, vector<16xi32>,
      %swap3A_230 = vector.shape_cast %swap3A_229 : vector<16xi32> to vector<16xi32>
      %swap3A_231 = vector.shape_cast %get3A_227 : vector<16xi32> to vector<16xi32>
      tpu.vector_store %arg10[%swap3A_228], %swap3A_231 {strides = array<i32>} : memref<96xi32, #tpu.memory_space<vmem>>, vector<16xi32>,
      %add3A_232 = arith.constant 32 : i32
      %add3A_233 = arith.addi %mul3A_213, %add3A_232 : i32
      %get3A_234 = arith.index_cast %add3A_233 : i32 to index
      %get3A_235 = tpu.vector_load %arg6[%get3A_234] {strides = array<i32>} : memref<10000xi32, #tpu.memory_space<vmem>>, vector<16xi32>,
      %get3A_236 = vector.shape_cast %get3A_235 : vector<16xi32> to vector<16xi32>
      %swap3A_237 = arith.constant 32 : index
      %swap3A_238 = tpu.vector_load %arg10[%swap3A_237] {strides = array<i32>} : memref<96xi32, #tpu.memory_space<vmem>>, vector<16xi32>,
      %swap3A_239 = vector.shape_cast %swap3A_238 : vector<16xi32> to vector<16xi32>
      %swap3A_240 = vector.shape_cast %get3A_236 : vector<16xi32> to vector<16xi32>
      tpu.vector_store %arg10[%swap3A_237], %swap3A_240 {strides = array<i32>} : memref<96xi32, #tpu.memory_space<vmem>>, vector<16xi32>,
      %add3A_241 = arith.constant 48 : i32
      %add3A_242 = arith.addi %mul3A_213, %add3A_241 : i32
      %get3A_243 = arith.index_cast %add3A_242 : i32 to index
      %get3A_244 = tpu.vector_load %arg6[%get3A_243] {strides = array<i32>} : memref<10000xi32, #tpu.memory_space<vmem>>, vector<16xi32>,
      %get3A_245 = vector.shape_cast %get3A_244 : vector<16xi32> to vector<16xi32>
      %swap3A_246 = arith.constant 48 : index
      %swap3A_247 = tpu.vector_load %arg10[%swap3A_246] {strides = array<i32>} : memref<96xi32, #tpu.memory_space<vmem>>, vector<16xi32>,
      %swap3A_248 = vector.shape_cast %swap3A_247 : vector<16xi32> to vector<16xi32>
      %swap3A_249 = vector.shape_cast %get3A_245 : vector<16xi32> to vector<16xi32>
      tpu.vector_store %arg10[%swap3A_246], %swap3A_249 {strides = array<i32>} : memref<96xi32, #tpu.memory_space<vmem>>, vector<16xi32>,
      %add3A_250 = arith.constant 64 : i32
      %add3A_251 = arith.addi %mul3A_213, %add3A_250 : i32
      %get3A_252 = arith.index_cast %add3A_251 : i32 to index
      %get3A_253 = tpu.vector_load %arg6[%get3A_252] {strides = array<i32>} : memref<10000xi32, #tpu.memory_space<vmem>>, vector<16xi32>,
      %get3A_254 = vector.shape_cast %get3A_253 : vector<16xi32> to vector<16xi32>
      %swap3A_255 = arith.constant 64 : index
      %swap3A_256 = tpu.vector_load %arg10[%swap3A_255] {strides = array<i32>} : memref<96xi32, #tpu.memory_space<vmem>>, vector<16xi32>,
      %swap3A_257 = vector.shape_cast %swap3A_256 : vector<16xi32> to vector<16xi32>
      %swap3A_258 = vector.shape_cast %get3A_254 : vector<16xi32> to vector<16xi32>
      tpu.vector_store %arg10[%swap3A_255], %swap3A_258 {strides = array<i32>} : memref<96xi32, #tpu.memory_space<vmem>>, vector<16xi32>,
      %add3A_259 = arith.constant 80 : i32
      %add3A_260 = arith.addi %mul3A_213, %add3A_259 : i32
      %get3A_261 = arith.index_cast %add3A_260 : i32 to index
      %get3A_262 = tpu.vector_load %arg6[%get3A_261] {strides = array<i32>} : memref<10000xi32, #tpu.memory_space<vmem>>, vector<16xi32>,
      %get3A_263 = vector.shape_cast %get3A_262 : vector<16xi32> to vector<16xi32>
      %swap3A_264 = arith.constant 80 : index
      %swap3A_265 = tpu.vector_load %arg10[%swap3A_264] {strides = array<i32>} : memref<96xi32, #tpu.memory_space<vmem>>, vector<16xi32>,
      %swap3A_266 = vector.shape_cast %swap3A_265 : vector<16xi32> to vector<16xi32>
      %swap3A_267 = vector.shape_cast %get3A_263 : vector<16xi32> to vector<16xi32>
      tpu.vector_store %arg10[%swap3A_264], %swap3A_267 {strides = array<i32>} : memref<96xi32, #tpu.memory_space<vmem>>, vector<16xi32>,
      %dma_start3A_268 = arith.constant 0 : i32
      %dma_start3A_269 = arith.constant 0 : i32
      %dma_start3A_270 = tpu.memref_slice %arg13[%dma_start3A_268, %dma_start3A_269] : memref<10240x128xf32, #tpu.memory_space<vmem_shared>> -> memref<10240x128xf32, #tpu.memory_space<vmem_shared>>
      tpu.enqueue_indirect_dma source(%arg12 : memref<96x128xf32, #tpu.memory_space<vmem>>) target(%dma_start3A_270 : memref<10240x128xf32, #tpu.memory_space<vmem_shared>>) offsets(%arg10 : memref<96xi32, #tpu.memory_space<vmem>>) semaphore(%arg14 : memref<!tpu.dma_semaphore, #tpu.memory_space<semaphore_mem>>) {add = true}
      %dma_wait3A = arith.constant 0 : i32
      %dma_wait3A_271 = arith.constant 0 : i32
      %dma_wait3A_272 = tpu.memref_slice %arg13[%dma_wait3A, %dma_wait3A_271] : memref<10240x128xf32, #tpu.memory_space<vmem_shared>> -> memref<10240x128xf32, #tpu.memory_space<vmem_shared>>
      tpu.wait_indirect_dma semaphore(%arg14 : memref<!tpu.dma_semaphore, #tpu.memory_space<semaphore_mem>>) src(%arg12 : memref<96x128xf32, #tpu.memory_space<vmem>>) dst(%dma_wait3A_272 : memref<10240x128xf32, #tpu.memory_space<vmem_shared>>)
      %dma_wait3A_273 = arith.constant 0 : i32
      %dma_wait3A_274 = arith.constant 0 : i32
      %dma_wait3A_275 = tpu.memref_slice %arg13[%dma_wait3A_273, %dma_wait3A_274] : memref<10240x128xf32, #tpu.memory_space<vmem_shared>> -> memref<10240x128xf32, #tpu.memory_space<vmem_shared>>
      tpu.wait_indirect_dma semaphore(%arg14 : memref<!tpu.dma_semaphore, #tpu.memory_space<semaphore_mem>>) src(%arg12 : memref<96x128xf32, #tpu.memory_space<vmem>>) dst(%dma_wait3A_275 : memref<10240x128xf32, #tpu.memory_space<vmem_shared>>)
      %dma_wait3A_276 = arith.constant 0 : i32
      %dma_wait3A_277 = arith.constant 0 : i32
      %dma_wait3A_278 = tpu.memref_slice %arg13[%dma_wait3A_276, %dma_wait3A_277] : memref<10240x128xf32, #tpu.memory_space<vmem_shared>> -> memref<10240x128xf32, #tpu.memory_space<vmem_shared>>
      tpu.wait_indirect_dma semaphore(%arg14 : memref<!tpu.dma_semaphore, #tpu.memory_space<semaphore_mem>>) src(%arg12 : memref<96x128xf32, #tpu.memory_space<vmem>>) dst(%dma_wait3A_278 : memref<10240x128xf32, #tpu.memory_space<vmem_shared>>)
      %dma_wait3A_279 = arith.constant 0 : i32
      %dma_wait3A_280 = arith.constant 0 : i32
      %dma_wait3A_281 = tpu.memref_slice %arg13[%dma_wait3A_279, %dma_wait3A_280] : memref<10240x128xf32, #tpu.memory_space<vmem_shared>> -> memref<10240x128xf32, #tpu.memory_space<vmem_shared>>
      tpu.wait_indirect_dma semaphore(%arg14 : memref<!tpu.dma_semaphore, #tpu.memory_space<semaphore_mem>>) src(%arg12 : memref<96x128xf32, #tpu.memory_space<vmem>>) dst(%dma_wait3A_281 : memref<10240x128xf32, #tpu.memory_space<vmem_shared>>)
    }
    %scan3A_11 = arith.constant 26 : i32
    %get3A = arith.constant 9984 : index
    %get3A_12 = tpu.vector_load %arg6[%get3A] {strides = array<i32>} : memref<10000xi32, #tpu.memory_space<vmem>>, vector<16xi32>,
    %get3A_13 = vector.shape_cast %get3A_12 : vector<16xi32> to vector<16xi32>
    %swap3A = arith.constant 0 : index
    %swap3A_14 = tpu.vector_load %arg11[%swap3A] {strides = array<i32>} : memref<16xi32, #tpu.memory_space<vmem>>, vector<16xi32>,
    %swap3A_15 = vector.shape_cast %swap3A_14 : vector<16xi32> to vector<16xi32>
    %swap3A_16 = vector.shape_cast %get3A_13 : vector<16xi32> to vector<16xi32>
    tpu.vector_store %arg11[%swap3A], %swap3A_16 {strides = array<i32>} : memref<16xi32, #tpu.memory_space<vmem>>, vector<16xi32>,
    "tpu.region"() ({
      %run_scoped3A = tpu.sem_alloc : memref<!tpu.dma_semaphore, #tpu.memory_space<semaphore_mem>>
      %dma_start3A = arith.constant 0 : i32
      %dma_start3A_25 = arith.constant 0 : i32
      %dma_start3A_26 = tpu.memref_slice %arg12[%dma_start3A, %dma_start3A_25] : memref<96x128xf32, #tpu.memory_space<vmem>> -> memref<16x128xf32, #tpu.memory_space<vmem>>
      %dma_start3A_27 = arith.constant 0 : i32
      %dma_start3A_28 = arith.constant 0 : i32
      %dma_start3A_29 = tpu.memref_slice %arg13[%dma_start3A_27, %dma_start3A_28] : memref<10240x128xf32, #tpu.memory_space<vmem_shared>> -> memref<10240x128xf32, #tpu.memory_space<vmem_shared>>
      tpu.enqueue_indirect_dma source(%dma_start3A_26 : memref<16x128xf32, #tpu.memory_space<vmem>>) target(%dma_start3A_29 : memref<10240x128xf32, #tpu.memory_space<vmem_shared>>) offsets(%arg11 : memref<16xi32, #tpu.memory_space<vmem>>) semaphore(%run_scoped3A : memref<!tpu.dma_semaphore, #tpu.memory_space<semaphore_mem>>) {add = true}
      %dma_wait3A = arith.constant 0 : i32
      %dma_wait3A_30 = arith.constant 0 : i32
      %dma_wait3A_31 = tpu.memref_slice %arg12[%dma_wait3A, %dma_wait3A_30] : memref<96x128xf32, #tpu.memory_space<vmem>> -> memref<16x128xf32, #tpu.memory_space<vmem>>
      %dma_wait3A_32 = arith.constant 0 : i32
      %dma_wait3A_33 = arith.constant 0 : i32
      %dma_wait3A_34 = tpu.memref_slice %arg13[%dma_wait3A_32, %dma_wait3A_33] : memref<10240x128xf32, #tpu.memory_space<vmem_shared>> -> memref<10240x128xf32, #tpu.memory_space<vmem_shared>>
      tpu.wait_indirect_dma semaphore(%run_scoped3A : memref<!tpu.dma_semaphore, #tpu.memory_space<semaphore_mem>>) src(%dma_wait3A_31 : memref<16x128xf32, #tpu.memory_space<vmem>>) dst(%dma_wait3A_34 : memref<10240x128xf32, #tpu.memory_space<vmem_shared>>)
      tpu.yield
    }) : () -> ()
    %barrier3A_17 = arith.constant 0 : index
    tpu.barrier barrier_id(%barrier3A_17)
    %mul3A_18 = arith.constant 640 : i32
    %mul3A_19 = arith.muli %arg1, %mul3A_18 : i32
    %mul3A_20 = arith.constant 10240 : i32
    %mul3A_21 = arith.muli %arg0, %mul3A_20 : i32
    %mul3A_22 = arith.constant 640 : i32
    %mul3A_23 = arith.muli %arg1, %mul3A_22 : i32
    %add3A_24 = arith.addi %mul3A_21, %mul3A_23 : i32
    "tpu.region"() ({
      %run_scoped3A = tpu.sem_alloc : memref<!tpu.dma_semaphore, #tpu.memory_space<semaphore_mem>>
      %dma_start3A = arith.constant 0 : i32
      %dma_start3A_25 = tpu.memref_slice %arg5[%add3A_24, %dma_start3A] : memref<20480x128xf32, #tpu.memory_space<hbm>> -> memref<640x128xf32, #tpu.memory_space<hbm>>
      %dma_start3A_26 = arith.constant 0 : i32
      %dma_start3A_27 = tpu.memref_slice %arg13[%mul3A_19, %dma_start3A_26] : memref<10240x128xf32, #tpu.memory_space<vmem_shared>> -> memref<640x128xf32, #tpu.memory_space<vmem_shared>>
      tpu.enqueue_dma source(%dma_start3A_27 : memref<640x128xf32, #tpu.memory_space<vmem_shared>>) target(%dma_start3A_25 : memref<640x128xf32, #tpu.memory_space<hbm>>) target_semaphore(%run_scoped3A : memref<!tpu.dma_semaphore, #tpu.memory_space<semaphore_mem>>)
      %dma_wait3A = arith.constant 0 : i32
      %dma_wait3A_28 = tpu.memref_slice %arg5[%add3A_24, %dma_wait3A] : memref<20480x128xf32, #tpu.memory_space<hbm>> -> memref<640x128xf32, #tpu.memory_space<hbm>>
      %dma_wait3A_29 = arith.constant 0 : i32
      %dma_wait3A_30 = tpu.memref_slice %arg13[%mul3A_19, %dma_wait3A_29] : memref<10240x128xf32, #tpu.memory_space<vmem_shared>> -> memref<640x128xf32, #tpu.memory_space<vmem_shared>>
      tpu.wait_dma2 semaphore(%run_scoped3A : memref<!tpu.dma_semaphore, #tpu.memory_space<semaphore_mem>>) src(%dma_wait3A_30 : memref<640x128xf32, #tpu.memory_space<vmem_shared>>) dst(%dma_wait3A_28 : memref<640x128xf32, #tpu.memory_space<hbm>>)
      tpu.yield
    }) : () -> ()
    return
  }
}

#map = affine_map<(d0, d1) -> (0, 0)>
#map1 = affine_map<(d0, d1) -> (0)>
module attributes {stable_mosaic.version = 14 : i64} {
  func.func @_sc_mp(%arg0: i32, %arg1: i32, %arg2: memref<10000x128xf32, #tpu.memory_space<hbm>>, %arg3: memref<320000xi32, #tpu.memory_space<hbm>>, %arg4: memref<320000xi32, #tpu.memory_space<hbm>>, %arg5: memref<10240x128xf32, #tpu.memory_space<hbm>>, %arg6: memref<20480x128xf32, #tpu.memory_space<hbm>>, %arg7: memref<10000xi32, #tpu.memory_space<vmem>>, %arg8: memref<10000xi32, #tpu.memory_space<vmem>>, %arg9: memref<96xi32, #tpu.memory_space<vmem>>, %arg10: memref<16xi32, #tpu.memory_space<vmem>>, %arg11: memref<96x128xf32, #tpu.memory_space<vmem>>, %arg12: memref<96x128xf32, #tpu.memory_space<vmem>>, %arg13: memref<10240x128xf32, #tpu.memory_space<vmem_shared>>, %arg14: memref<!tpu.dma_semaphore, #tpu.memory_space<semaphore_mem>>, %arg15: memref<!tpu.dma_semaphore, #tpu.memory_space<semaphore_mem>>) attributes {dimension_semantics = [#tpu.dimension_semantics<core_parallel>, #tpu.dimension_semantics<subcore_parallel>], iteration_bounds = array<i64: 2, 16>, scalar_prefetch = 0 : i64, scratch_operands = 9 : i64, tpu.core_type = #tpu.core_type<sc_vector_subcore>, window_params = [{transform_indices = #map}, {transform_indices = #map1}, {transform_indices = #map1}, {transform_indices = #map}, {transform_indices = #map}]} {
    %mul3A = arith.constant 160000 : i32
    %mul3A_0 = arith.muli %arg0, %mul3A : i32
    %mul3A_1 = arith.constant 10000 : i32
    %mul3A_2 = arith.muli %arg1, %mul3A_1 : i32
    %add3A = arith.addi %mul3A_0, %mul3A_2 : i32
    "tpu.region"() ({
      %run_scoped3A = tpu.sem_alloc : memref<!tpu.dma_semaphore, #tpu.memory_space<semaphore_mem>>
      %dma_start3A_143 = tpu.memref_slice %arg3[%add3A] : memref<320000xi32, #tpu.memory_space<hbm>> -> memref<10000xi32, #tpu.memory_space<hbm>>
      %dma_start3A_144 = tpu.memref_slice %arg3[%add3A] : memref<320000xi32, #tpu.memory_space<hbm>> -> memref<10000xi32, #tpu.memory_space<hbm>>
      tpu.enqueue_dma source(%dma_start3A_144 : memref<10000xi32, #tpu.memory_space<hbm>>) target(%arg7 : memref<10000xi32, #tpu.memory_space<vmem>>) target_semaphore(%run_scoped3A : memref<!tpu.dma_semaphore, #tpu.memory_space<semaphore_mem>>)
      %dma_wait3A_145 = tpu.memref_slice %arg3[%add3A] : memref<320000xi32, #tpu.memory_space<hbm>> -> memref<10000xi32, #tpu.memory_space<hbm>>
      %dma_wait3A_146 = tpu.memref_slice %arg3[%add3A] : memref<320000xi32, #tpu.memory_space<hbm>> -> memref<10000xi32, #tpu.memory_space<hbm>>
      tpu.wait_dma2 semaphore(%run_scoped3A : memref<!tpu.dma_semaphore, #tpu.memory_space<semaphore_mem>>) src(%dma_wait3A_146 : memref<10000xi32, #tpu.memory_space<hbm>>) dst(%arg7 : memref<10000xi32, #tpu.memory_space<vmem>>)
      tpu.yield
    }) : () -> ()
    "tpu.region"() ({
      %run_scoped3A = tpu.sem_alloc : memref<!tpu.dma_semaphore, #tpu.memory_space<semaphore_mem>>
      %dma_start3A_143 = tpu.memref_slice %arg4[%add3A] : memref<320000xi32, #tpu.memory_space<hbm>> -> memref<10000xi32, #tpu.memory_space<hbm>>
      %dma_start3A_144 = tpu.memref_slice %arg4[%add3A] : memref<320000xi32, #tpu.memory_space<hbm>> -> memref<10000xi32, #tpu.memory_space<hbm>>
      tpu.enqueue_dma source(%dma_start3A_144 : memref<10000xi32, #tpu.memory_space<hbm>>) target(%arg8 : memref<10000xi32, #tpu.memory_space<vmem>>) target_semaphore(%run_scoped3A : memref<!tpu.dma_semaphore, #tpu.memory_space<semaphore_mem>>)
      %dma_wait3A_145 = tpu.memref_slice %arg4[%add3A] : memref<320000xi32, #tpu.memory_space<hbm>> -> memref<10000xi32, #tpu.memory_space<hbm>>
      %dma_wait3A_146 = tpu.memref_slice %arg4[%add3A] : memref<320000xi32, #tpu.memory_space<hbm>> -> memref<10000xi32, #tpu.memory_space<hbm>>
      tpu.wait_dma2 semaphore(%run_scoped3A : memref<!tpu.dma_semaphore, #tpu.memory_space<semaphore_mem>>) src(%dma_wait3A_146 : memref<10000xi32, #tpu.memory_space<hbm>>) dst(%arg8 : memref<10000xi32, #tpu.memory_space<vmem>>)
      tpu.yield
    }) : () -> ()
    %mul3A_3 = arith.constant 640 : i32
    %mul3A_4 = arith.muli %arg1, %mul3A_3 : i32
    %mul3A_5 = arith.constant 640 : i32
    %mul3A_6 = arith.muli %arg1, %mul3A_5 : i32
    "tpu.region"() ({
      %run_scoped3A = tpu.sem_alloc : memref<!tpu.dma_semaphore, #tpu.memory_space<semaphore_mem>>
      %dma_start3A_143 = arith.constant 0 : i32
      %dma_start3A_144 = tpu.memref_slice %arg13[%mul3A_6, %dma_start3A_143] : memref<10240x128xf32, #tpu.memory_space<vmem_shared>> -> memref<640x128xf32, #tpu.memory_space<vmem_shared>>
      %dma_start3A_145 = arith.constant 0 : i32
      %dma_start3A_146 = tpu.memref_slice %arg5[%mul3A_4, %dma_start3A_145] : memref<10240x128xf32, #tpu.memory_space<hbm>> -> memref<640x128xf32, #tpu.memory_space<hbm>>
      tpu.enqueue_dma source(%dma_start3A_146 : memref<640x128xf32, #tpu.memory_space<hbm>>) target(%dma_start3A_144 : memref<640x128xf32, #tpu.memory_space<vmem_shared>>) target_semaphore(%run_scoped3A : memref<!tpu.dma_semaphore, #tpu.memory_space<semaphore_mem>>)
      %dma_wait3A_147 = arith.constant 0 : i32
      %dma_wait3A_148 = tpu.memref_slice %arg13[%mul3A_6, %dma_wait3A_147] : memref<10240x128xf32, #tpu.memory_space<vmem_shared>> -> memref<640x128xf32, #tpu.memory_space<vmem_shared>>
      %dma_wait3A_149 = arith.constant 0 : i32
      %dma_wait3A_150 = tpu.memref_slice %arg5[%mul3A_4, %dma_wait3A_149] : memref<10240x128xf32, #tpu.memory_space<hbm>> -> memref<640x128xf32, #tpu.memory_space<hbm>>
      tpu.wait_dma2 semaphore(%run_scoped3A : memref<!tpu.dma_semaphore, #tpu.memory_space<semaphore_mem>>) src(%dma_wait3A_150 : memref<640x128xf32, #tpu.memory_space<hbm>>) dst(%dma_wait3A_148 : memref<640x128xf32, #tpu.memory_space<vmem_shared>>)
      tpu.yield
    }) : () -> ()
    %barrier3A = arith.constant 0 : index
    tpu.barrier barrier_id(%barrier3A)
    %dma_start3A = arith.constant 0 : i32
    %dma_start3A_7 = tpu.memref_slice %arg7[%dma_start3A] : memref<10000xi32, #tpu.memory_space<vmem>> -> memref<96xi32, #tpu.memory_space<vmem>>
    %dma_start3A_8 = arith.constant 0 : i32
    %dma_start3A_9 = arith.constant 0 : i32
    %dma_start3A_10 = tpu.memref_slice %arg2[%dma_start3A_8, %dma_start3A_9] : memref<10000x128xf32, #tpu.memory_space<hbm>> -> memref<10000x128xf32, #tpu.memory_space<hbm>>
    tpu.enqueue_indirect_dma source(%dma_start3A_10 : memref<10000x128xf32, #tpu.memory_space<hbm>>) target(%arg11 : memref<96x128xf32, #tpu.memory_space<vmem>>) offsets(%dma_start3A_7 : memref<96xi32, #tpu.memory_space<vmem>>) semaphore(%arg14 : memref<!tpu.dma_semaphore, #tpu.memory_space<semaphore_mem>>)
    %dma_wait3A = arith.constant 0 : i32
    %dma_wait3A_11 = tpu.memref_slice %arg7[%dma_wait3A] : memref<10000xi32, #tpu.memory_space<vmem>> -> memref<96xi32, #tpu.memory_space<vmem>>
    %dma_wait3A_12 = arith.constant 0 : i32
    %dma_wait3A_13 = arith.constant 0 : i32
    %dma_wait3A_14 = tpu.memref_slice %arg2[%dma_wait3A_12, %dma_wait3A_13] : memref<10000x128xf32, #tpu.memory_space<hbm>> -> memref<10000x128xf32, #tpu.memory_space<hbm>>
    tpu.wait_indirect_dma semaphore(%arg14 : memref<!tpu.dma_semaphore, #tpu.memory_space<semaphore_mem>>) src(%dma_wait3A_14 : memref<10000x128xf32, #tpu.memory_space<hbm>>) dst(%arg11 : memref<96x128xf32, #tpu.memory_space<vmem>>)
    %scan3A = arith.constant 0 : i32
    %scan3A_15 = arith.constant 0 : i32
    %scan3A_16 = arith.constant 51 : i32
    %scan3A_17 = arith.addi %scan3A_15, %scan3A_16 : i32
    %scan3A_18 = arith.constant 1 : i32
    scf.for %scan3A_143 = %scan3A_15 to %scan3A_17 step %scan3A_18  : i32 {
      %mul3A_144 = arith.constant 2 : i32
      %mul3A_145 = arith.muli %mul3A_144, %scan3A_143 : i32
      %add3A_146 = arith.constant 1 : i32
      %add3A_147 = arith.addi %mul3A_145, %add3A_146 : i32
      %mul3A_148 = arith.constant 96 : i32
      %mul3A_149 = arith.muli %add3A_147, %mul3A_148 : i32
      %dma_start3A_150 = tpu.memref_slice %arg7[%mul3A_149] : memref<10000xi32, #tpu.memory_space<vmem>> -> memref<96xi32, #tpu.memory_space<vmem>>
      %dma_start3A_151 = arith.constant 0 : i32
      %dma_start3A_152 = arith.constant 0 : i32
      %dma_start3A_153 = tpu.memref_slice %arg2[%dma_start3A_151, %dma_start3A_152] : memref<10000x128xf32, #tpu.memory_space<hbm>> -> memref<10000x128xf32, #tpu.memory_space<hbm>>
      tpu.enqueue_indirect_dma source(%dma_start3A_153 : memref<10000x128xf32, #tpu.memory_space<hbm>>) target(%arg12 : memref<96x128xf32, #tpu.memory_space<vmem>>) offsets(%dma_start3A_150 : memref<96xi32, #tpu.memory_space<vmem>>) semaphore(%arg15 : memref<!tpu.dma_semaphore, #tpu.memory_space<semaphore_mem>>)
      %sub3A = arith.constant 1 : i32
      %sub3A_154 = arith.subi %add3A_147, %sub3A : i32
      %mul3A_155 = arith.constant 96 : i32
      %mul3A_156 = arith.muli %sub3A_154, %mul3A_155 : i32
      %add3A_157 = arith.constant 0 : i32
      %add3A_158 = arith.addi %mul3A_156, %add3A_157 : i32
      %get3A_159 = arith.index_cast %add3A_158 : i32 to index
      %get3A_160 = tpu.vector_load %arg8[%get3A_159] {strides = array<i32>} : memref<10000xi32, #tpu.memory_space<vmem>>, vector<16xi32>,
      %get3A_161 = vector.shape_cast %get3A_160 : vector<16xi32> to vector<16xi32>
      %swap3A_162 = arith.constant 0 : index
      %swap3A_163 = tpu.vector_load %arg9[%swap3A_162] {strides = array<i32>} : memref<96xi32, #tpu.memory_space<vmem>>, vector<16xi32>,
      %swap3A_164 = vector.shape_cast %swap3A_163 : vector<16xi32> to vector<16xi32>
      %swap3A_165 = vector.shape_cast %get3A_161 : vector<16xi32> to vector<16xi32>
      tpu.vector_store %arg9[%swap3A_162], %swap3A_165 {strides = array<i32>} : memref<96xi32, #tpu.memory_space<vmem>>, vector<16xi32>,
      %add3A_166 = arith.constant 16 : i32
      %add3A_167 = arith.addi %mul3A_156, %add3A_166 : i32
      %get3A_168 = arith.index_cast %add3A_167 : i32 to index
      %get3A_169 = tpu.vector_load %arg8[%get3A_168] {strides = array<i32>} : memref<10000xi32, #tpu.memory_space<vmem>>, vector<16xi32>,
      %get3A_170 = vector.shape_cast %get3A_169 : vector<16xi32> to vector<16xi32>
      %swap3A_171 = arith.constant 16 : index
      %swap3A_172 = tpu.vector_load %arg9[%swap3A_171] {strides = array<i32>} : memref<96xi32, #tpu.memory_space<vmem>>, vector<16xi32>,
      %swap3A_173 = vector.shape_cast %swap3A_172 : vector<16xi32> to vector<16xi32>
      %swap3A_174 = vector.shape_cast %get3A_170 : vector<16xi32> to vector<16xi32>
      tpu.vector_store %arg9[%swap3A_171], %swap3A_174 {strides = array<i32>} : memref<96xi32, #tpu.memory_space<vmem>>, vector<16xi32>,
      %add3A_175 = arith.constant 32 : i32
      %add3A_176 = arith.addi %mul3A_156, %add3A_175 : i32
      %get3A_177 = arith.index_cast %add3A_176 : i32 to index
      %get3A_178 = tpu.vector_load %arg8[%get3A_177] {strides = array<i32>} : memref<10000xi32, #tpu.memory_space<vmem>>, vector<16xi32>,
      %get3A_179 = vector.shape_cast %get3A_178 : vector<16xi32> to vector<16xi32>
      %swap3A_180 = arith.constant 32 : index
      %swap3A_181 = tpu.vector_load %arg9[%swap3A_180] {strides = array<i32>} : memref<96xi32, #tpu.memory_space<vmem>>, vector<16xi32>,
      %swap3A_182 = vector.shape_cast %swap3A_181 : vector<16xi32> to vector<16xi32>
      %swap3A_183 = vector.shape_cast %get3A_179 : vector<16xi32> to vector<16xi32>
      tpu.vector_store %arg9[%swap3A_180], %swap3A_183 {strides = array<i32>} : memref<96xi32, #tpu.memory_space<vmem>>, vector<16xi32>,
      %add3A_184 = arith.constant 48 : i32
      %add3A_185 = arith.addi %mul3A_156, %add3A_184 : i32
      %get3A_186 = arith.index_cast %add3A_185 : i32 to index
      %get3A_187 = tpu.vector_load %arg8[%get3A_186] {strides = array<i32>} : memref<10000xi32, #tpu.memory_space<vmem>>, vector<16xi32>,
      %get3A_188 = vector.shape_cast %get3A_187 : vector<16xi32> to vector<16xi32>
      %swap3A_189 = arith.constant 48 : index
      %swap3A_190 = tpu.vector_load %arg9[%swap3A_189] {strides = array<i32>} : memref<96xi32, #tpu.memory_space<vmem>>, vector<16xi32>,
      %swap3A_191 = vector.shape_cast %swap3A_190 : vector<16xi32> to vector<16xi32>
      %swap3A_192 = vector.shape_cast %get3A_188 : vector<16xi32> to vector<16xi32>
      tpu.vector_store %arg9[%swap3A_189], %swap3A_192 {strides = array<i32>} : memref<96xi32, #tpu.memory_space<vmem>>, vector<16xi32>,
      %add3A_193 = arith.constant 64 : i32
      %add3A_194 = arith.addi %mul3A_156, %add3A_193 : i32
      %get3A_195 = arith.index_cast %add3A_194 : i32 to index
      %get3A_196 = tpu.vector_load %arg8[%get3A_195] {strides = array<i32>} : memref<10000xi32, #tpu.memory_space<vmem>>, vector<16xi32>,
      %get3A_197 = vector.shape_cast %get3A_196 : vector<16xi32> to vector<16xi32>
      %swap3A_198 = arith.constant 64 : index
      %swap3A_199 = tpu.vector_load %arg9[%swap3A_198] {strides = array<i32>} : memref<96xi32, #tpu.memory_space<vmem>>, vector<16xi32>,
      %swap3A_200 = vector.shape_cast %swap3A_199 : vector<16xi32> to vector<16xi32>
      %swap3A_201 = vector.shape_cast %get3A_197 : vector<16xi32> to vector<16xi32>
      tpu.vector_store %arg9[%swap3A_198], %swap3A_201 {strides = array<i32>} : memref<96xi32, #tpu.memory_space<vmem>>, vector<16xi32>,
      %add3A_202 = arith.constant 80 : i32
      %add3A_203 = arith.addi %mul3A_156, %add3A_202 : i32
      %get3A_204 = arith.index_cast %add3A_203 : i32 to index
      %get3A_205 = tpu.vector_load %arg8[%get3A_204] {strides = array<i32>} : memref<10000xi32, #tpu.memory_space<vmem>>, vector<16xi32>,
      %get3A_206 = vector.shape_cast %get3A_205 : vector<16xi32> to vector<16xi32>
      %swap3A_207 = arith.constant 80 : index
      %swap3A_208 = tpu.vector_load %arg9[%swap3A_207] {strides = array<i32>} : memref<96xi32, #tpu.memory_space<vmem>>, vector<16xi32>,
      %swap3A_209 = vector.shape_cast %swap3A_208 : vector<16xi32> to vector<16xi32>
      %swap3A_210 = vector.shape_cast %get3A_206 : vector<16xi32> to vector<16xi32>
      tpu.vector_store %arg9[%swap3A_207], %swap3A_210 {strides = array<i32>} : memref<96xi32, #tpu.memory_space<vmem>>, vector<16xi32>,
      "tpu.region"() ({
        %run_scoped3A = tpu.sem_alloc : memref<!tpu.dma_semaphore, #tpu.memory_space<semaphore_mem>>
        %dma_start3A_283 = arith.constant 0 : i32
        %dma_start3A_284 = arith.constant 0 : i32
        %dma_start3A_285 = tpu.memref_slice %arg13[%dma_start3A_283, %dma_start3A_284] : memref<10240x128xf32, #tpu.memory_space<vmem_shared>> -> memref<10240x128xf32, #tpu.memory_space<vmem_shared>>
        tpu.enqueue_indirect_dma source(%arg11 : memref<96x128xf32, #tpu.memory_space<vmem>>) target(%dma_start3A_285 : memref<10240x128xf32, #tpu.memory_space<vmem_shared>>) offsets(%arg9 : memref<96xi32, #tpu.memory_space<vmem>>) semaphore(%run_scoped3A : memref<!tpu.dma_semaphore, #tpu.memory_space<semaphore_mem>>) {add = true}
        %dma_wait3A_286 = arith.constant 0 : i32
        %dma_wait3A_287 = arith.constant 0 : i32
        %dma_wait3A_288 = tpu.memref_slice %arg13[%dma_wait3A_286, %dma_wait3A_287] : memref<10240x128xf32, #tpu.memory_space<vmem_shared>> -> memref<10240x128xf32, #tpu.memory_space<vmem_shared>>
        tpu.wait_indirect_dma semaphore(%run_scoped3A : memref<!tpu.dma_semaphore, #tpu.memory_space<semaphore_mem>>) src(%arg11 : memref<96x128xf32, #tpu.memory_space<vmem>>) dst(%dma_wait3A_288 : memref<10240x128xf32, #tpu.memory_space<vmem_shared>>)
        tpu.yield
      }) : () -> ()
      %dma_wait3A_211 = tpu.memref_slice %arg7[%mul3A_149] : memref<10000xi32, #tpu.memory_space<vmem>> -> memref<96xi32, #tpu.memory_space<vmem>>
      %dma_wait3A_212 = arith.constant 0 : i32
      %dma_wait3A_213 = arith.constant 0 : i32
      %dma_wait3A_214 = tpu.memref_slice %arg2[%dma_wait3A_212, %dma_wait3A_213] : memref<10000x128xf32, #tpu.memory_space<hbm>> -> memref<10000x128xf32, #tpu.memory_space<hbm>>
      tpu.wait_indirect_dma semaphore(%arg15 : memref<!tpu.dma_semaphore, #tpu.memory_space<semaphore_mem>>) src(%dma_wait3A_214 : memref<10000x128xf32, #tpu.memory_space<hbm>>) dst(%arg12 : memref<96x128xf32, #tpu.memory_space<vmem>>)
      %add3A_215 = arith.constant 1 : i32
      %add3A_216 = arith.addi %add3A_147, %add3A_215 : i32
      %mul3A_217 = arith.constant 96 : i32
      %mul3A_218 = arith.muli %add3A_216, %mul3A_217 : i32
      %dma_start3A_219 = tpu.memref_slice %arg7[%mul3A_218] : memref<10000xi32, #tpu.memory_space<vmem>> -> memref<96xi32, #tpu.memory_space<vmem>>
      %dma_start3A_220 = arith.constant 0 : i32
      %dma_start3A_221 = arith.constant 0 : i32
      %dma_start3A_222 = tpu.memref_slice %arg2[%dma_start3A_220, %dma_start3A_221] : memref<10000x128xf32, #tpu.memory_space<hbm>> -> memref<10000x128xf32, #tpu.memory_space<hbm>>
      tpu.enqueue_indirect_dma source(%dma_start3A_222 : memref<10000x128xf32, #tpu.memory_space<hbm>>) target(%arg11 : memref<96x128xf32, #tpu.memory_space<vmem>>) offsets(%dma_start3A_219 : memref<96xi32, #tpu.memory_space<vmem>>) semaphore(%arg14 : memref<!tpu.dma_semaphore, #tpu.memory_space<semaphore_mem>>)
      %mul3A_223 = arith.constant 96 : i32
      %mul3A_224 = arith.muli %add3A_147, %mul3A_223 : i32
      %add3A_225 = arith.constant 0 : i32
      %add3A_226 = arith.addi %mul3A_224, %add3A_225 : i32
      %get3A_227 = arith.index_cast %add3A_226 : i32 to index
      %get3A_228 = tpu.vector_load %arg8[%get3A_227] {strides = array<i32>} : memref<10000xi32, #tpu.memory_space<vmem>>, vector<16xi32>,
      %get3A_229 = vector.shape_cast %get3A_228 : vector<16xi32> to vector<16xi32>
      %swap3A_230 = arith.constant 0 : index
      %swap3A_231 = tpu.vector_load %arg9[%swap3A_230] {strides = array<i32>} : memref<96xi32, #tpu.memory_space<vmem>>, vector<16xi32>,
      %swap3A_232 = vector.shape_cast %swap3A_231 : vector<16xi32> to vector<16xi32>
      %swap3A_233 = vector.shape_cast %get3A_229 : vector<16xi32> to vector<16xi32>
      tpu.vector_store %arg9[%swap3A_230], %swap3A_233 {strides = array<i32>} : memref<96xi32, #tpu.memory_space<vmem>>, vector<16xi32>,
      %add3A_234 = arith.constant 16 : i32
      %add3A_235 = arith.addi %mul3A_224, %add3A_234 : i32
      %get3A_236 = arith.index_cast %add3A_235 : i32 to index
      %get3A_237 = tpu.vector_load %arg8[%get3A_236] {strides = array<i32>} : memref<10000xi32, #tpu.memory_space<vmem>>, vector<16xi32>,
      %get3A_238 = vector.shape_cast %get3A_237 : vector<16xi32> to vector<16xi32>
      %swap3A_239 = arith.constant 16 : index
      %swap3A_240 = tpu.vector_load %arg9[%swap3A_239] {strides = array<i32>} : memref<96xi32, #tpu.memory_space<vmem>>, vector<16xi32>,
      %swap3A_241 = vector.shape_cast %swap3A_240 : vector<16xi32> to vector<16xi32>
      %swap3A_242 = vector.shape_cast %get3A_238 : vector<16xi32> to vector<16xi32>
      tpu.vector_store %arg9[%swap3A_239], %swap3A_242 {strides = array<i32>} : memref<96xi32, #tpu.memory_space<vmem>>, vector<16xi32>,
      %add3A_243 = arith.constant 32 : i32
      %add3A_244 = arith.addi %mul3A_224, %add3A_243 : i32
      %get3A_245 = arith.index_cast %add3A_244 : i32 to index
      %get3A_246 = tpu.vector_load %arg8[%get3A_245] {strides = array<i32>} : memref<10000xi32, #tpu.memory_space<vmem>>, vector<16xi32>,
      %get3A_247 = vector.shape_cast %get3A_246 : vector<16xi32> to vector<16xi32>
      %swap3A_248 = arith.constant 32 : index
      %swap3A_249 = tpu.vector_load %arg9[%swap3A_248] {strides = array<i32>} : memref<96xi32, #tpu.memory_space<vmem>>, vector<16xi32>,
      %swap3A_250 = vector.shape_cast %swap3A_249 : vector<16xi32> to vector<16xi32>
      %swap3A_251 = vector.shape_cast %get3A_247 : vector<16xi32> to vector<16xi32>
      tpu.vector_store %arg9[%swap3A_248], %swap3A_251 {strides = array<i32>} : memref<96xi32, #tpu.memory_space<vmem>>, vector<16xi32>,
      %add3A_252 = arith.constant 48 : i32
      %add3A_253 = arith.addi %mul3A_224, %add3A_252 : i32
      %get3A_254 = arith.index_cast %add3A_253 : i32 to index
      %get3A_255 = tpu.vector_load %arg8[%get3A_254] {strides = array<i32>} : memref<10000xi32, #tpu.memory_space<vmem>>, vector<16xi32>,
      %get3A_256 = vector.shape_cast %get3A_255 : vector<16xi32> to vector<16xi32>
      %swap3A_257 = arith.constant 48 : index
      %swap3A_258 = tpu.vector_load %arg9[%swap3A_257] {strides = array<i32>} : memref<96xi32, #tpu.memory_space<vmem>>, vector<16xi32>,
      %swap3A_259 = vector.shape_cast %swap3A_258 : vector<16xi32> to vector<16xi32>
      %swap3A_260 = vector.shape_cast %get3A_256 : vector<16xi32> to vector<16xi32>
      tpu.vector_store %arg9[%swap3A_257], %swap3A_260 {strides = array<i32>} : memref<96xi32, #tpu.memory_space<vmem>>, vector<16xi32>,
      %add3A_261 = arith.constant 64 : i32
      %add3A_262 = arith.addi %mul3A_224, %add3A_261 : i32
      %get3A_263 = arith.index_cast %add3A_262 : i32 to index
      %get3A_264 = tpu.vector_load %arg8[%get3A_263] {strides = array<i32>} : memref<10000xi32, #tpu.memory_space<vmem>>, vector<16xi32>,
      %get3A_265 = vector.shape_cast %get3A_264 : vector<16xi32> to vector<16xi32>
      %swap3A_266 = arith.constant 64 : index
      %swap3A_267 = tpu.vector_load %arg9[%swap3A_266] {strides = array<i32>} : memref<96xi32, #tpu.memory_space<vmem>>, vector<16xi32>,
      %swap3A_268 = vector.shape_cast %swap3A_267 : vector<16xi32> to vector<16xi32>
      %swap3A_269 = vector.shape_cast %get3A_265 : vector<16xi32> to vector<16xi32>
      tpu.vector_store %arg9[%swap3A_266], %swap3A_269 {strides = array<i32>} : memref<96xi32, #tpu.memory_space<vmem>>, vector<16xi32>,
      %add3A_270 = arith.constant 80 : i32
      %add3A_271 = arith.addi %mul3A_224, %add3A_270 : i32
      %get3A_272 = arith.index_cast %add3A_271 : i32 to index
      %get3A_273 = tpu.vector_load %arg8[%get3A_272] {strides = array<i32>} : memref<10000xi32, #tpu.memory_space<vmem>>, vector<16xi32>,
      %get3A_274 = vector.shape_cast %get3A_273 : vector<16xi32> to vector<16xi32>
      %swap3A_275 = arith.constant 80 : index
      %swap3A_276 = tpu.vector_load %arg9[%swap3A_275] {strides = array<i32>} : memref<96xi32, #tpu.memory_space<vmem>>, vector<16xi32>,
      %swap3A_277 = vector.shape_cast %swap3A_276 : vector<16xi32> to vector<16xi32>
      %swap3A_278 = vector.shape_cast %get3A_274 : vector<16xi32> to vector<16xi32>
      tpu.vector_store %arg9[%swap3A_275], %swap3A_278 {strides = array<i32>} : memref<96xi32, #tpu.memory_space<vmem>>, vector<16xi32>,
      "tpu.region"() ({
        %run_scoped3A = tpu.sem_alloc : memref<!tpu.dma_semaphore, #tpu.memory_space<semaphore_mem>>
        %dma_start3A_283 = arith.constant 0 : i32
        %dma_start3A_284 = arith.constant 0 : i32
        %dma_start3A_285 = tpu.memref_slice %arg13[%dma_start3A_283, %dma_start3A_284] : memref<10240x128xf32, #tpu.memory_space<vmem_shared>> -> memref<10240x128xf32, #tpu.memory_space<vmem_shared>>
        tpu.enqueue_indirect_dma source(%arg12 : memref<96x128xf32, #tpu.memory_space<vmem>>) target(%dma_start3A_285 : memref<10240x128xf32, #tpu.memory_space<vmem_shared>>) offsets(%arg9 : memref<96xi32, #tpu.memory_space<vmem>>) semaphore(%run_scoped3A : memref<!tpu.dma_semaphore, #tpu.memory_space<semaphore_mem>>) {add = true}
        %dma_wait3A_286 = arith.constant 0 : i32
        %dma_wait3A_287 = arith.constant 0 : i32
        %dma_wait3A_288 = tpu.memref_slice %arg13[%dma_wait3A_286, %dma_wait3A_287] : memref<10240x128xf32, #tpu.memory_space<vmem_shared>> -> memref<10240x128xf32, #tpu.memory_space<vmem_shared>>
        tpu.wait_indirect_dma semaphore(%run_scoped3A : memref<!tpu.dma_semaphore, #tpu.memory_space<semaphore_mem>>) src(%arg12 : memref<96x128xf32, #tpu.memory_space<vmem>>) dst(%dma_wait3A_288 : memref<10240x128xf32, #tpu.memory_space<vmem_shared>>)
        tpu.yield
      }) : () -> ()
      %dma_wait3A_279 = tpu.memref_slice %arg7[%mul3A_218] : memref<10000xi32, #tpu.memory_space<vmem>> -> memref<96xi32, #tpu.memory_space<vmem>>
      %dma_wait3A_280 = arith.constant 0 : i32
      %dma_wait3A_281 = arith.constant 0 : i32
      %dma_wait3A_282 = tpu.memref_slice %arg2[%dma_wait3A_280, %dma_wait3A_281] : memref<10000x128xf32, #tpu.memory_space<hbm>> -> memref<10000x128xf32, #tpu.memory_space<hbm>>
      tpu.wait_indirect_dma semaphore(%arg14 : memref<!tpu.dma_semaphore, #tpu.memory_space<semaphore_mem>>) src(%dma_wait3A_282 : memref<10000x128xf32, #tpu.memory_space<hbm>>) dst(%arg11 : memref<96x128xf32, #tpu.memory_space<vmem>>)
    }
    %scan3A_19 = arith.constant 51 : i32
    %dma_start3A_20 = arith.constant 9888 : i32
    %dma_start3A_21 = tpu.memref_slice %arg7[%dma_start3A_20] : memref<10000xi32, #tpu.memory_space<vmem>> -> memref<96xi32, #tpu.memory_space<vmem>>
    %dma_start3A_22 = arith.constant 0 : i32
    %dma_start3A_23 = arith.constant 0 : i32
    %dma_start3A_24 = tpu.memref_slice %arg2[%dma_start3A_22, %dma_start3A_23] : memref<10000x128xf32, #tpu.memory_space<hbm>> -> memref<10000x128xf32, #tpu.memory_space<hbm>>
    tpu.enqueue_indirect_dma source(%dma_start3A_24 : memref<10000x128xf32, #tpu.memory_space<hbm>>) target(%arg12 : memref<96x128xf32, #tpu.memory_space<vmem>>) offsets(%dma_start3A_21 : memref<96xi32, #tpu.memory_space<vmem>>) semaphore(%arg15 : memref<!tpu.dma_semaphore, #tpu.memory_space<semaphore_mem>>)
    %get3A = arith.constant 9792 : index
    %get3A_25 = tpu.vector_load %arg8[%get3A] {strides = array<i32>} : memref<10000xi32, #tpu.memory_space<vmem>>, vector<16xi32>,
    %get3A_26 = vector.shape_cast %get3A_25 : vector<16xi32> to vector<16xi32>
    %swap3A = arith.constant 0 : index
    %swap3A_27 = tpu.vector_load %arg9[%swap3A] {strides = array<i32>} : memref<96xi32, #tpu.memory_space<vmem>>, vector<16xi32>,
    %swap3A_28 = vector.shape_cast %swap3A_27 : vector<16xi32> to vector<16xi32>
    %swap3A_29 = vector.shape_cast %get3A_26 : vector<16xi32> to vector<16xi32>
    tpu.vector_store %arg9[%swap3A], %swap3A_29 {strides = array<i32>} : memref<96xi32, #tpu.memory_space<vmem>>, vector<16xi32>,
    %get3A_30 = arith.constant 9808 : index
    %get3A_31 = tpu.vector_load %arg8[%get3A_30] {strides = array<i32>} : memref<10000xi32, #tpu.memory_space<vmem>>, vector<16xi32>,
    %get3A_32 = vector.shape_cast %get3A_31 : vector<16xi32> to vector<16xi32>
    %swap3A_33 = arith.constant 16 : index
    %swap3A_34 = tpu.vector_load %arg9[%swap3A_33] {strides = array<i32>} : memref<96xi32, #tpu.memory_space<vmem>>, vector<16xi32>,
    %swap3A_35 = vector.shape_cast %swap3A_34 : vector<16xi32> to vector<16xi32>
    %swap3A_36 = vector.shape_cast %get3A_32 : vector<16xi32> to vector<16xi32>
    tpu.vector_store %arg9[%swap3A_33], %swap3A_36 {strides = array<i32>} : memref<96xi32, #tpu.memory_space<vmem>>, vector<16xi32>,
    %get3A_37 = arith.constant 9824 : index
    %get3A_38 = tpu.vector_load %arg8[%get3A_37] {strides = array<i32>} : memref<10000xi32, #tpu.memory_space<vmem>>, vector<16xi32>,
    %get3A_39 = vector.shape_cast %get3A_38 : vector<16xi32> to vector<16xi32>
    %swap3A_40 = arith.constant 32 : index
    %swap3A_41 = tpu.vector_load %arg9[%swap3A_40] {strides = array<i32>} : memref<96xi32, #tpu.memory_space<vmem>>, vector<16xi32>,
    %swap3A_42 = vector.shape_cast %swap3A_41 : vector<16xi32> to vector<16xi32>
    %swap3A_43 = vector.shape_cast %get3A_39 : vector<16xi32> to vector<16xi32>
    tpu.vector_store %arg9[%swap3A_40], %swap3A_43 {strides = array<i32>} : memref<96xi32, #tpu.memory_space<vmem>>, vector<16xi32>,
    %get3A_44 = arith.constant 9840 : index
    %get3A_45 = tpu.vector_load %arg8[%get3A_44] {strides = array<i32>} : memref<10000xi32, #tpu.memory_space<vmem>>, vector<16xi32>,
    %get3A_46 = vector.shape_cast %get3A_45 : vector<16xi32> to vector<16xi32>
    %swap3A_47 = arith.constant 48 : index
    %swap3A_48 = tpu.vector_load %arg9[%swap3A_47] {strides = array<i32>} : memref<96xi32, #tpu.memory_space<vmem>>, vector<16xi32>,
    %swap3A_49 = vector.shape_cast %swap3A_48 : vector<16xi32> to vector<16xi32>
    %swap3A_50 = vector.shape_cast %get3A_46 : vector<16xi32> to vector<16xi32>
    tpu.vector_store %arg9[%swap3A_47], %swap3A_50 {strides = array<i32>} : memref<96xi32, #tpu.memory_space<vmem>>, vector<16xi32>,
    %get3A_51 = arith.constant 9856 : index
    %get3A_52 = tpu.vector_load %arg8[%get3A_51] {strides = array<i32>} : memref<10000xi32, #tpu.memory_space<vmem>>, vector<16xi32>,
    %get3A_53 = vector.shape_cast %get3A_52 : vector<16xi32> to vector<16xi32>
    %swap3A_54 = arith.constant 64 : index
    %swap3A_55 = tpu.vector_load %arg9[%swap3A_54] {strides = array<i32>} : memref<96xi32, #tpu.memory_space<vmem>>, vector<16xi32>,
    %swap3A_56 = vector.shape_cast %swap3A_55 : vector<16xi32> to vector<16xi32>
    %swap3A_57 = vector.shape_cast %get3A_53 : vector<16xi32> to vector<16xi32>
    tpu.vector_store %arg9[%swap3A_54], %swap3A_57 {strides = array<i32>} : memref<96xi32, #tpu.memory_space<vmem>>, vector<16xi32>,
    %get3A_58 = arith.constant 9872 : index
    %get3A_59 = tpu.vector_load %arg8[%get3A_58] {strides = array<i32>} : memref<10000xi32, #tpu.memory_space<vmem>>, vector<16xi32>,
    %get3A_60 = vector.shape_cast %get3A_59 : vector<16xi32> to vector<16xi32>
    %swap3A_61 = arith.constant 80 : index
    %swap3A_62 = tpu.vector_load %arg9[%swap3A_61] {strides = array<i32>} : memref<96xi32, #tpu.memory_space<vmem>>, vector<16xi32>,
    %swap3A_63 = vector.shape_cast %swap3A_62 : vector<16xi32> to vector<16xi32>
    %swap3A_64 = vector.shape_cast %get3A_60 : vector<16xi32> to vector<16xi32>
    tpu.vector_store %arg9[%swap3A_61], %swap3A_64 {strides = array<i32>} : memref<96xi32, #tpu.memory_space<vmem>>, vector<16xi32>,
    "tpu.region"() ({
      %run_scoped3A = tpu.sem_alloc : memref<!tpu.dma_semaphore, #tpu.memory_space<semaphore_mem>>
      %dma_start3A_143 = arith.constant 0 : i32
      %dma_start3A_144 = arith.constant 0 : i32
      %dma_start3A_145 = tpu.memref_slice %arg13[%dma_start3A_143, %dma_start3A_144] : memref<10240x128xf32, #tpu.memory_space<vmem_shared>> -> memref<10240x128xf32, #tpu.memory_space<vmem_shared>>
      tpu.enqueue_indirect_dma source(%arg11 : memref<96x128xf32, #tpu.memory_space<vmem>>) target(%dma_start3A_145 : memref<10240x128xf32, #tpu.memory_space<vmem_shared>>) offsets(%arg9 : memref<96xi32, #tpu.memory_space<vmem>>) semaphore(%run_scoped3A : memref<!tpu.dma_semaphore, #tpu.memory_space<semaphore_mem>>) {add = true}
      %dma_wait3A_146 = arith.constant 0 : i32
      %dma_wait3A_147 = arith.constant 0 : i32
      %dma_wait3A_148 = tpu.memref_slice %arg13[%dma_wait3A_146, %dma_wait3A_147] : memref<10240x128xf32, #tpu.memory_space<vmem_shared>> -> memref<10240x128xf32, #tpu.memory_space<vmem_shared>>
      tpu.wait_indirect_dma semaphore(%run_scoped3A : memref<!tpu.dma_semaphore, #tpu.memory_space<semaphore_mem>>) src(%arg11 : memref<96x128xf32, #tpu.memory_space<vmem>>) dst(%dma_wait3A_148 : memref<10240x128xf32, #tpu.memory_space<vmem_shared>>)
      tpu.yield
    }) : () -> ()
    %dma_wait3A_65 = arith.constant 9888 : i32
    %dma_wait3A_66 = tpu.memref_slice %arg7[%dma_wait3A_65] : memref<10000xi32, #tpu.memory_space<vmem>> -> memref<96xi32, #tpu.memory_space<vmem>>
    %dma_wait3A_67 = arith.constant 0 : i32
    %dma_wait3A_68 = arith.constant 0 : i32
    %dma_wait3A_69 = tpu.memref_slice %arg2[%dma_wait3A_67, %dma_wait3A_68] : memref<10000x128xf32, #tpu.memory_space<hbm>> -> memref<10000x128xf32, #tpu.memory_space<hbm>>
    tpu.wait_indirect_dma semaphore(%arg15 : memref<!tpu.dma_semaphore, #tpu.memory_space<semaphore_mem>>) src(%dma_wait3A_69 : memref<10000x128xf32, #tpu.memory_space<hbm>>) dst(%arg12 : memref<96x128xf32, #tpu.memory_space<vmem>>)
    %get3A_70 = arith.constant 9888 : index
    %get3A_71 = tpu.vector_load %arg8[%get3A_70] {strides = array<i32>} : memref<10000xi32, #tpu.memory_space<vmem>>, vector<16xi32>,
    %get3A_72 = vector.shape_cast %get3A_71 : vector<16xi32> to vector<16xi32>
    %swap3A_73 = arith.constant 0 : index
    %swap3A_74 = tpu.vector_load %arg9[%swap3A_73] {strides = array<i32>} : memref<96xi32, #tpu.memory_space<vmem>>, vector<16xi32>,
    %swap3A_75 = vector.shape_cast %swap3A_74 : vector<16xi32> to vector<16xi32>
    %swap3A_76 = vector.shape_cast %get3A_72 : vector<16xi32> to vector<16xi32>
    tpu.vector_store %arg9[%swap3A_73], %swap3A_76 {strides = array<i32>} : memref<96xi32, #tpu.memory_space<vmem>>, vector<16xi32>,
    %get3A_77 = arith.constant 9904 : index
    %get3A_78 = tpu.vector_load %arg8[%get3A_77] {strides = array<i32>} : memref<10000xi32, #tpu.memory_space<vmem>>, vector<16xi32>,
    %get3A_79 = vector.shape_cast %get3A_78 : vector<16xi32> to vector<16xi32>
    %swap3A_80 = arith.constant 16 : index
    %swap3A_81 = tpu.vector_load %arg9[%swap3A_80] {strides = array<i32>} : memref<96xi32, #tpu.memory_space<vmem>>, vector<16xi32>,
    %swap3A_82 = vector.shape_cast %swap3A_81 : vector<16xi32> to vector<16xi32>
    %swap3A_83 = vector.shape_cast %get3A_79 : vector<16xi32> to vector<16xi32>
    tpu.vector_store %arg9[%swap3A_80], %swap3A_83 {strides = array<i32>} : memref<96xi32, #tpu.memory_space<vmem>>, vector<16xi32>,
    %get3A_84 = arith.constant 9920 : index
    %get3A_85 = tpu.vector_load %arg8[%get3A_84] {strides = array<i32>} : memref<10000xi32, #tpu.memory_space<vmem>>, vector<16xi32>,
    %get3A_86 = vector.shape_cast %get3A_85 : vector<16xi32> to vector<16xi32>
    %swap3A_87 = arith.constant 32 : index
    %swap3A_88 = tpu.vector_load %arg9[%swap3A_87] {strides = array<i32>} : memref<96xi32, #tpu.memory_space<vmem>>, vector<16xi32>,
    %swap3A_89 = vector.shape_cast %swap3A_88 : vector<16xi32> to vector<16xi32>
    %swap3A_90 = vector.shape_cast %get3A_86 : vector<16xi32> to vector<16xi32>
    tpu.vector_store %arg9[%swap3A_87], %swap3A_90 {strides = array<i32>} : memref<96xi32, #tpu.memory_space<vmem>>, vector<16xi32>,
    %get3A_91 = arith.constant 9936 : index
    %get3A_92 = tpu.vector_load %arg8[%get3A_91] {strides = array<i32>} : memref<10000xi32, #tpu.memory_space<vmem>>, vector<16xi32>,
    %get3A_93 = vector.shape_cast %get3A_92 : vector<16xi32> to vector<16xi32>
    %swap3A_94 = arith.constant 48 : index
    %swap3A_95 = tpu.vector_load %arg9[%swap3A_94] {strides = array<i32>} : memref<96xi32, #tpu.memory_space<vmem>>, vector<16xi32>,
    %swap3A_96 = vector.shape_cast %swap3A_95 : vector<16xi32> to vector<16xi32>
    %swap3A_97 = vector.shape_cast %get3A_93 : vector<16xi32> to vector<16xi32>
    tpu.vector_store %arg9[%swap3A_94], %swap3A_97 {strides = array<i32>} : memref<96xi32, #tpu.memory_space<vmem>>, vector<16xi32>,
    %get3A_98 = arith.constant 9952 : index
    %get3A_99 = tpu.vector_load %arg8[%get3A_98] {strides = array<i32>} : memref<10000xi32, #tpu.memory_space<vmem>>, vector<16xi32>,
    %get3A_100 = vector.shape_cast %get3A_99 : vector<16xi32> to vector<16xi32>
    %swap3A_101 = arith.constant 64 : index
    %swap3A_102 = tpu.vector_load %arg9[%swap3A_101] {strides = array<i32>} : memref<96xi32, #tpu.memory_space<vmem>>, vector<16xi32>,
    %swap3A_103 = vector.shape_cast %swap3A_102 : vector<16xi32> to vector<16xi32>
    %swap3A_104 = vector.shape_cast %get3A_100 : vector<16xi32> to vector<16xi32>
    tpu.vector_store %arg9[%swap3A_101], %swap3A_104 {strides = array<i32>} : memref<96xi32, #tpu.memory_space<vmem>>, vector<16xi32>,
    %get3A_105 = arith.constant 9968 : index
    %get3A_106 = tpu.vector_load %arg8[%get3A_105] {strides = array<i32>} : memref<10000xi32, #tpu.memory_space<vmem>>, vector<16xi32>,
    %get3A_107 = vector.shape_cast %get3A_106 : vector<16xi32> to vector<16xi32>
    %swap3A_108 = arith.constant 80 : index
    %swap3A_109 = tpu.vector_load %arg9[%swap3A_108] {strides = array<i32>} : memref<96xi32, #tpu.memory_space<vmem>>, vector<16xi32>,
    %swap3A_110 = vector.shape_cast %swap3A_109 : vector<16xi32> to vector<16xi32>
    %swap3A_111 = vector.shape_cast %get3A_107 : vector<16xi32> to vector<16xi32>
    tpu.vector_store %arg9[%swap3A_108], %swap3A_111 {strides = array<i32>} : memref<96xi32, #tpu.memory_space<vmem>>, vector<16xi32>,
    "tpu.region"() ({
      %run_scoped3A = tpu.sem_alloc : memref<!tpu.dma_semaphore, #tpu.memory_space<semaphore_mem>>
      %dma_start3A_143 = arith.constant 0 : i32
      %dma_start3A_144 = arith.constant 0 : i32
      %dma_start3A_145 = tpu.memref_slice %arg13[%dma_start3A_143, %dma_start3A_144] : memref<10240x128xf32, #tpu.memory_space<vmem_shared>> -> memref<10240x128xf32, #tpu.memory_space<vmem_shared>>
      tpu.enqueue_indirect_dma source(%arg12 : memref<96x128xf32, #tpu.memory_space<vmem>>) target(%dma_start3A_145 : memref<10240x128xf32, #tpu.memory_space<vmem_shared>>) offsets(%arg9 : memref<96xi32, #tpu.memory_space<vmem>>) semaphore(%run_scoped3A : memref<!tpu.dma_semaphore, #tpu.memory_space<semaphore_mem>>) {add = true}
      %dma_wait3A_146 = arith.constant 0 : i32
      %dma_wait3A_147 = arith.constant 0 : i32
      %dma_wait3A_148 = tpu.memref_slice %arg13[%dma_wait3A_146, %dma_wait3A_147] : memref<10240x128xf32, #tpu.memory_space<vmem_shared>> -> memref<10240x128xf32, #tpu.memory_space<vmem_shared>>
      tpu.wait_indirect_dma semaphore(%run_scoped3A : memref<!tpu.dma_semaphore, #tpu.memory_space<semaphore_mem>>) src(%arg12 : memref<96x128xf32, #tpu.memory_space<vmem>>) dst(%dma_wait3A_148 : memref<10240x128xf32, #tpu.memory_space<vmem_shared>>)
      tpu.yield
    }) : () -> ()
    %dma_start3A_112 = arith.constant 0 : i32
    %dma_start3A_113 = arith.constant 0 : i32
    %dma_start3A_114 = tpu.memref_slice %arg11[%dma_start3A_112, %dma_start3A_113] : memref<96x128xf32, #tpu.memory_space<vmem>> -> memref<16x128xf32, #tpu.memory_space<vmem>>
    %dma_start3A_115 = arith.constant 9984 : i32
    %dma_start3A_116 = tpu.memref_slice %arg7[%dma_start3A_115] : memref<10000xi32, #tpu.memory_space<vmem>> -> memref<16xi32, #tpu.memory_space<vmem>>
    %dma_start3A_117 = arith.constant 0 : i32
    %dma_start3A_118 = arith.constant 0 : i32
    %dma_start3A_119 = tpu.memref_slice %arg2[%dma_start3A_117, %dma_start3A_118] : memref<10000x128xf32, #tpu.memory_space<hbm>> -> memref<10000x128xf32, #tpu.memory_space<hbm>>
    tpu.enqueue_indirect_dma source(%dma_start3A_119 : memref<10000x128xf32, #tpu.memory_space<hbm>>) target(%dma_start3A_114 : memref<16x128xf32, #tpu.memory_space<vmem>>) offsets(%dma_start3A_116 : memref<16xi32, #tpu.memory_space<vmem>>) semaphore(%arg14 : memref<!tpu.dma_semaphore, #tpu.memory_space<semaphore_mem>>)
    %dma_wait3A_120 = arith.constant 0 : i32
    %dma_wait3A_121 = arith.constant 0 : i32
    %dma_wait3A_122 = tpu.memref_slice %arg11[%dma_wait3A_120, %dma_wait3A_121] : memref<96x128xf32, #tpu.memory_space<vmem>> -> memref<16x128xf32, #tpu.memory_space<vmem>>
    %dma_wait3A_123 = arith.constant 9984 : i32
    %dma_wait3A_124 = tpu.memref_slice %arg7[%dma_wait3A_123] : memref<10000xi32, #tpu.memory_space<vmem>> -> memref<16xi32, #tpu.memory_space<vmem>>
    %dma_wait3A_125 = arith.constant 0 : i32
    %dma_wait3A_126 = arith.constant 0 : i32
    %dma_wait3A_127 = tpu.memref_slice %arg2[%dma_wait3A_125, %dma_wait3A_126] : memref<10000x128xf32, #tpu.memory_space<hbm>> -> memref<10000x128xf32, #tpu.memory_space<hbm>>
    tpu.wait_indirect_dma semaphore(%arg14 : memref<!tpu.dma_semaphore, #tpu.memory_space<semaphore_mem>>) src(%dma_wait3A_127 : memref<10000x128xf32, #tpu.memory_space<hbm>>) dst(%dma_wait3A_122 : memref<16x128xf32, #tpu.memory_space<vmem>>)
    %get3A_128 = arith.constant 9984 : index
    %get3A_129 = tpu.vector_load %arg8[%get3A_128] {strides = array<i32>} : memref<10000xi32, #tpu.memory_space<vmem>>, vector<16xi32>,
    %get3A_130 = vector.shape_cast %get3A_129 : vector<16xi32> to vector<16xi32>
    %swap3A_131 = arith.constant 0 : index
    %swap3A_132 = tpu.vector_load %arg10[%swap3A_131] {strides = array<i32>} : memref<16xi32, #tpu.memory_space<vmem>>, vector<16xi32>,
    %swap3A_133 = vector.shape_cast %swap3A_132 : vector<16xi32> to vector<16xi32>
    %swap3A_134 = vector.shape_cast %get3A_130 : vector<16xi32> to vector<16xi32>
    tpu.vector_store %arg10[%swap3A_131], %swap3A_134 {strides = array<i32>} : memref<16xi32, #tpu.memory_space<vmem>>, vector<16xi32>,
    "tpu.region"() ({
      %run_scoped3A = tpu.sem_alloc : memref<!tpu.dma_semaphore, #tpu.memory_space<semaphore_mem>>
      %dma_start3A_143 = arith.constant 0 : i32
      %dma_start3A_144 = arith.constant 0 : i32
      %dma_start3A_145 = tpu.memref_slice %arg11[%dma_start3A_143, %dma_start3A_144] : memref<96x128xf32, #tpu.memory_space<vmem>> -> memref<16x128xf32, #tpu.memory_space<vmem>>
      %dma_start3A_146 = arith.constant 0 : i32
      %dma_start3A_147 = arith.constant 0 : i32
      %dma_start3A_148 = tpu.memref_slice %arg13[%dma_start3A_146, %dma_start3A_147] : memref<10240x128xf32, #tpu.memory_space<vmem_shared>> -> memref<10240x128xf32, #tpu.memory_space<vmem_shared>>
      tpu.enqueue_indirect_dma source(%dma_start3A_145 : memref<16x128xf32, #tpu.memory_space<vmem>>) target(%dma_start3A_148 : memref<10240x128xf32, #tpu.memory_space<vmem_shared>>) offsets(%arg10 : memref<16xi32, #tpu.memory_space<vmem>>) semaphore(%run_scoped3A : memref<!tpu.dma_semaphore, #tpu.memory_space<semaphore_mem>>) {add = true}
      %dma_wait3A_149 = arith.constant 0 : i32
      %dma_wait3A_150 = arith.constant 0 : i32
      %dma_wait3A_151 = tpu.memref_slice %arg11[%dma_wait3A_149, %dma_wait3A_150] : memref<96x128xf32, #tpu.memory_space<vmem>> -> memref<16x128xf32, #tpu.memory_space<vmem>>
      %dma_wait3A_152 = arith.constant 0 : i32
      %dma_wait3A_153 = arith.constant 0 : i32
      %dma_wait3A_154 = tpu.memref_slice %arg13[%dma_wait3A_152, %dma_wait3A_153] : memref<10240x128xf32, #tpu.memory_space<vmem_shared>> -> memref<10240x128xf32, #tpu.memory_space<vmem_shared>>
      tpu.wait_indirect_dma semaphore(%run_scoped3A : memref<!tpu.dma_semaphore, #tpu.memory_space<semaphore_mem>>) src(%dma_wait3A_151 : memref<16x128xf32, #tpu.memory_space<vmem>>) dst(%dma_wait3A_154 : memref<10240x128xf32, #tpu.memory_space<vmem_shared>>)
      tpu.yield
    }) : () -> ()
    %barrier3A_135 = arith.constant 0 : index
    tpu.barrier barrier_id(%barrier3A_135)
    %mul3A_136 = arith.constant 640 : i32
    %mul3A_137 = arith.muli %arg1, %mul3A_136 : i32
    %mul3A_138 = arith.constant 10240 : i32
    %mul3A_139 = arith.muli %arg0, %mul3A_138 : i32
    %mul3A_140 = arith.constant 640 : i32
    %mul3A_141 = arith.muli %arg1, %mul3A_140 : i32
    %add3A_142 = arith.addi %mul3A_139, %mul3A_141 : i32
    "tpu.region"() ({
      %run_scoped3A = tpu.sem_alloc : memref<!tpu.dma_semaphore, #tpu.memory_space<semaphore_mem>>
      %dma_start3A_143 = arith.constant 0 : i32
      %dma_start3A_144 = tpu.memref_slice %arg6[%add3A_142, %dma_start3A_143] : memref<20480x128xf32, #tpu.memory_space<hbm>> -> memref<640x128xf32, #tpu.memory_space<hbm>>
      %dma_start3A_145 = arith.constant 0 : i32
      %dma_start3A_146 = tpu.memref_slice %arg13[%mul3A_137, %dma_start3A_145] : memref<10240x128xf32, #tpu.memory_space<vmem_shared>> -> memref<640x128xf32, #tpu.memory_space<vmem_shared>>
      tpu.enqueue_dma source(%dma_start3A_146 : memref<640x128xf32, #tpu.memory_space<vmem_shared>>) target(%dma_start3A_144 : memref<640x128xf32, #tpu.memory_space<hbm>>) target_semaphore(%run_scoped3A : memref<!tpu.dma_semaphore, #tpu.memory_space<semaphore_mem>>)
      %dma_wait3A_147 = arith.constant 0 : i32
      %dma_wait3A_148 = tpu.memref_slice %arg6[%add3A_142, %dma_wait3A_147] : memref<20480x128xf32, #tpu.memory_space<hbm>> -> memref<640x128xf32, #tpu.memory_space<hbm>>
      %dma_wait3A_149 = arith.constant 0 : i32
      %dma_wait3A_150 = tpu.memref_slice %arg13[%mul3A_137, %dma_wait3A_149] : memref<10240x128xf32, #tpu.memory_space<vmem_shared>> -> memref<640x128xf32, #tpu.memory_space<vmem_shared>>
      tpu.wait_dma2 semaphore(%run_scoped3A : memref<!tpu.dma_semaphore, #tpu.memory_space<semaphore_mem>>) src(%dma_wait3A_150 : memref<640x128xf32, #tpu.memory_space<vmem_shared>>) dst(%dma_wait3A_148 : memref<640x128xf32, #tpu.memory_space<hbm>>)
      tpu.yield
    }) : () -> ()
    return
  }
}

#map = affine_map<(d0, d1) -> (0, 0)>
#map1 = affine_map<(d0, d1) -> (0)>
module attributes {stable_mosaic.version = 14 : i64} {
  func.func @_sc_mp(%arg0: i32, %arg1: i32, %arg2: memref<10000x128xf32, #tpu.memory_space<hbm>>, %arg3: memref<320000xi32, #tpu.memory_space<hbm>>, %arg4: memref<320000xi32, #tpu.memory_space<hbm>>, %arg5: memref<10240x128xf32, #tpu.memory_space<hbm>>, %arg6: memref<20480x128xf32, #tpu.memory_space<hbm>>, %arg7: memref<10000xi32, #tpu.memory_space<vmem>>, %arg8: memref<10000xi32, #tpu.memory_space<vmem>>, %arg9: memref<96xi32, #tpu.memory_space<vmem>>, %arg10: memref<16xi32, #tpu.memory_space<vmem>>, %arg11: memref<96x128xf32, #tpu.memory_space<vmem>>, %arg12: memref<96x128xf32, #tpu.memory_space<vmem>>, %arg13: memref<10240x128xf32, #tpu.memory_space<vmem_shared>>, %arg14: memref<!tpu.dma_semaphore, #tpu.memory_space<semaphore_mem>>, %arg15: memref<!tpu.dma_semaphore, #tpu.memory_space<semaphore_mem>>) attributes {dimension_semantics = [#tpu.dimension_semantics<core_parallel>, #tpu.dimension_semantics<subcore_parallel>], iteration_bounds = array<i64: 2, 16>, scalar_prefetch = 0 : i64, scratch_operands = 9 : i64, tpu.core_type = #tpu.core_type<sc_vector_subcore>, window_params = [{transform_indices = #map}, {transform_indices = #map1}, {transform_indices = #map1}, {transform_indices = #map}, {transform_indices = #map}]} {
    %mul3A = arith.constant 160000 : i32
    %mul3A_0 = arith.muli %arg0, %mul3A : i32
    %mul3A_1 = arith.constant 10000 : i32
    %mul3A_2 = arith.muli %arg1, %mul3A_1 : i32
    %add3A = arith.addi %mul3A_0, %mul3A_2 : i32
    "tpu.region"() ({
      %run_scoped3A = tpu.sem_alloc : memref<!tpu.dma_semaphore, #tpu.memory_space<semaphore_mem>>
      %dma_start3A_143 = tpu.memref_slice %arg3[%add3A] : memref<320000xi32, #tpu.memory_space<hbm>> -> memref<10000xi32, #tpu.memory_space<hbm>>
      %dma_start3A_144 = tpu.memref_slice %arg3[%add3A] : memref<320000xi32, #tpu.memory_space<hbm>> -> memref<10000xi32, #tpu.memory_space<hbm>>
      tpu.enqueue_dma source(%dma_start3A_144 : memref<10000xi32, #tpu.memory_space<hbm>>) target(%arg7 : memref<10000xi32, #tpu.memory_space<vmem>>) target_semaphore(%run_scoped3A : memref<!tpu.dma_semaphore, #tpu.memory_space<semaphore_mem>>)
      %dma_wait3A_145 = tpu.memref_slice %arg3[%add3A] : memref<320000xi32, #tpu.memory_space<hbm>> -> memref<10000xi32, #tpu.memory_space<hbm>>
      %dma_wait3A_146 = tpu.memref_slice %arg3[%add3A] : memref<320000xi32, #tpu.memory_space<hbm>> -> memref<10000xi32, #tpu.memory_space<hbm>>
      tpu.wait_dma2 semaphore(%run_scoped3A : memref<!tpu.dma_semaphore, #tpu.memory_space<semaphore_mem>>) src(%dma_wait3A_146 : memref<10000xi32, #tpu.memory_space<hbm>>) dst(%arg7 : memref<10000xi32, #tpu.memory_space<vmem>>)
      tpu.yield
    }) : () -> ()
    "tpu.region"() ({
      %run_scoped3A = tpu.sem_alloc : memref<!tpu.dma_semaphore, #tpu.memory_space<semaphore_mem>>
      %dma_start3A_143 = tpu.memref_slice %arg4[%add3A] : memref<320000xi32, #tpu.memory_space<hbm>> -> memref<10000xi32, #tpu.memory_space<hbm>>
      %dma_start3A_144 = tpu.memref_slice %arg4[%add3A] : memref<320000xi32, #tpu.memory_space<hbm>> -> memref<10000xi32, #tpu.memory_space<hbm>>
      tpu.enqueue_dma source(%dma_start3A_144 : memref<10000xi32, #tpu.memory_space<hbm>>) target(%arg8 : memref<10000xi32, #tpu.memory_space<vmem>>) target_semaphore(%run_scoped3A : memref<!tpu.dma_semaphore, #tpu.memory_space<semaphore_mem>>)
      %dma_wait3A_145 = tpu.memref_slice %arg4[%add3A] : memref<320000xi32, #tpu.memory_space<hbm>> -> memref<10000xi32, #tpu.memory_space<hbm>>
      %dma_wait3A_146 = tpu.memref_slice %arg4[%add3A] : memref<320000xi32, #tpu.memory_space<hbm>> -> memref<10000xi32, #tpu.memory_space<hbm>>
      tpu.wait_dma2 semaphore(%run_scoped3A : memref<!tpu.dma_semaphore, #tpu.memory_space<semaphore_mem>>) src(%dma_wait3A_146 : memref<10000xi32, #tpu.memory_space<hbm>>) dst(%arg8 : memref<10000xi32, #tpu.memory_space<vmem>>)
      tpu.yield
    }) : () -> ()
    %mul3A_3 = arith.constant 640 : i32
    %mul3A_4 = arith.muli %arg1, %mul3A_3 : i32
    %mul3A_5 = arith.constant 640 : i32
    %mul3A_6 = arith.muli %arg1, %mul3A_5 : i32
    "tpu.region"() ({
      %run_scoped3A = tpu.sem_alloc : memref<!tpu.dma_semaphore, #tpu.memory_space<semaphore_mem>>
      %dma_start3A_143 = arith.constant 0 : i32
      %dma_start3A_144 = tpu.memref_slice %arg13[%mul3A_6, %dma_start3A_143] : memref<10240x128xf32, #tpu.memory_space<vmem_shared>> -> memref<640x128xf32, #tpu.memory_space<vmem_shared>>
      %dma_start3A_145 = arith.constant 0 : i32
      %dma_start3A_146 = tpu.memref_slice %arg5[%mul3A_4, %dma_start3A_145] : memref<10240x128xf32, #tpu.memory_space<hbm>> -> memref<640x128xf32, #tpu.memory_space<hbm>>
      tpu.enqueue_dma source(%dma_start3A_146 : memref<640x128xf32, #tpu.memory_space<hbm>>) target(%dma_start3A_144 : memref<640x128xf32, #tpu.memory_space<vmem_shared>>) target_semaphore(%run_scoped3A : memref<!tpu.dma_semaphore, #tpu.memory_space<semaphore_mem>>)
      %dma_wait3A_147 = arith.constant 0 : i32
      %dma_wait3A_148 = tpu.memref_slice %arg13[%mul3A_6, %dma_wait3A_147] : memref<10240x128xf32, #tpu.memory_space<vmem_shared>> -> memref<640x128xf32, #tpu.memory_space<vmem_shared>>
      %dma_wait3A_149 = arith.constant 0 : i32
      %dma_wait3A_150 = tpu.memref_slice %arg5[%mul3A_4, %dma_wait3A_149] : memref<10240x128xf32, #tpu.memory_space<hbm>> -> memref<640x128xf32, #tpu.memory_space<hbm>>
      tpu.wait_dma2 semaphore(%run_scoped3A : memref<!tpu.dma_semaphore, #tpu.memory_space<semaphore_mem>>) src(%dma_wait3A_150 : memref<640x128xf32, #tpu.memory_space<hbm>>) dst(%dma_wait3A_148 : memref<640x128xf32, #tpu.memory_space<vmem_shared>>)
      tpu.yield
    }) : () -> ()
    %barrier3A = arith.constant 0 : index
    tpu.barrier barrier_id(%barrier3A)
    %dma_start3A = arith.constant 0 : i32
    %dma_start3A_7 = tpu.memref_slice %arg7[%dma_start3A] : memref<10000xi32, #tpu.memory_space<vmem>> -> memref<96xi32, #tpu.memory_space<vmem>>
    %dma_start3A_8 = arith.constant 0 : i32
    %dma_start3A_9 = arith.constant 0 : i32
    %dma_start3A_10 = tpu.memref_slice %arg2[%dma_start3A_8, %dma_start3A_9] : memref<10000x128xf32, #tpu.memory_space<hbm>> -> memref<10000x128xf32, #tpu.memory_space<hbm>>
    tpu.enqueue_indirect_dma source(%dma_start3A_10 : memref<10000x128xf32, #tpu.memory_space<hbm>>) target(%arg11 : memref<96x128xf32, #tpu.memory_space<vmem>>) offsets(%dma_start3A_7 : memref<96xi32, #tpu.memory_space<vmem>>) semaphore(%arg14 : memref<!tpu.dma_semaphore, #tpu.memory_space<semaphore_mem>>)
    %dma_wait3A = arith.constant 0 : i32
    %dma_wait3A_11 = tpu.memref_slice %arg7[%dma_wait3A] : memref<10000xi32, #tpu.memory_space<vmem>> -> memref<96xi32, #tpu.memory_space<vmem>>
    %dma_wait3A_12 = arith.constant 0 : i32
    %dma_wait3A_13 = arith.constant 0 : i32
    %dma_wait3A_14 = tpu.memref_slice %arg2[%dma_wait3A_12, %dma_wait3A_13] : memref<10000x128xf32, #tpu.memory_space<hbm>> -> memref<10000x128xf32, #tpu.memory_space<hbm>>
    tpu.wait_indirect_dma semaphore(%arg14 : memref<!tpu.dma_semaphore, #tpu.memory_space<semaphore_mem>>) src(%dma_wait3A_14 : memref<10000x128xf32, #tpu.memory_space<hbm>>) dst(%arg11 : memref<96x128xf32, #tpu.memory_space<vmem>>)
    %scan3A = arith.constant 0 : i32
    %scan3A_15 = arith.constant 0 : i32
    %scan3A_16 = arith.constant 51 : i32
    %scan3A_17 = arith.addi %scan3A_15, %scan3A_16 : i32
    %scan3A_18 = arith.constant 1 : i32
    scf.for %scan3A_143 = %scan3A_15 to %scan3A_17 step %scan3A_18  : i32 {
      %mul3A_144 = arith.constant 2 : i32
      %mul3A_145 = arith.muli %mul3A_144, %scan3A_143 : i32
      %add3A_146 = arith.constant 1 : i32
      %add3A_147 = arith.addi %mul3A_145, %add3A_146 : i32
      %mul3A_148 = arith.constant 96 : i32
      %mul3A_149 = arith.muli %add3A_147, %mul3A_148 : i32
      %dma_start3A_150 = tpu.memref_slice %arg7[%mul3A_149] : memref<10000xi32, #tpu.memory_space<vmem>> -> memref<96xi32, #tpu.memory_space<vmem>>
      %dma_start3A_151 = arith.constant 0 : i32
      %dma_start3A_152 = arith.constant 0 : i32
      %dma_start3A_153 = tpu.memref_slice %arg2[%dma_start3A_151, %dma_start3A_152] : memref<10000x128xf32, #tpu.memory_space<hbm>> -> memref<10000x128xf32, #tpu.memory_space<hbm>>
      tpu.enqueue_indirect_dma source(%dma_start3A_153 : memref<10000x128xf32, #tpu.memory_space<hbm>>) target(%arg12 : memref<96x128xf32, #tpu.memory_space<vmem>>) offsets(%dma_start3A_150 : memref<96xi32, #tpu.memory_space<vmem>>) semaphore(%arg15 : memref<!tpu.dma_semaphore, #tpu.memory_space<semaphore_mem>>)
      %sub3A = arith.constant 1 : i32
      %sub3A_154 = arith.subi %add3A_147, %sub3A : i32
      %mul3A_155 = arith.constant 96 : i32
      %mul3A_156 = arith.muli %sub3A_154, %mul3A_155 : i32
      %add3A_157 = arith.constant 0 : i32
      %add3A_158 = arith.addi %mul3A_156, %add3A_157 : i32
      %get3A_159 = arith.index_cast %add3A_158 : i32 to index
      %get3A_160 = tpu.vector_load %arg8[%get3A_159] {strides = array<i32>} : memref<10000xi32, #tpu.memory_space<vmem>>, vector<16xi32>,
      %get3A_161 = vector.shape_cast %get3A_160 : vector<16xi32> to vector<16xi32>
      %swap3A_162 = arith.constant 0 : index
      %swap3A_163 = tpu.vector_load %arg9[%swap3A_162] {strides = array<i32>} : memref<96xi32, #tpu.memory_space<vmem>>, vector<16xi32>,
      %swap3A_164 = vector.shape_cast %swap3A_163 : vector<16xi32> to vector<16xi32>
      %swap3A_165 = vector.shape_cast %get3A_161 : vector<16xi32> to vector<16xi32>
      tpu.vector_store %arg9[%swap3A_162], %swap3A_165 {strides = array<i32>} : memref<96xi32, #tpu.memory_space<vmem>>, vector<16xi32>,
      %add3A_166 = arith.constant 16 : i32
      %add3A_167 = arith.addi %mul3A_156, %add3A_166 : i32
      %get3A_168 = arith.index_cast %add3A_167 : i32 to index
      %get3A_169 = tpu.vector_load %arg8[%get3A_168] {strides = array<i32>} : memref<10000xi32, #tpu.memory_space<vmem>>, vector<16xi32>,
      %get3A_170 = vector.shape_cast %get3A_169 : vector<16xi32> to vector<16xi32>
      %swap3A_171 = arith.constant 16 : index
      %swap3A_172 = tpu.vector_load %arg9[%swap3A_171] {strides = array<i32>} : memref<96xi32, #tpu.memory_space<vmem>>, vector<16xi32>,
      %swap3A_173 = vector.shape_cast %swap3A_172 : vector<16xi32> to vector<16xi32>
      %swap3A_174 = vector.shape_cast %get3A_170 : vector<16xi32> to vector<16xi32>
      tpu.vector_store %arg9[%swap3A_171], %swap3A_174 {strides = array<i32>} : memref<96xi32, #tpu.memory_space<vmem>>, vector<16xi32>,
      %add3A_175 = arith.constant 32 : i32
      %add3A_176 = arith.addi %mul3A_156, %add3A_175 : i32
      %get3A_177 = arith.index_cast %add3A_176 : i32 to index
      %get3A_178 = tpu.vector_load %arg8[%get3A_177] {strides = array<i32>} : memref<10000xi32, #tpu.memory_space<vmem>>, vector<16xi32>,
      %get3A_179 = vector.shape_cast %get3A_178 : vector<16xi32> to vector<16xi32>
      %swap3A_180 = arith.constant 32 : index
      %swap3A_181 = tpu.vector_load %arg9[%swap3A_180] {strides = array<i32>} : memref<96xi32, #tpu.memory_space<vmem>>, vector<16xi32>,
      %swap3A_182 = vector.shape_cast %swap3A_181 : vector<16xi32> to vector<16xi32>
      %swap3A_183 = vector.shape_cast %get3A_179 : vector<16xi32> to vector<16xi32>
      tpu.vector_store %arg9[%swap3A_180], %swap3A_183 {strides = array<i32>} : memref<96xi32, #tpu.memory_space<vmem>>, vector<16xi32>,
      %add3A_184 = arith.constant 48 : i32
      %add3A_185 = arith.addi %mul3A_156, %add3A_184 : i32
      %get3A_186 = arith.index_cast %add3A_185 : i32 to index
      %get3A_187 = tpu.vector_load %arg8[%get3A_186] {strides = array<i32>} : memref<10000xi32, #tpu.memory_space<vmem>>, vector<16xi32>,
      %get3A_188 = vector.shape_cast %get3A_187 : vector<16xi32> to vector<16xi32>
      %swap3A_189 = arith.constant 48 : index
      %swap3A_190 = tpu.vector_load %arg9[%swap3A_189] {strides = array<i32>} : memref<96xi32, #tpu.memory_space<vmem>>, vector<16xi32>,
      %swap3A_191 = vector.shape_cast %swap3A_190 : vector<16xi32> to vector<16xi32>
      %swap3A_192 = vector.shape_cast %get3A_188 : vector<16xi32> to vector<16xi32>
      tpu.vector_store %arg9[%swap3A_189], %swap3A_192 {strides = array<i32>} : memref<96xi32, #tpu.memory_space<vmem>>, vector<16xi32>,
      %add3A_193 = arith.constant 64 : i32
      %add3A_194 = arith.addi %mul3A_156, %add3A_193 : i32
      %get3A_195 = arith.index_cast %add3A_194 : i32 to index
      %get3A_196 = tpu.vector_load %arg8[%get3A_195] {strides = array<i32>} : memref<10000xi32, #tpu.memory_space<vmem>>, vector<16xi32>,
      %get3A_197 = vector.shape_cast %get3A_196 : vector<16xi32> to vector<16xi32>
      %swap3A_198 = arith.constant 64 : index
      %swap3A_199 = tpu.vector_load %arg9[%swap3A_198] {strides = array<i32>} : memref<96xi32, #tpu.memory_space<vmem>>, vector<16xi32>,
      %swap3A_200 = vector.shape_cast %swap3A_199 : vector<16xi32> to vector<16xi32>
      %swap3A_201 = vector.shape_cast %get3A_197 : vector<16xi32> to vector<16xi32>
      tpu.vector_store %arg9[%swap3A_198], %swap3A_201 {strides = array<i32>} : memref<96xi32, #tpu.memory_space<vmem>>, vector<16xi32>,
      %add3A_202 = arith.constant 80 : i32
      %add3A_203 = arith.addi %mul3A_156, %add3A_202 : i32
      %get3A_204 = arith.index_cast %add3A_203 : i32 to index
      %get3A_205 = tpu.vector_load %arg8[%get3A_204] {strides = array<i32>} : memref<10000xi32, #tpu.memory_space<vmem>>, vector<16xi32>,
      %get3A_206 = vector.shape_cast %get3A_205 : vector<16xi32> to vector<16xi32>
      %swap3A_207 = arith.constant 80 : index
      %swap3A_208 = tpu.vector_load %arg9[%swap3A_207] {strides = array<i32>} : memref<96xi32, #tpu.memory_space<vmem>>, vector<16xi32>,
      %swap3A_209 = vector.shape_cast %swap3A_208 : vector<16xi32> to vector<16xi32>
      %swap3A_210 = vector.shape_cast %get3A_206 : vector<16xi32> to vector<16xi32>
      tpu.vector_store %arg9[%swap3A_207], %swap3A_210 {strides = array<i32>} : memref<96xi32, #tpu.memory_space<vmem>>, vector<16xi32>,
      "tpu.region"() ({
        %run_scoped3A = tpu.sem_alloc : memref<!tpu.dma_semaphore, #tpu.memory_space<semaphore_mem>>
        %dma_start3A_283 = arith.constant 0 : i32
        %dma_start3A_284 = arith.constant 0 : i32
        %dma_start3A_285 = tpu.memref_slice %arg13[%dma_start3A_283, %dma_start3A_284] : memref<10240x128xf32, #tpu.memory_space<vmem_shared>> -> memref<10240x128xf32, #tpu.memory_space<vmem_shared>>
        tpu.enqueue_indirect_dma source(%arg11 : memref<96x128xf32, #tpu.memory_space<vmem>>) target(%dma_start3A_285 : memref<10240x128xf32, #tpu.memory_space<vmem_shared>>) offsets(%arg9 : memref<96xi32, #tpu.memory_space<vmem>>) semaphore(%run_scoped3A : memref<!tpu.dma_semaphore, #tpu.memory_space<semaphore_mem>>) {add = true}
        %dma_wait3A_286 = arith.constant 0 : i32
        %dma_wait3A_287 = arith.constant 0 : i32
        %dma_wait3A_288 = tpu.memref_slice %arg13[%dma_wait3A_286, %dma_wait3A_287] : memref<10240x128xf32, #tpu.memory_space<vmem_shared>> -> memref<10240x128xf32, #tpu.memory_space<vmem_shared>>
        tpu.wait_indirect_dma semaphore(%run_scoped3A : memref<!tpu.dma_semaphore, #tpu.memory_space<semaphore_mem>>) src(%arg11 : memref<96x128xf32, #tpu.memory_space<vmem>>) dst(%dma_wait3A_288 : memref<10240x128xf32, #tpu.memory_space<vmem_shared>>)
        tpu.yield
      }) : () -> ()
      %dma_wait3A_211 = tpu.memref_slice %arg7[%mul3A_149] : memref<10000xi32, #tpu.memory_space<vmem>> -> memref<96xi32, #tpu.memory_space<vmem>>
      %dma_wait3A_212 = arith.constant 0 : i32
      %dma_wait3A_213 = arith.constant 0 : i32
      %dma_wait3A_214 = tpu.memref_slice %arg2[%dma_wait3A_212, %dma_wait3A_213] : memref<10000x128xf32, #tpu.memory_space<hbm>> -> memref<10000x128xf32, #tpu.memory_space<hbm>>
      tpu.wait_indirect_dma semaphore(%arg15 : memref<!tpu.dma_semaphore, #tpu.memory_space<semaphore_mem>>) src(%dma_wait3A_214 : memref<10000x128xf32, #tpu.memory_space<hbm>>) dst(%arg12 : memref<96x128xf32, #tpu.memory_space<vmem>>)
      %add3A_215 = arith.constant 1 : i32
      %add3A_216 = arith.addi %add3A_147, %add3A_215 : i32
      %mul3A_217 = arith.constant 96 : i32
      %mul3A_218 = arith.muli %add3A_216, %mul3A_217 : i32
      %dma_start3A_219 = tpu.memref_slice %arg7[%mul3A_218] : memref<10000xi32, #tpu.memory_space<vmem>> -> memref<96xi32, #tpu.memory_space<vmem>>
      %dma_start3A_220 = arith.constant 0 : i32
      %dma_start3A_221 = arith.constant 0 : i32
      %dma_start3A_222 = tpu.memref_slice %arg2[%dma_start3A_220, %dma_start3A_221] : memref<10000x128xf32, #tpu.memory_space<hbm>> -> memref<10000x128xf32, #tpu.memory_space<hbm>>
      tpu.enqueue_indirect_dma source(%dma_start3A_222 : memref<10000x128xf32, #tpu.memory_space<hbm>>) target(%arg11 : memref<96x128xf32, #tpu.memory_space<vmem>>) offsets(%dma_start3A_219 : memref<96xi32, #tpu.memory_space<vmem>>) semaphore(%arg14 : memref<!tpu.dma_semaphore, #tpu.memory_space<semaphore_mem>>)
      %mul3A_223 = arith.constant 96 : i32
      %mul3A_224 = arith.muli %add3A_147, %mul3A_223 : i32
      %add3A_225 = arith.constant 0 : i32
      %add3A_226 = arith.addi %mul3A_224, %add3A_225 : i32
      %get3A_227 = arith.index_cast %add3A_226 : i32 to index
      %get3A_228 = tpu.vector_load %arg8[%get3A_227] {strides = array<i32>} : memref<10000xi32, #tpu.memory_space<vmem>>, vector<16xi32>,
      %get3A_229 = vector.shape_cast %get3A_228 : vector<16xi32> to vector<16xi32>
      %swap3A_230 = arith.constant 0 : index
      %swap3A_231 = tpu.vector_load %arg9[%swap3A_230] {strides = array<i32>} : memref<96xi32, #tpu.memory_space<vmem>>, vector<16xi32>,
      %swap3A_232 = vector.shape_cast %swap3A_231 : vector<16xi32> to vector<16xi32>
      %swap3A_233 = vector.shape_cast %get3A_229 : vector<16xi32> to vector<16xi32>
      tpu.vector_store %arg9[%swap3A_230], %swap3A_233 {strides = array<i32>} : memref<96xi32, #tpu.memory_space<vmem>>, vector<16xi32>,
      %add3A_234 = arith.constant 16 : i32
      %add3A_235 = arith.addi %mul3A_224, %add3A_234 : i32
      %get3A_236 = arith.index_cast %add3A_235 : i32 to index
      %get3A_237 = tpu.vector_load %arg8[%get3A_236] {strides = array<i32>} : memref<10000xi32, #tpu.memory_space<vmem>>, vector<16xi32>,
      %get3A_238 = vector.shape_cast %get3A_237 : vector<16xi32> to vector<16xi32>
      %swap3A_239 = arith.constant 16 : index
      %swap3A_240 = tpu.vector_load %arg9[%swap3A_239] {strides = array<i32>} : memref<96xi32, #tpu.memory_space<vmem>>, vector<16xi32>,
      %swap3A_241 = vector.shape_cast %swap3A_240 : vector<16xi32> to vector<16xi32>
      %swap3A_242 = vector.shape_cast %get3A_238 : vector<16xi32> to vector<16xi32>
      tpu.vector_store %arg9[%swap3A_239], %swap3A_242 {strides = array<i32>} : memref<96xi32, #tpu.memory_space<vmem>>, vector<16xi32>,
      %add3A_243 = arith.constant 32 : i32
      %add3A_244 = arith.addi %mul3A_224, %add3A_243 : i32
      %get3A_245 = arith.index_cast %add3A_244 : i32 to index
      %get3A_246 = tpu.vector_load %arg8[%get3A_245] {strides = array<i32>} : memref<10000xi32, #tpu.memory_space<vmem>>, vector<16xi32>,
      %get3A_247 = vector.shape_cast %get3A_246 : vector<16xi32> to vector<16xi32>
      %swap3A_248 = arith.constant 32 : index
      %swap3A_249 = tpu.vector_load %arg9[%swap3A_248] {strides = array<i32>} : memref<96xi32, #tpu.memory_space<vmem>>, vector<16xi32>,
      %swap3A_250 = vector.shape_cast %swap3A_249 : vector<16xi32> to vector<16xi32>
      %swap3A_251 = vector.shape_cast %get3A_247 : vector<16xi32> to vector<16xi32>
      tpu.vector_store %arg9[%swap3A_248], %swap3A_251 {strides = array<i32>} : memref<96xi32, #tpu.memory_space<vmem>>, vector<16xi32>,
      %add3A_252 = arith.constant 48 : i32
      %add3A_253 = arith.addi %mul3A_224, %add3A_252 : i32
      %get3A_254 = arith.index_cast %add3A_253 : i32 to index
      %get3A_255 = tpu.vector_load %arg8[%get3A_254] {strides = array<i32>} : memref<10000xi32, #tpu.memory_space<vmem>>, vector<16xi32>,
      %get3A_256 = vector.shape_cast %get3A_255 : vector<16xi32> to vector<16xi32>
      %swap3A_257 = arith.constant 48 : index
      %swap3A_258 = tpu.vector_load %arg9[%swap3A_257] {strides = array<i32>} : memref<96xi32, #tpu.memory_space<vmem>>, vector<16xi32>,
      %swap3A_259 = vector.shape_cast %swap3A_258 : vector<16xi32> to vector<16xi32>
      %swap3A_260 = vector.shape_cast %get3A_256 : vector<16xi32> to vector<16xi32>
      tpu.vector_store %arg9[%swap3A_257], %swap3A_260 {strides = array<i32>} : memref<96xi32, #tpu.memory_space<vmem>>, vector<16xi32>,
      %add3A_261 = arith.constant 64 : i32
      %add3A_262 = arith.addi %mul3A_224, %add3A_261 : i32
      %get3A_263 = arith.index_cast %add3A_262 : i32 to index
      %get3A_264 = tpu.vector_load %arg8[%get3A_263] {strides = array<i32>} : memref<10000xi32, #tpu.memory_space<vmem>>, vector<16xi32>,
      %get3A_265 = vector.shape_cast %get3A_264 : vector<16xi32> to vector<16xi32>
      %swap3A_266 = arith.constant 64 : index
      %swap3A_267 = tpu.vector_load %arg9[%swap3A_266] {strides = array<i32>} : memref<96xi32, #tpu.memory_space<vmem>>, vector<16xi32>,
      %swap3A_268 = vector.shape_cast %swap3A_267 : vector<16xi32> to vector<16xi32>
      %swap3A_269 = vector.shape_cast %get3A_265 : vector<16xi32> to vector<16xi32>
      tpu.vector_store %arg9[%swap3A_266], %swap3A_269 {strides = array<i32>} : memref<96xi32, #tpu.memory_space<vmem>>, vector<16xi32>,
      %add3A_270 = arith.constant 80 : i32
      %add3A_271 = arith.addi %mul3A_224, %add3A_270 : i32
      %get3A_272 = arith.index_cast %add3A_271 : i32 to index
      %get3A_273 = tpu.vector_load %arg8[%get3A_272] {strides = array<i32>} : memref<10000xi32, #tpu.memory_space<vmem>>, vector<16xi32>,
      %get3A_274 = vector.shape_cast %get3A_273 : vector<16xi32> to vector<16xi32>
      %swap3A_275 = arith.constant 80 : index
      %swap3A_276 = tpu.vector_load %arg9[%swap3A_275] {strides = array<i32>} : memref<96xi32, #tpu.memory_space<vmem>>, vector<16xi32>,
      %swap3A_277 = vector.shape_cast %swap3A_276 : vector<16xi32> to vector<16xi32>
      %swap3A_278 = vector.shape_cast %get3A_274 : vector<16xi32> to vector<16xi32>
      tpu.vector_store %arg9[%swap3A_275], %swap3A_278 {strides = array<i32>} : memref<96xi32, #tpu.memory_space<vmem>>, vector<16xi32>,
      "tpu.region"() ({
        %run_scoped3A = tpu.sem_alloc : memref<!tpu.dma_semaphore, #tpu.memory_space<semaphore_mem>>
        %dma_start3A_283 = arith.constant 0 : i32
        %dma_start3A_284 = arith.constant 0 : i32
        %dma_start3A_285 = tpu.memref_slice %arg13[%dma_start3A_283, %dma_start3A_284] : memref<10240x128xf32, #tpu.memory_space<vmem_shared>> -> memref<10240x128xf32, #tpu.memory_space<vmem_shared>>
        tpu.enqueue_indirect_dma source(%arg12 : memref<96x128xf32, #tpu.memory_space<vmem>>) target(%dma_start3A_285 : memref<10240x128xf32, #tpu.memory_space<vmem_shared>>) offsets(%arg9 : memref<96xi32, #tpu.memory_space<vmem>>) semaphore(%run_scoped3A : memref<!tpu.dma_semaphore, #tpu.memory_space<semaphore_mem>>) {add = true}
        %dma_wait3A_286 = arith.constant 0 : i32
        %dma_wait3A_287 = arith.constant 0 : i32
        %dma_wait3A_288 = tpu.memref_slice %arg13[%dma_wait3A_286, %dma_wait3A_287] : memref<10240x128xf32, #tpu.memory_space<vmem_shared>> -> memref<10240x128xf32, #tpu.memory_space<vmem_shared>>
        tpu.wait_indirect_dma semaphore(%run_scoped3A : memref<!tpu.dma_semaphore, #tpu.memory_space<semaphore_mem>>) src(%arg12 : memref<96x128xf32, #tpu.memory_space<vmem>>) dst(%dma_wait3A_288 : memref<10240x128xf32, #tpu.memory_space<vmem_shared>>)
        tpu.yield
      }) : () -> ()
      %dma_wait3A_279 = tpu.memref_slice %arg7[%mul3A_218] : memref<10000xi32, #tpu.memory_space<vmem>> -> memref<96xi32, #tpu.memory_space<vmem>>
      %dma_wait3A_280 = arith.constant 0 : i32
      %dma_wait3A_281 = arith.constant 0 : i32
      %dma_wait3A_282 = tpu.memref_slice %arg2[%dma_wait3A_280, %dma_wait3A_281] : memref<10000x128xf32, #tpu.memory_space<hbm>> -> memref<10000x128xf32, #tpu.memory_space<hbm>>
      tpu.wait_indirect_dma semaphore(%arg14 : memref<!tpu.dma_semaphore, #tpu.memory_space<semaphore_mem>>) src(%dma_wait3A_282 : memref<10000x128xf32, #tpu.memory_space<hbm>>) dst(%arg11 : memref<96x128xf32, #tpu.memory_space<vmem>>)
    }
    %scan3A_19 = arith.constant 51 : i32
    %dma_start3A_20 = arith.constant 9888 : i32
    %dma_start3A_21 = tpu.memref_slice %arg7[%dma_start3A_20] : memref<10000xi32, #tpu.memory_space<vmem>> -> memref<96xi32, #tpu.memory_space<vmem>>
    %dma_start3A_22 = arith.constant 0 : i32
    %dma_start3A_23 = arith.constant 0 : i32
    %dma_start3A_24 = tpu.memref_slice %arg2[%dma_start3A_22, %dma_start3A_23] : memref<10000x128xf32, #tpu.memory_space<hbm>> -> memref<10000x128xf32, #tpu.memory_space<hbm>>
    tpu.enqueue_indirect_dma source(%dma_start3A_24 : memref<10000x128xf32, #tpu.memory_space<hbm>>) target(%arg12 : memref<96x128xf32, #tpu.memory_space<vmem>>) offsets(%dma_start3A_21 : memref<96xi32, #tpu.memory_space<vmem>>) semaphore(%arg15 : memref<!tpu.dma_semaphore, #tpu.memory_space<semaphore_mem>>)
    %get3A = arith.constant 9792 : index
    %get3A_25 = tpu.vector_load %arg8[%get3A] {strides = array<i32>} : memref<10000xi32, #tpu.memory_space<vmem>>, vector<16xi32>,
    %get3A_26 = vector.shape_cast %get3A_25 : vector<16xi32> to vector<16xi32>
    %swap3A = arith.constant 0 : index
    %swap3A_27 = tpu.vector_load %arg9[%swap3A] {strides = array<i32>} : memref<96xi32, #tpu.memory_space<vmem>>, vector<16xi32>,
    %swap3A_28 = vector.shape_cast %swap3A_27 : vector<16xi32> to vector<16xi32>
    %swap3A_29 = vector.shape_cast %get3A_26 : vector<16xi32> to vector<16xi32>
    tpu.vector_store %arg9[%swap3A], %swap3A_29 {strides = array<i32>} : memref<96xi32, #tpu.memory_space<vmem>>, vector<16xi32>,
    %get3A_30 = arith.constant 9808 : index
    %get3A_31 = tpu.vector_load %arg8[%get3A_30] {strides = array<i32>} : memref<10000xi32, #tpu.memory_space<vmem>>, vector<16xi32>,
    %get3A_32 = vector.shape_cast %get3A_31 : vector<16xi32> to vector<16xi32>
    %swap3A_33 = arith.constant 16 : index
    %swap3A_34 = tpu.vector_load %arg9[%swap3A_33] {strides = array<i32>} : memref<96xi32, #tpu.memory_space<vmem>>, vector<16xi32>,
    %swap3A_35 = vector.shape_cast %swap3A_34 : vector<16xi32> to vector<16xi32>
    %swap3A_36 = vector.shape_cast %get3A_32 : vector<16xi32> to vector<16xi32>
    tpu.vector_store %arg9[%swap3A_33], %swap3A_36 {strides = array<i32>} : memref<96xi32, #tpu.memory_space<vmem>>, vector<16xi32>,
    %get3A_37 = arith.constant 9824 : index
    %get3A_38 = tpu.vector_load %arg8[%get3A_37] {strides = array<i32>} : memref<10000xi32, #tpu.memory_space<vmem>>, vector<16xi32>,
    %get3A_39 = vector.shape_cast %get3A_38 : vector<16xi32> to vector<16xi32>
    %swap3A_40 = arith.constant 32 : index
    %swap3A_41 = tpu.vector_load %arg9[%swap3A_40] {strides = array<i32>} : memref<96xi32, #tpu.memory_space<vmem>>, vector<16xi32>,
    %swap3A_42 = vector.shape_cast %swap3A_41 : vector<16xi32> to vector<16xi32>
    %swap3A_43 = vector.shape_cast %get3A_39 : vector<16xi32> to vector<16xi32>
    tpu.vector_store %arg9[%swap3A_40], %swap3A_43 {strides = array<i32>} : memref<96xi32, #tpu.memory_space<vmem>>, vector<16xi32>,
    %get3A_44 = arith.constant 9840 : index
    %get3A_45 = tpu.vector_load %arg8[%get3A_44] {strides = array<i32>} : memref<10000xi32, #tpu.memory_space<vmem>>, vector<16xi32>,
    %get3A_46 = vector.shape_cast %get3A_45 : vector<16xi32> to vector<16xi32>
    %swap3A_47 = arith.constant 48 : index
    %swap3A_48 = tpu.vector_load %arg9[%swap3A_47] {strides = array<i32>} : memref<96xi32, #tpu.memory_space<vmem>>, vector<16xi32>,
    %swap3A_49 = vector.shape_cast %swap3A_48 : vector<16xi32> to vector<16xi32>
    %swap3A_50 = vector.shape_cast %get3A_46 : vector<16xi32> to vector<16xi32>
    tpu.vector_store %arg9[%swap3A_47], %swap3A_50 {strides = array<i32>} : memref<96xi32, #tpu.memory_space<vmem>>, vector<16xi32>,
    %get3A_51 = arith.constant 9856 : index
    %get3A_52 = tpu.vector_load %arg8[%get3A_51] {strides = array<i32>} : memref<10000xi32, #tpu.memory_space<vmem>>, vector<16xi32>,
    %get3A_53 = vector.shape_cast %get3A_52 : vector<16xi32> to vector<16xi32>
    %swap3A_54 = arith.constant 64 : index
    %swap3A_55 = tpu.vector_load %arg9[%swap3A_54] {strides = array<i32>} : memref<96xi32, #tpu.memory_space<vmem>>, vector<16xi32>,
    %swap3A_56 = vector.shape_cast %swap3A_55 : vector<16xi32> to vector<16xi32>
    %swap3A_57 = vector.shape_cast %get3A_53 : vector<16xi32> to vector<16xi32>
    tpu.vector_store %arg9[%swap3A_54], %swap3A_57 {strides = array<i32>} : memref<96xi32, #tpu.memory_space<vmem>>, vector<16xi32>,
    %get3A_58 = arith.constant 9872 : index
    %get3A_59 = tpu.vector_load %arg8[%get3A_58] {strides = array<i32>} : memref<10000xi32, #tpu.memory_space<vmem>>, vector<16xi32>,
    %get3A_60 = vector.shape_cast %get3A_59 : vector<16xi32> to vector<16xi32>
    %swap3A_61 = arith.constant 80 : index
    %swap3A_62 = tpu.vector_load %arg9[%swap3A_61] {strides = array<i32>} : memref<96xi32, #tpu.memory_space<vmem>>, vector<16xi32>,
    %swap3A_63 = vector.shape_cast %swap3A_62 : vector<16xi32> to vector<16xi32>
    %swap3A_64 = vector.shape_cast %get3A_60 : vector<16xi32> to vector<16xi32>
    tpu.vector_store %arg9[%swap3A_61], %swap3A_64 {strides = array<i32>} : memref<96xi32, #tpu.memory_space<vmem>>, vector<16xi32>,
    "tpu.region"() ({
      %run_scoped3A = tpu.sem_alloc : memref<!tpu.dma_semaphore, #tpu.memory_space<semaphore_mem>>
      %dma_start3A_143 = arith.constant 0 : i32
      %dma_start3A_144 = arith.constant 0 : i32
      %dma_start3A_145 = tpu.memref_slice %arg13[%dma_start3A_143, %dma_start3A_144] : memref<10240x128xf32, #tpu.memory_space<vmem_shared>> -> memref<10240x128xf32, #tpu.memory_space<vmem_shared>>
      tpu.enqueue_indirect_dma source(%arg11 : memref<96x128xf32, #tpu.memory_space<vmem>>) target(%dma_start3A_145 : memref<10240x128xf32, #tpu.memory_space<vmem_shared>>) offsets(%arg9 : memref<96xi32, #tpu.memory_space<vmem>>) semaphore(%run_scoped3A : memref<!tpu.dma_semaphore, #tpu.memory_space<semaphore_mem>>) {add = true}
      %dma_wait3A_146 = arith.constant 0 : i32
      %dma_wait3A_147 = arith.constant 0 : i32
      %dma_wait3A_148 = tpu.memref_slice %arg13[%dma_wait3A_146, %dma_wait3A_147] : memref<10240x128xf32, #tpu.memory_space<vmem_shared>> -> memref<10240x128xf32, #tpu.memory_space<vmem_shared>>
      tpu.wait_indirect_dma semaphore(%run_scoped3A : memref<!tpu.dma_semaphore, #tpu.memory_space<semaphore_mem>>) src(%arg11 : memref<96x128xf32, #tpu.memory_space<vmem>>) dst(%dma_wait3A_148 : memref<10240x128xf32, #tpu.memory_space<vmem_shared>>)
      tpu.yield
    }) : () -> ()
    %dma_wait3A_65 = arith.constant 9888 : i32
    %dma_wait3A_66 = tpu.memref_slice %arg7[%dma_wait3A_65] : memref<10000xi32, #tpu.memory_space<vmem>> -> memref<96xi32, #tpu.memory_space<vmem>>
    %dma_wait3A_67 = arith.constant 0 : i32
    %dma_wait3A_68 = arith.constant 0 : i32
    %dma_wait3A_69 = tpu.memref_slice %arg2[%dma_wait3A_67, %dma_wait3A_68] : memref<10000x128xf32, #tpu.memory_space<hbm>> -> memref<10000x128xf32, #tpu.memory_space<hbm>>
    tpu.wait_indirect_dma semaphore(%arg15 : memref<!tpu.dma_semaphore, #tpu.memory_space<semaphore_mem>>) src(%dma_wait3A_69 : memref<10000x128xf32, #tpu.memory_space<hbm>>) dst(%arg12 : memref<96x128xf32, #tpu.memory_space<vmem>>)
    %get3A_70 = arith.constant 9888 : index
    %get3A_71 = tpu.vector_load %arg8[%get3A_70] {strides = array<i32>} : memref<10000xi32, #tpu.memory_space<vmem>>, vector<16xi32>,
    %get3A_72 = vector.shape_cast %get3A_71 : vector<16xi32> to vector<16xi32>
    %swap3A_73 = arith.constant 0 : index
    %swap3A_74 = tpu.vector_load %arg9[%swap3A_73] {strides = array<i32>} : memref<96xi32, #tpu.memory_space<vmem>>, vector<16xi32>,
    %swap3A_75 = vector.shape_cast %swap3A_74 : vector<16xi32> to vector<16xi32>
    %swap3A_76 = vector.shape_cast %get3A_72 : vector<16xi32> to vector<16xi32>
    tpu.vector_store %arg9[%swap3A_73], %swap3A_76 {strides = array<i32>} : memref<96xi32, #tpu.memory_space<vmem>>, vector<16xi32>,
    %get3A_77 = arith.constant 9904 : index
    %get3A_78 = tpu.vector_load %arg8[%get3A_77] {strides = array<i32>} : memref<10000xi32, #tpu.memory_space<vmem>>, vector<16xi32>,
    %get3A_79 = vector.shape_cast %get3A_78 : vector<16xi32> to vector<16xi32>
    %swap3A_80 = arith.constant 16 : index
    %swap3A_81 = tpu.vector_load %arg9[%swap3A_80] {strides = array<i32>} : memref<96xi32, #tpu.memory_space<vmem>>, vector<16xi32>,
    %swap3A_82 = vector.shape_cast %swap3A_81 : vector<16xi32> to vector<16xi32>
    %swap3A_83 = vector.shape_cast %get3A_79 : vector<16xi32> to vector<16xi32>
    tpu.vector_store %arg9[%swap3A_80], %swap3A_83 {strides = array<i32>} : memref<96xi32, #tpu.memory_space<vmem>>, vector<16xi32>,
    %get3A_84 = arith.constant 9920 : index
    %get3A_85 = tpu.vector_load %arg8[%get3A_84] {strides = array<i32>} : memref<10000xi32, #tpu.memory_space<vmem>>, vector<16xi32>,
    %get3A_86 = vector.shape_cast %get3A_85 : vector<16xi32> to vector<16xi32>
    %swap3A_87 = arith.constant 32 : index
    %swap3A_88 = tpu.vector_load %arg9[%swap3A_87] {strides = array<i32>} : memref<96xi32, #tpu.memory_space<vmem>>, vector<16xi32>,
    %swap3A_89 = vector.shape_cast %swap3A_88 : vector<16xi32> to vector<16xi32>
    %swap3A_90 = vector.shape_cast %get3A_86 : vector<16xi32> to vector<16xi32>
    tpu.vector_store %arg9[%swap3A_87], %swap3A_90 {strides = array<i32>} : memref<96xi32, #tpu.memory_space<vmem>>, vector<16xi32>,
    %get3A_91 = arith.constant 9936 : index
    %get3A_92 = tpu.vector_load %arg8[%get3A_91] {strides = array<i32>} : memref<10000xi32, #tpu.memory_space<vmem>>, vector<16xi32>,
    %get3A_93 = vector.shape_cast %get3A_92 : vector<16xi32> to vector<16xi32>
    %swap3A_94 = arith.constant 48 : index
    %swap3A_95 = tpu.vector_load %arg9[%swap3A_94] {strides = array<i32>} : memref<96xi32, #tpu.memory_space<vmem>>, vector<16xi32>,
    %swap3A_96 = vector.shape_cast %swap3A_95 : vector<16xi32> to vector<16xi32>
    %swap3A_97 = vector.shape_cast %get3A_93 : vector<16xi32> to vector<16xi32>
    tpu.vector_store %arg9[%swap3A_94], %swap3A_97 {strides = array<i32>} : memref<96xi32, #tpu.memory_space<vmem>>, vector<16xi32>,
    %get3A_98 = arith.constant 9952 : index
    %get3A_99 = tpu.vector_load %arg8[%get3A_98] {strides = array<i32>} : memref<10000xi32, #tpu.memory_space<vmem>>, vector<16xi32>,
    %get3A_100 = vector.shape_cast %get3A_99 : vector<16xi32> to vector<16xi32>
    %swap3A_101 = arith.constant 64 : index
    %swap3A_102 = tpu.vector_load %arg9[%swap3A_101] {strides = array<i32>} : memref<96xi32, #tpu.memory_space<vmem>>, vector<16xi32>,
    %swap3A_103 = vector.shape_cast %swap3A_102 : vector<16xi32> to vector<16xi32>
    %swap3A_104 = vector.shape_cast %get3A_100 : vector<16xi32> to vector<16xi32>
    tpu.vector_store %arg9[%swap3A_101], %swap3A_104 {strides = array<i32>} : memref<96xi32, #tpu.memory_space<vmem>>, vector<16xi32>,
    %get3A_105 = arith.constant 9968 : index
    %get3A_106 = tpu.vector_load %arg8[%get3A_105] {strides = array<i32>} : memref<10000xi32, #tpu.memory_space<vmem>>, vector<16xi32>,
    %get3A_107 = vector.shape_cast %get3A_106 : vector<16xi32> to vector<16xi32>
    %swap3A_108 = arith.constant 80 : index
    %swap3A_109 = tpu.vector_load %arg9[%swap3A_108] {strides = array<i32>} : memref<96xi32, #tpu.memory_space<vmem>>, vector<16xi32>,
    %swap3A_110 = vector.shape_cast %swap3A_109 : vector<16xi32> to vector<16xi32>
    %swap3A_111 = vector.shape_cast %get3A_107 : vector<16xi32> to vector<16xi32>
    tpu.vector_store %arg9[%swap3A_108], %swap3A_111 {strides = array<i32>} : memref<96xi32, #tpu.memory_space<vmem>>, vector<16xi32>,
    "tpu.region"() ({
      %run_scoped3A = tpu.sem_alloc : memref<!tpu.dma_semaphore, #tpu.memory_space<semaphore_mem>>
      %dma_start3A_143 = arith.constant 0 : i32
      %dma_start3A_144 = arith.constant 0 : i32
      %dma_start3A_145 = tpu.memref_slice %arg13[%dma_start3A_143, %dma_start3A_144] : memref<10240x128xf32, #tpu.memory_space<vmem_shared>> -> memref<10240x128xf32, #tpu.memory_space<vmem_shared>>
      tpu.enqueue_indirect_dma source(%arg12 : memref<96x128xf32, #tpu.memory_space<vmem>>) target(%dma_start3A_145 : memref<10240x128xf32, #tpu.memory_space<vmem_shared>>) offsets(%arg9 : memref<96xi32, #tpu.memory_space<vmem>>) semaphore(%run_scoped3A : memref<!tpu.dma_semaphore, #tpu.memory_space<semaphore_mem>>) {add = true}
      %dma_wait3A_146 = arith.constant 0 : i32
      %dma_wait3A_147 = arith.constant 0 : i32
      %dma_wait3A_148 = tpu.memref_slice %arg13[%dma_wait3A_146, %dma_wait3A_147] : memref<10240x128xf32, #tpu.memory_space<vmem_shared>> -> memref<10240x128xf32, #tpu.memory_space<vmem_shared>>
      tpu.wait_indirect_dma semaphore(%run_scoped3A : memref<!tpu.dma_semaphore, #tpu.memory_space<semaphore_mem>>) src(%arg12 : memref<96x128xf32, #tpu.memory_space<vmem>>) dst(%dma_wait3A_148 : memref<10240x128xf32, #tpu.memory_space<vmem_shared>>)
      tpu.yield
    }) : () -> ()
    %dma_start3A_112 = arith.constant 0 : i32
    %dma_start3A_113 = arith.constant 0 : i32
    %dma_start3A_114 = tpu.memref_slice %arg11[%dma_start3A_112, %dma_start3A_113] : memref<96x128xf32, #tpu.memory_space<vmem>> -> memref<16x128xf32, #tpu.memory_space<vmem>>
    %dma_start3A_115 = arith.constant 9984 : i32
    %dma_start3A_116 = tpu.memref_slice %arg7[%dma_start3A_115] : memref<10000xi32, #tpu.memory_space<vmem>> -> memref<16xi32, #tpu.memory_space<vmem>>
    %dma_start3A_117 = arith.constant 0 : i32
    %dma_start3A_118 = arith.constant 0 : i32
    %dma_start3A_119 = tpu.memref_slice %arg2[%dma_start3A_117, %dma_start3A_118] : memref<10000x128xf32, #tpu.memory_space<hbm>> -> memref<10000x128xf32, #tpu.memory_space<hbm>>
    tpu.enqueue_indirect_dma source(%dma_start3A_119 : memref<10000x128xf32, #tpu.memory_space<hbm>>) target(%dma_start3A_114 : memref<16x128xf32, #tpu.memory_space<vmem>>) offsets(%dma_start3A_116 : memref<16xi32, #tpu.memory_space<vmem>>) semaphore(%arg14 : memref<!tpu.dma_semaphore, #tpu.memory_space<semaphore_mem>>)
    %dma_wait3A_120 = arith.constant 0 : i32
    %dma_wait3A_121 = arith.constant 0 : i32
    %dma_wait3A_122 = tpu.memref_slice %arg11[%dma_wait3A_120, %dma_wait3A_121] : memref<96x128xf32, #tpu.memory_space<vmem>> -> memref<16x128xf32, #tpu.memory_space<vmem>>
    %dma_wait3A_123 = arith.constant 9984 : i32
    %dma_wait3A_124 = tpu.memref_slice %arg7[%dma_wait3A_123] : memref<10000xi32, #tpu.memory_space<vmem>> -> memref<16xi32, #tpu.memory_space<vmem>>
    %dma_wait3A_125 = arith.constant 0 : i32
    %dma_wait3A_126 = arith.constant 0 : i32
    %dma_wait3A_127 = tpu.memref_slice %arg2[%dma_wait3A_125, %dma_wait3A_126] : memref<10000x128xf32, #tpu.memory_space<hbm>> -> memref<10000x128xf32, #tpu.memory_space<hbm>>
    tpu.wait_indirect_dma semaphore(%arg14 : memref<!tpu.dma_semaphore, #tpu.memory_space<semaphore_mem>>) src(%dma_wait3A_127 : memref<10000x128xf32, #tpu.memory_space<hbm>>) dst(%dma_wait3A_122 : memref<16x128xf32, #tpu.memory_space<vmem>>)
    %get3A_128 = arith.constant 9984 : index
    %get3A_129 = tpu.vector_load %arg8[%get3A_128] {strides = array<i32>} : memref<10000xi32, #tpu.memory_space<vmem>>, vector<16xi32>,
    %get3A_130 = vector.shape_cast %get3A_129 : vector<16xi32> to vector<16xi32>
    %swap3A_131 = arith.constant 0 : index
    %swap3A_132 = tpu.vector_load %arg10[%swap3A_131] {strides = array<i32>} : memref<16xi32, #tpu.memory_space<vmem>>, vector<16xi32>,
    %swap3A_133 = vector.shape_cast %swap3A_132 : vector<16xi32> to vector<16xi32>
    %swap3A_134 = vector.shape_cast %get3A_130 : vector<16xi32> to vector<16xi32>
    tpu.vector_store %arg10[%swap3A_131], %swap3A_134 {strides = array<i32>} : memref<16xi32, #tpu.memory_space<vmem>>, vector<16xi32>,
    "tpu.region"() ({
      %run_scoped3A = tpu.sem_alloc : memref<!tpu.dma_semaphore, #tpu.memory_space<semaphore_mem>>
      %dma_start3A_143 = arith.constant 0 : i32
      %dma_start3A_144 = arith.constant 0 : i32
      %dma_start3A_145 = tpu.memref_slice %arg11[%dma_start3A_143, %dma_start3A_144] : memref<96x128xf32, #tpu.memory_space<vmem>> -> memref<16x128xf32, #tpu.memory_space<vmem>>
      %dma_start3A_146 = arith.constant 0 : i32
      %dma_start3A_147 = arith.constant 0 : i32
      %dma_start3A_148 = tpu.memref_slice %arg13[%dma_start3A_146, %dma_start3A_147] : memref<10240x128xf32, #tpu.memory_space<vmem_shared>> -> memref<10240x128xf32, #tpu.memory_space<vmem_shared>>
      tpu.enqueue_indirect_dma source(%dma_start3A_145 : memref<16x128xf32, #tpu.memory_space<vmem>>) target(%dma_start3A_148 : memref<10240x128xf32, #tpu.memory_space<vmem_shared>>) offsets(%arg10 : memref<16xi32, #tpu.memory_space<vmem>>) semaphore(%run_scoped3A : memref<!tpu.dma_semaphore, #tpu.memory_space<semaphore_mem>>) {add = true}
      %dma_wait3A_149 = arith.constant 0 : i32
      %dma_wait3A_150 = arith.constant 0 : i32
      %dma_wait3A_151 = tpu.memref_slice %arg11[%dma_wait3A_149, %dma_wait3A_150] : memref<96x128xf32, #tpu.memory_space<vmem>> -> memref<16x128xf32, #tpu.memory_space<vmem>>
      %dma_wait3A_152 = arith.constant 0 : i32
      %dma_wait3A_153 = arith.constant 0 : i32
      %dma_wait3A_154 = tpu.memref_slice %arg13[%dma_wait3A_152, %dma_wait3A_153] : memref<10240x128xf32, #tpu.memory_space<vmem_shared>> -> memref<10240x128xf32, #tpu.memory_space<vmem_shared>>
      tpu.wait_indirect_dma semaphore(%run_scoped3A : memref<!tpu.dma_semaphore, #tpu.memory_space<semaphore_mem>>) src(%dma_wait3A_151 : memref<16x128xf32, #tpu.memory_space<vmem>>) dst(%dma_wait3A_154 : memref<10240x128xf32, #tpu.memory_space<vmem_shared>>)
      tpu.yield
    }) : () -> ()
    %barrier3A_135 = arith.constant 0 : index
    tpu.barrier barrier_id(%barrier3A_135)
    %mul3A_136 = arith.constant 640 : i32
    %mul3A_137 = arith.muli %arg1, %mul3A_136 : i32
    %mul3A_138 = arith.constant 10240 : i32
    %mul3A_139 = arith.muli %arg0, %mul3A_138 : i32
    %mul3A_140 = arith.constant 640 : i32
    %mul3A_141 = arith.muli %arg1, %mul3A_140 : i32
    %add3A_142 = arith.addi %mul3A_139, %mul3A_141 : i32
    "tpu.region"() ({
      %run_scoped3A = tpu.sem_alloc : memref<!tpu.dma_semaphore, #tpu.memory_space<semaphore_mem>>
      %dma_start3A_143 = arith.constant 0 : i32
      %dma_start3A_144 = tpu.memref_slice %arg6[%add3A_142, %dma_start3A_143] : memref<20480x128xf32, #tpu.memory_space<hbm>> -> memref<640x128xf32, #tpu.memory_space<hbm>>
      %dma_start3A_145 = arith.constant 0 : i32
      %dma_start3A_146 = tpu.memref_slice %arg13[%mul3A_137, %dma_start3A_145] : memref<10240x128xf32, #tpu.memory_space<vmem_shared>> -> memref<640x128xf32, #tpu.memory_space<vmem_shared>>
      tpu.enqueue_dma source(%dma_start3A_146 : memref<640x128xf32, #tpu.memory_space<vmem_shared>>) target(%dma_start3A_144 : memref<640x128xf32, #tpu.memory_space<hbm>>) target_semaphore(%run_scoped3A : memref<!tpu.dma_semaphore, #tpu.memory_space<semaphore_mem>>)
      %dma_wait3A_147 = arith.constant 0 : i32
      %dma_wait3A_148 = tpu.memref_slice %arg6[%add3A_142, %dma_wait3A_147] : memref<20480x128xf32, #tpu.memory_space<hbm>> -> memref<640x128xf32, #tpu.memory_space<hbm>>
      %dma_wait3A_149 = arith.constant 0 : i32
      %dma_wait3A_150 = tpu.memref_slice %arg13[%mul3A_137, %dma_wait3A_149] : memref<10240x128xf32, #tpu.memory_space<vmem_shared>> -> memref<640x128xf32, #tpu.memory_space<vmem_shared>>
      tpu.wait_dma2 semaphore(%run_scoped3A : memref<!tpu.dma_semaphore, #tpu.memory_space<semaphore_mem>>) src(%dma_wait3A_150 : memref<640x128xf32, #tpu.memory_space<vmem_shared>>) dst(%dma_wait3A_148 : memref<640x128xf32, #tpu.memory_space<hbm>>)
      tpu.yield
    }) : () -> ()
    return
  }
}

#map = affine_map<(d0, d1) -> (0, 0)>
#map1 = affine_map<(d0, d1) -> (0)>
module attributes {stable_mosaic.version = 14 : i64} {
  func.func @_sc_mp(%arg0: i32, %arg1: i32, %arg2: memref<10000x128xf32, #tpu.memory_space<hbm>>, %arg3: memref<320000xi32, #tpu.memory_space<hbm>>, %arg4: memref<320000xi32, #tpu.memory_space<hbm>>, %arg5: memref<10240x128xf32, #tpu.memory_space<hbm>>, %arg6: memref<20480x128xf32, #tpu.memory_space<hbm>>, %arg7: memref<10000xi32, #tpu.memory_space<vmem>>, %arg8: memref<10000xi32, #tpu.memory_space<vmem>>, %arg9: memref<96xi32, #tpu.memory_space<vmem>>, %arg10: memref<16xi32, #tpu.memory_space<vmem>>, %arg11: memref<96x128xf32, #tpu.memory_space<vmem>>, %arg12: memref<96x128xf32, #tpu.memory_space<vmem>>, %arg13: memref<10240x128xf32, #tpu.memory_space<vmem_shared>>, %arg14: memref<!tpu.dma_semaphore, #tpu.memory_space<semaphore_mem>>, %arg15: memref<!tpu.dma_semaphore, #tpu.memory_space<semaphore_mem>>) attributes {dimension_semantics = [#tpu.dimension_semantics<core_parallel>, #tpu.dimension_semantics<subcore_parallel>], iteration_bounds = array<i64: 2, 16>, scalar_prefetch = 0 : i64, scratch_operands = 9 : i64, tpu.core_type = #tpu.core_type<sc_vector_subcore>, window_params = [{transform_indices = #map}, {transform_indices = #map1}, {transform_indices = #map1}, {transform_indices = #map}, {transform_indices = #map}]} {
    %mul3A = arith.constant 160000 : i32
    %mul3A_0 = arith.muli %arg0, %mul3A : i32
    %mul3A_1 = arith.constant 10000 : i32
    %mul3A_2 = arith.muli %arg1, %mul3A_1 : i32
    %add3A = arith.addi %mul3A_0, %mul3A_2 : i32
    "tpu.region"() ({
      %run_scoped3A = tpu.sem_alloc : memref<!tpu.dma_semaphore, #tpu.memory_space<semaphore_mem>>
      %dma_start3A_143 = tpu.memref_slice %arg3[%add3A] : memref<320000xi32, #tpu.memory_space<hbm>> -> memref<10000xi32, #tpu.memory_space<hbm>>
      %dma_start3A_144 = tpu.memref_slice %arg3[%add3A] : memref<320000xi32, #tpu.memory_space<hbm>> -> memref<10000xi32, #tpu.memory_space<hbm>>
      tpu.enqueue_dma source(%dma_start3A_144 : memref<10000xi32, #tpu.memory_space<hbm>>) target(%arg7 : memref<10000xi32, #tpu.memory_space<vmem>>) target_semaphore(%run_scoped3A : memref<!tpu.dma_semaphore, #tpu.memory_space<semaphore_mem>>)
      %dma_wait3A_145 = tpu.memref_slice %arg3[%add3A] : memref<320000xi32, #tpu.memory_space<hbm>> -> memref<10000xi32, #tpu.memory_space<hbm>>
      %dma_wait3A_146 = tpu.memref_slice %arg3[%add3A] : memref<320000xi32, #tpu.memory_space<hbm>> -> memref<10000xi32, #tpu.memory_space<hbm>>
      tpu.wait_dma2 semaphore(%run_scoped3A : memref<!tpu.dma_semaphore, #tpu.memory_space<semaphore_mem>>) src(%dma_wait3A_146 : memref<10000xi32, #tpu.memory_space<hbm>>) dst(%arg7 : memref<10000xi32, #tpu.memory_space<vmem>>)
      tpu.yield
    }) : () -> ()
    "tpu.region"() ({
      %run_scoped3A = tpu.sem_alloc : memref<!tpu.dma_semaphore, #tpu.memory_space<semaphore_mem>>
      %dma_start3A_143 = tpu.memref_slice %arg4[%add3A] : memref<320000xi32, #tpu.memory_space<hbm>> -> memref<10000xi32, #tpu.memory_space<hbm>>
      %dma_start3A_144 = tpu.memref_slice %arg4[%add3A] : memref<320000xi32, #tpu.memory_space<hbm>> -> memref<10000xi32, #tpu.memory_space<hbm>>
      tpu.enqueue_dma source(%dma_start3A_144 : memref<10000xi32, #tpu.memory_space<hbm>>) target(%arg8 : memref<10000xi32, #tpu.memory_space<vmem>>) target_semaphore(%run_scoped3A : memref<!tpu.dma_semaphore, #tpu.memory_space<semaphore_mem>>)
      %dma_wait3A_145 = tpu.memref_slice %arg4[%add3A] : memref<320000xi32, #tpu.memory_space<hbm>> -> memref<10000xi32, #tpu.memory_space<hbm>>
      %dma_wait3A_146 = tpu.memref_slice %arg4[%add3A] : memref<320000xi32, #tpu.memory_space<hbm>> -> memref<10000xi32, #tpu.memory_space<hbm>>
      tpu.wait_dma2 semaphore(%run_scoped3A : memref<!tpu.dma_semaphore, #tpu.memory_space<semaphore_mem>>) src(%dma_wait3A_146 : memref<10000xi32, #tpu.memory_space<hbm>>) dst(%arg8 : memref<10000xi32, #tpu.memory_space<vmem>>)
      tpu.yield
    }) : () -> ()
    %mul3A_3 = arith.constant 640 : i32
    %mul3A_4 = arith.muli %arg1, %mul3A_3 : i32
    %mul3A_5 = arith.constant 640 : i32
    %mul3A_6 = arith.muli %arg1, %mul3A_5 : i32
    "tpu.region"() ({
      %run_scoped3A = tpu.sem_alloc : memref<!tpu.dma_semaphore, #tpu.memory_space<semaphore_mem>>
      %dma_start3A_143 = arith.constant 0 : i32
      %dma_start3A_144 = tpu.memref_slice %arg13[%mul3A_6, %dma_start3A_143] : memref<10240x128xf32, #tpu.memory_space<vmem_shared>> -> memref<640x128xf32, #tpu.memory_space<vmem_shared>>
      %dma_start3A_145 = arith.constant 0 : i32
      %dma_start3A_146 = tpu.memref_slice %arg5[%mul3A_4, %dma_start3A_145] : memref<10240x128xf32, #tpu.memory_space<hbm>> -> memref<640x128xf32, #tpu.memory_space<hbm>>
      tpu.enqueue_dma source(%dma_start3A_146 : memref<640x128xf32, #tpu.memory_space<hbm>>) target(%dma_start3A_144 : memref<640x128xf32, #tpu.memory_space<vmem_shared>>) target_semaphore(%run_scoped3A : memref<!tpu.dma_semaphore, #tpu.memory_space<semaphore_mem>>)
      %dma_wait3A_147 = arith.constant 0 : i32
      %dma_wait3A_148 = tpu.memref_slice %arg13[%mul3A_6, %dma_wait3A_147] : memref<10240x128xf32, #tpu.memory_space<vmem_shared>> -> memref<640x128xf32, #tpu.memory_space<vmem_shared>>
      %dma_wait3A_149 = arith.constant 0 : i32
      %dma_wait3A_150 = tpu.memref_slice %arg5[%mul3A_4, %dma_wait3A_149] : memref<10240x128xf32, #tpu.memory_space<hbm>> -> memref<640x128xf32, #tpu.memory_space<hbm>>
      tpu.wait_dma2 semaphore(%run_scoped3A : memref<!tpu.dma_semaphore, #tpu.memory_space<semaphore_mem>>) src(%dma_wait3A_150 : memref<640x128xf32, #tpu.memory_space<hbm>>) dst(%dma_wait3A_148 : memref<640x128xf32, #tpu.memory_space<vmem_shared>>)
      tpu.yield
    }) : () -> ()
    %barrier3A = arith.constant 0 : index
    tpu.barrier barrier_id(%barrier3A)
    %dma_start3A = arith.constant 0 : i32
    %dma_start3A_7 = tpu.memref_slice %arg7[%dma_start3A] : memref<10000xi32, #tpu.memory_space<vmem>> -> memref<96xi32, #tpu.memory_space<vmem>>
    %dma_start3A_8 = arith.constant 0 : i32
    %dma_start3A_9 = arith.constant 0 : i32
    %dma_start3A_10 = tpu.memref_slice %arg2[%dma_start3A_8, %dma_start3A_9] : memref<10000x128xf32, #tpu.memory_space<hbm>> -> memref<10000x128xf32, #tpu.memory_space<hbm>>
    tpu.enqueue_indirect_dma source(%dma_start3A_10 : memref<10000x128xf32, #tpu.memory_space<hbm>>) target(%arg11 : memref<96x128xf32, #tpu.memory_space<vmem>>) offsets(%dma_start3A_7 : memref<96xi32, #tpu.memory_space<vmem>>) semaphore(%arg14 : memref<!tpu.dma_semaphore, #tpu.memory_space<semaphore_mem>>)
    %dma_wait3A = arith.constant 0 : i32
    %dma_wait3A_11 = tpu.memref_slice %arg7[%dma_wait3A] : memref<10000xi32, #tpu.memory_space<vmem>> -> memref<96xi32, #tpu.memory_space<vmem>>
    %dma_wait3A_12 = arith.constant 0 : i32
    %dma_wait3A_13 = arith.constant 0 : i32
    %dma_wait3A_14 = tpu.memref_slice %arg2[%dma_wait3A_12, %dma_wait3A_13] : memref<10000x128xf32, #tpu.memory_space<hbm>> -> memref<10000x128xf32, #tpu.memory_space<hbm>>
    tpu.wait_indirect_dma semaphore(%arg14 : memref<!tpu.dma_semaphore, #tpu.memory_space<semaphore_mem>>) src(%dma_wait3A_14 : memref<10000x128xf32, #tpu.memory_space<hbm>>) dst(%arg11 : memref<96x128xf32, #tpu.memory_space<vmem>>)
    %scan3A = arith.constant 0 : i32
    %scan3A_15 = arith.constant 0 : i32
    %scan3A_16 = arith.constant 51 : i32
    %scan3A_17 = arith.addi %scan3A_15, %scan3A_16 : i32
    %scan3A_18 = arith.constant 1 : i32
    scf.for %scan3A_143 = %scan3A_15 to %scan3A_17 step %scan3A_18  : i32 {
      %mul3A_144 = arith.constant 2 : i32
      %mul3A_145 = arith.muli %mul3A_144, %scan3A_143 : i32
      %add3A_146 = arith.constant 1 : i32
      %add3A_147 = arith.addi %mul3A_145, %add3A_146 : i32
      %mul3A_148 = arith.constant 96 : i32
      %mul3A_149 = arith.muli %add3A_147, %mul3A_148 : i32
      %dma_start3A_150 = tpu.memref_slice %arg7[%mul3A_149] : memref<10000xi32, #tpu.memory_space<vmem>> -> memref<96xi32, #tpu.memory_space<vmem>>
      %dma_start3A_151 = arith.constant 0 : i32
      %dma_start3A_152 = arith.constant 0 : i32
      %dma_start3A_153 = tpu.memref_slice %arg2[%dma_start3A_151, %dma_start3A_152] : memref<10000x128xf32, #tpu.memory_space<hbm>> -> memref<10000x128xf32, #tpu.memory_space<hbm>>
      tpu.enqueue_indirect_dma source(%dma_start3A_153 : memref<10000x128xf32, #tpu.memory_space<hbm>>) target(%arg12 : memref<96x128xf32, #tpu.memory_space<vmem>>) offsets(%dma_start3A_150 : memref<96xi32, #tpu.memory_space<vmem>>) semaphore(%arg15 : memref<!tpu.dma_semaphore, #tpu.memory_space<semaphore_mem>>)
      %sub3A = arith.constant 1 : i32
      %sub3A_154 = arith.subi %add3A_147, %sub3A : i32
      %mul3A_155 = arith.constant 96 : i32
      %mul3A_156 = arith.muli %sub3A_154, %mul3A_155 : i32
      %add3A_157 = arith.constant 0 : i32
      %add3A_158 = arith.addi %mul3A_156, %add3A_157 : i32
      %get3A_159 = arith.index_cast %add3A_158 : i32 to index
      %get3A_160 = tpu.vector_load %arg8[%get3A_159] {strides = array<i32>} : memref<10000xi32, #tpu.memory_space<vmem>>, vector<16xi32>,
      %get3A_161 = vector.shape_cast %get3A_160 : vector<16xi32> to vector<16xi32>
      %swap3A_162 = arith.constant 0 : index
      %swap3A_163 = tpu.vector_load %arg9[%swap3A_162] {strides = array<i32>} : memref<96xi32, #tpu.memory_space<vmem>>, vector<16xi32>,
      %swap3A_164 = vector.shape_cast %swap3A_163 : vector<16xi32> to vector<16xi32>
      %swap3A_165 = vector.shape_cast %get3A_161 : vector<16xi32> to vector<16xi32>
      tpu.vector_store %arg9[%swap3A_162], %swap3A_165 {strides = array<i32>} : memref<96xi32, #tpu.memory_space<vmem>>, vector<16xi32>,
      %add3A_166 = arith.constant 16 : i32
      %add3A_167 = arith.addi %mul3A_156, %add3A_166 : i32
      %get3A_168 = arith.index_cast %add3A_167 : i32 to index
      %get3A_169 = tpu.vector_load %arg8[%get3A_168] {strides = array<i32>} : memref<10000xi32, #tpu.memory_space<vmem>>, vector<16xi32>,
      %get3A_170 = vector.shape_cast %get3A_169 : vector<16xi32> to vector<16xi32>
      %swap3A_171 = arith.constant 16 : index
      %swap3A_172 = tpu.vector_load %arg9[%swap3A_171] {strides = array<i32>} : memref<96xi32, #tpu.memory_space<vmem>>, vector<16xi32>,
      %swap3A_173 = vector.shape_cast %swap3A_172 : vector<16xi32> to vector<16xi32>
      %swap3A_174 = vector.shape_cast %get3A_170 : vector<16xi32> to vector<16xi32>
      tpu.vector_store %arg9[%swap3A_171], %swap3A_174 {strides = array<i32>} : memref<96xi32, #tpu.memory_space<vmem>>, vector<16xi32>,
      %add3A_175 = arith.constant 32 : i32
      %add3A_176 = arith.addi %mul3A_156, %add3A_175 : i32
      %get3A_177 = arith.index_cast %add3A_176 : i32 to index
      %get3A_178 = tpu.vector_load %arg8[%get3A_177] {strides = array<i32>} : memref<10000xi32, #tpu.memory_space<vmem>>, vector<16xi32>,
      %get3A_179 = vector.shape_cast %get3A_178 : vector<16xi32> to vector<16xi32>
      %swap3A_180 = arith.constant 32 : index
      %swap3A_181 = tpu.vector_load %arg9[%swap3A_180] {strides = array<i32>} : memref<96xi32, #tpu.memory_space<vmem>>, vector<16xi32>,
      %swap3A_182 = vector.shape_cast %swap3A_181 : vector<16xi32> to vector<16xi32>
      %swap3A_183 = vector.shape_cast %get3A_179 : vector<16xi32> to vector<16xi32>
      tpu.vector_store %arg9[%swap3A_180], %swap3A_183 {strides = array<i32>} : memref<96xi32, #tpu.memory_space<vmem>>, vector<16xi32>,
      %add3A_184 = arith.constant 48 : i32
      %add3A_185 = arith.addi %mul3A_156, %add3A_184 : i32
      %get3A_186 = arith.index_cast %add3A_185 : i32 to index
      %get3A_187 = tpu.vector_load %arg8[%get3A_186] {strides = array<i32>} : memref<10000xi32, #tpu.memory_space<vmem>>, vector<16xi32>,
      %get3A_188 = vector.shape_cast %get3A_187 : vector<16xi32> to vector<16xi32>
      %swap3A_189 = arith.constant 48 : index
      %swap3A_190 = tpu.vector_load %arg9[%swap3A_189] {strides = array<i32>} : memref<96xi32, #tpu.memory_space<vmem>>, vector<16xi32>,
      %swap3A_191 = vector.shape_cast %swap3A_190 : vector<16xi32> to vector<16xi32>
      %swap3A_192 = vector.shape_cast %get3A_188 : vector<16xi32> to vector<16xi32>
      tpu.vector_store %arg9[%swap3A_189], %swap3A_192 {strides = array<i32>} : memref<96xi32, #tpu.memory_space<vmem>>, vector<16xi32>,
      %add3A_193 = arith.constant 64 : i32
      %add3A_194 = arith.addi %mul3A_156, %add3A_193 : i32
      %get3A_195 = arith.index_cast %add3A_194 : i32 to index
      %get3A_196 = tpu.vector_load %arg8[%get3A_195] {strides = array<i32>} : memref<10000xi32, #tpu.memory_space<vmem>>, vector<16xi32>,
      %get3A_197 = vector.shape_cast %get3A_196 : vector<16xi32> to vector<16xi32>
      %swap3A_198 = arith.constant 64 : index
      %swap3A_199 = tpu.vector_load %arg9[%swap3A_198] {strides = array<i32>} : memref<96xi32, #tpu.memory_space<vmem>>, vector<16xi32>,
      %swap3A_200 = vector.shape_cast %swap3A_199 : vector<16xi32> to vector<16xi32>
      %swap3A_201 = vector.shape_cast %get3A_197 : vector<16xi32> to vector<16xi32>
      tpu.vector_store %arg9[%swap3A_198], %swap3A_201 {strides = array<i32>} : memref<96xi32, #tpu.memory_space<vmem>>, vector<16xi32>,
      %add3A_202 = arith.constant 80 : i32
      %add3A_203 = arith.addi %mul3A_156, %add3A_202 : i32
      %get3A_204 = arith.index_cast %add3A_203 : i32 to index
      %get3A_205 = tpu.vector_load %arg8[%get3A_204] {strides = array<i32>} : memref<10000xi32, #tpu.memory_space<vmem>>, vector<16xi32>,
      %get3A_206 = vector.shape_cast %get3A_205 : vector<16xi32> to vector<16xi32>
      %swap3A_207 = arith.constant 80 : index
      %swap3A_208 = tpu.vector_load %arg9[%swap3A_207] {strides = array<i32>} : memref<96xi32, #tpu.memory_space<vmem>>, vector<16xi32>,
      %swap3A_209 = vector.shape_cast %swap3A_208 : vector<16xi32> to vector<16xi32>
      %swap3A_210 = vector.shape_cast %get3A_206 : vector<16xi32> to vector<16xi32>
      tpu.vector_store %arg9[%swap3A_207], %swap3A_210 {strides = array<i32>} : memref<96xi32, #tpu.memory_space<vmem>>, vector<16xi32>,
      "tpu.region"() ({
        %run_scoped3A = tpu.sem_alloc : memref<!tpu.dma_semaphore, #tpu.memory_space<semaphore_mem>>
        %dma_start3A_283 = arith.constant 0 : i32
        %dma_start3A_284 = arith.constant 0 : i32
        %dma_start3A_285 = tpu.memref_slice %arg13[%dma_start3A_283, %dma_start3A_284] : memref<10240x128xf32, #tpu.memory_space<vmem_shared>> -> memref<10240x128xf32, #tpu.memory_space<vmem_shared>>
        tpu.enqueue_indirect_dma source(%arg11 : memref<96x128xf32, #tpu.memory_space<vmem>>) target(%dma_start3A_285 : memref<10240x128xf32, #tpu.memory_space<vmem_shared>>) offsets(%arg9 : memref<96xi32, #tpu.memory_space<vmem>>) semaphore(%run_scoped3A : memref<!tpu.dma_semaphore, #tpu.memory_space<semaphore_mem>>) {add = true}
        %dma_wait3A_286 = arith.constant 0 : i32
        %dma_wait3A_287 = arith.constant 0 : i32
        %dma_wait3A_288 = tpu.memref_slice %arg13[%dma_wait3A_286, %dma_wait3A_287] : memref<10240x128xf32, #tpu.memory_space<vmem_shared>> -> memref<10240x128xf32, #tpu.memory_space<vmem_shared>>
        tpu.wait_indirect_dma semaphore(%run_scoped3A : memref<!tpu.dma_semaphore, #tpu.memory_space<semaphore_mem>>) src(%arg11 : memref<96x128xf32, #tpu.memory_space<vmem>>) dst(%dma_wait3A_288 : memref<10240x128xf32, #tpu.memory_space<vmem_shared>>)
        tpu.yield
      }) : () -> ()
      %dma_wait3A_211 = tpu.memref_slice %arg7[%mul3A_149] : memref<10000xi32, #tpu.memory_space<vmem>> -> memref<96xi32, #tpu.memory_space<vmem>>
      %dma_wait3A_212 = arith.constant 0 : i32
      %dma_wait3A_213 = arith.constant 0 : i32
      %dma_wait3A_214 = tpu.memref_slice %arg2[%dma_wait3A_212, %dma_wait3A_213] : memref<10000x128xf32, #tpu.memory_space<hbm>> -> memref<10000x128xf32, #tpu.memory_space<hbm>>
      tpu.wait_indirect_dma semaphore(%arg15 : memref<!tpu.dma_semaphore, #tpu.memory_space<semaphore_mem>>) src(%dma_wait3A_214 : memref<10000x128xf32, #tpu.memory_space<hbm>>) dst(%arg12 : memref<96x128xf32, #tpu.memory_space<vmem>>)
      %add3A_215 = arith.constant 1 : i32
      %add3A_216 = arith.addi %add3A_147, %add3A_215 : i32
      %mul3A_217 = arith.constant 96 : i32
      %mul3A_218 = arith.muli %add3A_216, %mul3A_217 : i32
      %dma_start3A_219 = tpu.memref_slice %arg7[%mul3A_218] : memref<10000xi32, #tpu.memory_space<vmem>> -> memref<96xi32, #tpu.memory_space<vmem>>
      %dma_start3A_220 = arith.constant 0 : i32
      %dma_start3A_221 = arith.constant 0 : i32
      %dma_start3A_222 = tpu.memref_slice %arg2[%dma_start3A_220, %dma_start3A_221] : memref<10000x128xf32, #tpu.memory_space<hbm>> -> memref<10000x128xf32, #tpu.memory_space<hbm>>
      tpu.enqueue_indirect_dma source(%dma_start3A_222 : memref<10000x128xf32, #tpu.memory_space<hbm>>) target(%arg11 : memref<96x128xf32, #tpu.memory_space<vmem>>) offsets(%dma_start3A_219 : memref<96xi32, #tpu.memory_space<vmem>>) semaphore(%arg14 : memref<!tpu.dma_semaphore, #tpu.memory_space<semaphore_mem>>)
      %mul3A_223 = arith.constant 96 : i32
      %mul3A_224 = arith.muli %add3A_147, %mul3A_223 : i32
      %add3A_225 = arith.constant 0 : i32
      %add3A_226 = arith.addi %mul3A_224, %add3A_225 : i32
      %get3A_227 = arith.index_cast %add3A_226 : i32 to index
      %get3A_228 = tpu.vector_load %arg8[%get3A_227] {strides = array<i32>} : memref<10000xi32, #tpu.memory_space<vmem>>, vector<16xi32>,
      %get3A_229 = vector.shape_cast %get3A_228 : vector<16xi32> to vector<16xi32>
      %swap3A_230 = arith.constant 0 : index
      %swap3A_231 = tpu.vector_load %arg9[%swap3A_230] {strides = array<i32>} : memref<96xi32, #tpu.memory_space<vmem>>, vector<16xi32>,
      %swap3A_232 = vector.shape_cast %swap3A_231 : vector<16xi32> to vector<16xi32>
      %swap3A_233 = vector.shape_cast %get3A_229 : vector<16xi32> to vector<16xi32>
      tpu.vector_store %arg9[%swap3A_230], %swap3A_233 {strides = array<i32>} : memref<96xi32, #tpu.memory_space<vmem>>, vector<16xi32>,
      %add3A_234 = arith.constant 16 : i32
      %add3A_235 = arith.addi %mul3A_224, %add3A_234 : i32
      %get3A_236 = arith.index_cast %add3A_235 : i32 to index
      %get3A_237 = tpu.vector_load %arg8[%get3A_236] {strides = array<i32>} : memref<10000xi32, #tpu.memory_space<vmem>>, vector<16xi32>,
      %get3A_238 = vector.shape_cast %get3A_237 : vector<16xi32> to vector<16xi32>
      %swap3A_239 = arith.constant 16 : index
      %swap3A_240 = tpu.vector_load %arg9[%swap3A_239] {strides = array<i32>} : memref<96xi32, #tpu.memory_space<vmem>>, vector<16xi32>,
      %swap3A_241 = vector.shape_cast %swap3A_240 : vector<16xi32> to vector<16xi32>
      %swap3A_242 = vector.shape_cast %get3A_238 : vector<16xi32> to vector<16xi32>
      tpu.vector_store %arg9[%swap3A_239], %swap3A_242 {strides = array<i32>} : memref<96xi32, #tpu.memory_space<vmem>>, vector<16xi32>,
      %add3A_243 = arith.constant 32 : i32
      %add3A_244 = arith.addi %mul3A_224, %add3A_243 : i32
      %get3A_245 = arith.index_cast %add3A_244 : i32 to index
      %get3A_246 = tpu.vector_load %arg8[%get3A_245] {strides = array<i32>} : memref<10000xi32, #tpu.memory_space<vmem>>, vector<16xi32>,
      %get3A_247 = vector.shape_cast %get3A_246 : vector<16xi32> to vector<16xi32>
      %swap3A_248 = arith.constant 32 : index
      %swap3A_249 = tpu.vector_load %arg9[%swap3A_248] {strides = array<i32>} : memref<96xi32, #tpu.memory_space<vmem>>, vector<16xi32>,
      %swap3A_250 = vector.shape_cast %swap3A_249 : vector<16xi32> to vector<16xi32>
      %swap3A_251 = vector.shape_cast %get3A_247 : vector<16xi32> to vector<16xi32>
      tpu.vector_store %arg9[%swap3A_248], %swap3A_251 {strides = array<i32>} : memref<96xi32, #tpu.memory_space<vmem>>, vector<16xi32>,
      %add3A_252 = arith.constant 48 : i32
      %add3A_253 = arith.addi %mul3A_224, %add3A_252 : i32
      %get3A_254 = arith.index_cast %add3A_253 : i32 to index
      %get3A_255 = tpu.vector_load %arg8[%get3A_254] {strides = array<i32>} : memref<10000xi32, #tpu.memory_space<vmem>>, vector<16xi32>,
      %get3A_256 = vector.shape_cast %get3A_255 : vector<16xi32> to vector<16xi32>
      %swap3A_257 = arith.constant 48 : index
      %swap3A_258 = tpu.vector_load %arg9[%swap3A_257] {strides = array<i32>} : memref<96xi32, #tpu.memory_space<vmem>>, vector<16xi32>,
      %swap3A_259 = vector.shape_cast %swap3A_258 : vector<16xi32> to vector<16xi32>
      %swap3A_260 = vector.shape_cast %get3A_256 : vector<16xi32> to vector<16xi32>
      tpu.vector_store %arg9[%swap3A_257], %swap3A_260 {strides = array<i32>} : memref<96xi32, #tpu.memory_space<vmem>>, vector<16xi32>,
      %add3A_261 = arith.constant 64 : i32
      %add3A_262 = arith.addi %mul3A_224, %add3A_261 : i32
      %get3A_263 = arith.index_cast %add3A_262 : i32 to index
      %get3A_264 = tpu.vector_load %arg8[%get3A_263] {strides = array<i32>} : memref<10000xi32, #tpu.memory_space<vmem>>, vector<16xi32>,
      %get3A_265 = vector.shape_cast %get3A_264 : vector<16xi32> to vector<16xi32>
      %swap3A_266 = arith.constant 64 : index
      %swap3A_267 = tpu.vector_load %arg9[%swap3A_266] {strides = array<i32>} : memref<96xi32, #tpu.memory_space<vmem>>, vector<16xi32>,
      %swap3A_268 = vector.shape_cast %swap3A_267 : vector<16xi32> to vector<16xi32>
      %swap3A_269 = vector.shape_cast %get3A_265 : vector<16xi32> to vector<16xi32>
      tpu.vector_store %arg9[%swap3A_266], %swap3A_269 {strides = array<i32>} : memref<96xi32, #tpu.memory_space<vmem>>, vector<16xi32>,
      %add3A_270 = arith.constant 80 : i32
      %add3A_271 = arith.addi %mul3A_224, %add3A_270 : i32
      %get3A_272 = arith.index_cast %add3A_271 : i32 to index
      %get3A_273 = tpu.vector_load %arg8[%get3A_272] {strides = array<i32>} : memref<10000xi32, #tpu.memory_space<vmem>>, vector<16xi32>,
      %get3A_274 = vector.shape_cast %get3A_273 : vector<16xi32> to vector<16xi32>
      %swap3A_275 = arith.constant 80 : index
      %swap3A_276 = tpu.vector_load %arg9[%swap3A_275] {strides = array<i32>} : memref<96xi32, #tpu.memory_space<vmem>>, vector<16xi32>,
      %swap3A_277 = vector.shape_cast %swap3A_276 : vector<16xi32> to vector<16xi32>
      %swap3A_278 = vector.shape_cast %get3A_274 : vector<16xi32> to vector<16xi32>
      tpu.vector_store %arg9[%swap3A_275], %swap3A_278 {strides = array<i32>} : memref<96xi32, #tpu.memory_space<vmem>>, vector<16xi32>,
      "tpu.region"() ({
        %run_scoped3A = tpu.sem_alloc : memref<!tpu.dma_semaphore, #tpu.memory_space<semaphore_mem>>
        %dma_start3A_283 = arith.constant 0 : i32
        %dma_start3A_284 = arith.constant 0 : i32
        %dma_start3A_285 = tpu.memref_slice %arg13[%dma_start3A_283, %dma_start3A_284] : memref<10240x128xf32, #tpu.memory_space<vmem_shared>> -> memref<10240x128xf32, #tpu.memory_space<vmem_shared>>
        tpu.enqueue_indirect_dma source(%arg12 : memref<96x128xf32, #tpu.memory_space<vmem>>) target(%dma_start3A_285 : memref<10240x128xf32, #tpu.memory_space<vmem_shared>>) offsets(%arg9 : memref<96xi32, #tpu.memory_space<vmem>>) semaphore(%run_scoped3A : memref<!tpu.dma_semaphore, #tpu.memory_space<semaphore_mem>>) {add = true}
        %dma_wait3A_286 = arith.constant 0 : i32
        %dma_wait3A_287 = arith.constant 0 : i32
        %dma_wait3A_288 = tpu.memref_slice %arg13[%dma_wait3A_286, %dma_wait3A_287] : memref<10240x128xf32, #tpu.memory_space<vmem_shared>> -> memref<10240x128xf32, #tpu.memory_space<vmem_shared>>
        tpu.wait_indirect_dma semaphore(%run_scoped3A : memref<!tpu.dma_semaphore, #tpu.memory_space<semaphore_mem>>) src(%arg12 : memref<96x128xf32, #tpu.memory_space<vmem>>) dst(%dma_wait3A_288 : memref<10240x128xf32, #tpu.memory_space<vmem_shared>>)
        tpu.yield
      }) : () -> ()
      %dma_wait3A_279 = tpu.memref_slice %arg7[%mul3A_218] : memref<10000xi32, #tpu.memory_space<vmem>> -> memref<96xi32, #tpu.memory_space<vmem>>
      %dma_wait3A_280 = arith.constant 0 : i32
      %dma_wait3A_281 = arith.constant 0 : i32
      %dma_wait3A_282 = tpu.memref_slice %arg2[%dma_wait3A_280, %dma_wait3A_281] : memref<10000x128xf32, #tpu.memory_space<hbm>> -> memref<10000x128xf32, #tpu.memory_space<hbm>>
      tpu.wait_indirect_dma semaphore(%arg14 : memref<!tpu.dma_semaphore, #tpu.memory_space<semaphore_mem>>) src(%dma_wait3A_282 : memref<10000x128xf32, #tpu.memory_space<hbm>>) dst(%arg11 : memref<96x128xf32, #tpu.memory_space<vmem>>)
    }
    %scan3A_19 = arith.constant 51 : i32
    %dma_start3A_20 = arith.constant 9888 : i32
    %dma_start3A_21 = tpu.memref_slice %arg7[%dma_start3A_20] : memref<10000xi32, #tpu.memory_space<vmem>> -> memref<96xi32, #tpu.memory_space<vmem>>
    %dma_start3A_22 = arith.constant 0 : i32
    %dma_start3A_23 = arith.constant 0 : i32
    %dma_start3A_24 = tpu.memref_slice %arg2[%dma_start3A_22, %dma_start3A_23] : memref<10000x128xf32, #tpu.memory_space<hbm>> -> memref<10000x128xf32, #tpu.memory_space<hbm>>
    tpu.enqueue_indirect_dma source(%dma_start3A_24 : memref<10000x128xf32, #tpu.memory_space<hbm>>) target(%arg12 : memref<96x128xf32, #tpu.memory_space<vmem>>) offsets(%dma_start3A_21 : memref<96xi32, #tpu.memory_space<vmem>>) semaphore(%arg15 : memref<!tpu.dma_semaphore, #tpu.memory_space<semaphore_mem>>)
    %get3A = arith.constant 9792 : index
    %get3A_25 = tpu.vector_load %arg8[%get3A] {strides = array<i32>} : memref<10000xi32, #tpu.memory_space<vmem>>, vector<16xi32>,
    %get3A_26 = vector.shape_cast %get3A_25 : vector<16xi32> to vector<16xi32>
    %swap3A = arith.constant 0 : index
    %swap3A_27 = tpu.vector_load %arg9[%swap3A] {strides = array<i32>} : memref<96xi32, #tpu.memory_space<vmem>>, vector<16xi32>,
    %swap3A_28 = vector.shape_cast %swap3A_27 : vector<16xi32> to vector<16xi32>
    %swap3A_29 = vector.shape_cast %get3A_26 : vector<16xi32> to vector<16xi32>
    tpu.vector_store %arg9[%swap3A], %swap3A_29 {strides = array<i32>} : memref<96xi32, #tpu.memory_space<vmem>>, vector<16xi32>,
    %get3A_30 = arith.constant 9808 : index
    %get3A_31 = tpu.vector_load %arg8[%get3A_30] {strides = array<i32>} : memref<10000xi32, #tpu.memory_space<vmem>>, vector<16xi32>,
    %get3A_32 = vector.shape_cast %get3A_31 : vector<16xi32> to vector<16xi32>
    %swap3A_33 = arith.constant 16 : index
    %swap3A_34 = tpu.vector_load %arg9[%swap3A_33] {strides = array<i32>} : memref<96xi32, #tpu.memory_space<vmem>>, vector<16xi32>,
    %swap3A_35 = vector.shape_cast %swap3A_34 : vector<16xi32> to vector<16xi32>
    %swap3A_36 = vector.shape_cast %get3A_32 : vector<16xi32> to vector<16xi32>
    tpu.vector_store %arg9[%swap3A_33], %swap3A_36 {strides = array<i32>} : memref<96xi32, #tpu.memory_space<vmem>>, vector<16xi32>,
    %get3A_37 = arith.constant 9824 : index
    %get3A_38 = tpu.vector_load %arg8[%get3A_37] {strides = array<i32>} : memref<10000xi32, #tpu.memory_space<vmem>>, vector<16xi32>,
    %get3A_39 = vector.shape_cast %get3A_38 : vector<16xi32> to vector<16xi32>
    %swap3A_40 = arith.constant 32 : index
    %swap3A_41 = tpu.vector_load %arg9[%swap3A_40] {strides = array<i32>} : memref<96xi32, #tpu.memory_space<vmem>>, vector<16xi32>,
    %swap3A_42 = vector.shape_cast %swap3A_41 : vector<16xi32> to vector<16xi32>
    %swap3A_43 = vector.shape_cast %get3A_39 : vector<16xi32> to vector<16xi32>
    tpu.vector_store %arg9[%swap3A_40], %swap3A_43 {strides = array<i32>} : memref<96xi32, #tpu.memory_space<vmem>>, vector<16xi32>,
    %get3A_44 = arith.constant 9840 : index
    %get3A_45 = tpu.vector_load %arg8[%get3A_44] {strides = array<i32>} : memref<10000xi32, #tpu.memory_space<vmem>>, vector<16xi32>,
    %get3A_46 = vector.shape_cast %get3A_45 : vector<16xi32> to vector<16xi32>
    %swap3A_47 = arith.constant 48 : index
    %swap3A_48 = tpu.vector_load %arg9[%swap3A_47] {strides = array<i32>} : memref<96xi32, #tpu.memory_space<vmem>>, vector<16xi32>,
    %swap3A_49 = vector.shape_cast %swap3A_48 : vector<16xi32> to vector<16xi32>
    %swap3A_50 = vector.shape_cast %get3A_46 : vector<16xi32> to vector<16xi32>
    tpu.vector_store %arg9[%swap3A_47], %swap3A_50 {strides = array<i32>} : memref<96xi32, #tpu.memory_space<vmem>>, vector<16xi32>,
    %get3A_51 = arith.constant 9856 : index
    %get3A_52 = tpu.vector_load %arg8[%get3A_51] {strides = array<i32>} : memref<10000xi32, #tpu.memory_space<vmem>>, vector<16xi32>,
    %get3A_53 = vector.shape_cast %get3A_52 : vector<16xi32> to vector<16xi32>
    %swap3A_54 = arith.constant 64 : index
    %swap3A_55 = tpu.vector_load %arg9[%swap3A_54] {strides = array<i32>} : memref<96xi32, #tpu.memory_space<vmem>>, vector<16xi32>,
    %swap3A_56 = vector.shape_cast %swap3A_55 : vector<16xi32> to vector<16xi32>
    %swap3A_57 = vector.shape_cast %get3A_53 : vector<16xi32> to vector<16xi32>
    tpu.vector_store %arg9[%swap3A_54], %swap3A_57 {strides = array<i32>} : memref<96xi32, #tpu.memory_space<vmem>>, vector<16xi32>,
    %get3A_58 = arith.constant 9872 : index
    %get3A_59 = tpu.vector_load %arg8[%get3A_58] {strides = array<i32>} : memref<10000xi32, #tpu.memory_space<vmem>>, vector<16xi32>,
    %get3A_60 = vector.shape_cast %get3A_59 : vector<16xi32> to vector<16xi32>
    %swap3A_61 = arith.constant 80 : index
    %swap3A_62 = tpu.vector_load %arg9[%swap3A_61] {strides = array<i32>} : memref<96xi32, #tpu.memory_space<vmem>>, vector<16xi32>,
    %swap3A_63 = vector.shape_cast %swap3A_62 : vector<16xi32> to vector<16xi32>
    %swap3A_64 = vector.shape_cast %get3A_60 : vector<16xi32> to vector<16xi32>
    tpu.vector_store %arg9[%swap3A_61], %swap3A_64 {strides = array<i32>} : memref<96xi32, #tpu.memory_space<vmem>>, vector<16xi32>,
    "tpu.region"() ({
      %run_scoped3A = tpu.sem_alloc : memref<!tpu.dma_semaphore, #tpu.memory_space<semaphore_mem>>
      %dma_start3A_143 = arith.constant 0 : i32
      %dma_start3A_144 = arith.constant 0 : i32
      %dma_start3A_145 = tpu.memref_slice %arg13[%dma_start3A_143, %dma_start3A_144] : memref<10240x128xf32, #tpu.memory_space<vmem_shared>> -> memref<10240x128xf32, #tpu.memory_space<vmem_shared>>
      tpu.enqueue_indirect_dma source(%arg11 : memref<96x128xf32, #tpu.memory_space<vmem>>) target(%dma_start3A_145 : memref<10240x128xf32, #tpu.memory_space<vmem_shared>>) offsets(%arg9 : memref<96xi32, #tpu.memory_space<vmem>>) semaphore(%run_scoped3A : memref<!tpu.dma_semaphore, #tpu.memory_space<semaphore_mem>>) {add = true}
      %dma_wait3A_146 = arith.constant 0 : i32
      %dma_wait3A_147 = arith.constant 0 : i32
      %dma_wait3A_148 = tpu.memref_slice %arg13[%dma_wait3A_146, %dma_wait3A_147] : memref<10240x128xf32, #tpu.memory_space<vmem_shared>> -> memref<10240x128xf32, #tpu.memory_space<vmem_shared>>
      tpu.wait_indirect_dma semaphore(%run_scoped3A : memref<!tpu.dma_semaphore, #tpu.memory_space<semaphore_mem>>) src(%arg11 : memref<96x128xf32, #tpu.memory_space<vmem>>) dst(%dma_wait3A_148 : memref<10240x128xf32, #tpu.memory_space<vmem_shared>>)
      tpu.yield
    }) : () -> ()
    %dma_wait3A_65 = arith.constant 9888 : i32
    %dma_wait3A_66 = tpu.memref_slice %arg7[%dma_wait3A_65] : memref<10000xi32, #tpu.memory_space<vmem>> -> memref<96xi32, #tpu.memory_space<vmem>>
    %dma_wait3A_67 = arith.constant 0 : i32
    %dma_wait3A_68 = arith.constant 0 : i32
    %dma_wait3A_69 = tpu.memref_slice %arg2[%dma_wait3A_67, %dma_wait3A_68] : memref<10000x128xf32, #tpu.memory_space<hbm>> -> memref<10000x128xf32, #tpu.memory_space<hbm>>
    tpu.wait_indirect_dma semaphore(%arg15 : memref<!tpu.dma_semaphore, #tpu.memory_space<semaphore_mem>>) src(%dma_wait3A_69 : memref<10000x128xf32, #tpu.memory_space<hbm>>) dst(%arg12 : memref<96x128xf32, #tpu.memory_space<vmem>>)
    %get3A_70 = arith.constant 9888 : index
    %get3A_71 = tpu.vector_load %arg8[%get3A_70] {strides = array<i32>} : memref<10000xi32, #tpu.memory_space<vmem>>, vector<16xi32>,
    %get3A_72 = vector.shape_cast %get3A_71 : vector<16xi32> to vector<16xi32>
    %swap3A_73 = arith.constant 0 : index
    %swap3A_74 = tpu.vector_load %arg9[%swap3A_73] {strides = array<i32>} : memref<96xi32, #tpu.memory_space<vmem>>, vector<16xi32>,
    %swap3A_75 = vector.shape_cast %swap3A_74 : vector<16xi32> to vector<16xi32>
    %swap3A_76 = vector.shape_cast %get3A_72 : vector<16xi32> to vector<16xi32>
    tpu.vector_store %arg9[%swap3A_73], %swap3A_76 {strides = array<i32>} : memref<96xi32, #tpu.memory_space<vmem>>, vector<16xi32>,
    %get3A_77 = arith.constant 9904 : index
    %get3A_78 = tpu.vector_load %arg8[%get3A_77] {strides = array<i32>} : memref<10000xi32, #tpu.memory_space<vmem>>, vector<16xi32>,
    %get3A_79 = vector.shape_cast %get3A_78 : vector<16xi32> to vector<16xi32>
    %swap3A_80 = arith.constant 16 : index
    %swap3A_81 = tpu.vector_load %arg9[%swap3A_80] {strides = array<i32>} : memref<96xi32, #tpu.memory_space<vmem>>, vector<16xi32>,
    %swap3A_82 = vector.shape_cast %swap3A_81 : vector<16xi32> to vector<16xi32>
    %swap3A_83 = vector.shape_cast %get3A_79 : vector<16xi32> to vector<16xi32>
    tpu.vector_store %arg9[%swap3A_80], %swap3A_83 {strides = array<i32>} : memref<96xi32, #tpu.memory_space<vmem>>, vector<16xi32>,
    %get3A_84 = arith.constant 9920 : index
    %get3A_85 = tpu.vector_load %arg8[%get3A_84] {strides = array<i32>} : memref<10000xi32, #tpu.memory_space<vmem>>, vector<16xi32>,
    %get3A_86 = vector.shape_cast %get3A_85 : vector<16xi32> to vector<16xi32>
    %swap3A_87 = arith.constant 32 : index
    %swap3A_88 = tpu.vector_load %arg9[%swap3A_87] {strides = array<i32>} : memref<96xi32, #tpu.memory_space<vmem>>, vector<16xi32>,
    %swap3A_89 = vector.shape_cast %swap3A_88 : vector<16xi32> to vector<16xi32>
    %swap3A_90 = vector.shape_cast %get3A_86 : vector<16xi32> to vector<16xi32>
    tpu.vector_store %arg9[%swap3A_87], %swap3A_90 {strides = array<i32>} : memref<96xi32, #tpu.memory_space<vmem>>, vector<16xi32>,
    %get3A_91 = arith.constant 9936 : index
    %get3A_92 = tpu.vector_load %arg8[%get3A_91] {strides = array<i32>} : memref<10000xi32, #tpu.memory_space<vmem>>, vector<16xi32>,
    %get3A_93 = vector.shape_cast %get3A_92 : vector<16xi32> to vector<16xi32>
    %swap3A_94 = arith.constant 48 : index
    %swap3A_95 = tpu.vector_load %arg9[%swap3A_94] {strides = array<i32>} : memref<96xi32, #tpu.memory_space<vmem>>, vector<16xi32>,
    %swap3A_96 = vector.shape_cast %swap3A_95 : vector<16xi32> to vector<16xi32>
    %swap3A_97 = vector.shape_cast %get3A_93 : vector<16xi32> to vector<16xi32>
    tpu.vector_store %arg9[%swap3A_94], %swap3A_97 {strides = array<i32>} : memref<96xi32, #tpu.memory_space<vmem>>, vector<16xi32>,
    %get3A_98 = arith.constant 9952 : index
    %get3A_99 = tpu.vector_load %arg8[%get3A_98] {strides = array<i32>} : memref<10000xi32, #tpu.memory_space<vmem>>, vector<16xi32>,
    %get3A_100 = vector.shape_cast %get3A_99 : vector<16xi32> to vector<16xi32>
    %swap3A_101 = arith.constant 64 : index
    %swap3A_102 = tpu.vector_load %arg9[%swap3A_101] {strides = array<i32>} : memref<96xi32, #tpu.memory_space<vmem>>, vector<16xi32>,
    %swap3A_103 = vector.shape_cast %swap3A_102 : vector<16xi32> to vector<16xi32>
    %swap3A_104 = vector.shape_cast %get3A_100 : vector<16xi32> to vector<16xi32>
    tpu.vector_store %arg9[%swap3A_101], %swap3A_104 {strides = array<i32>} : memref<96xi32, #tpu.memory_space<vmem>>, vector<16xi32>,
    %get3A_105 = arith.constant 9968 : index
    %get3A_106 = tpu.vector_load %arg8[%get3A_105] {strides = array<i32>} : memref<10000xi32, #tpu.memory_space<vmem>>, vector<16xi32>,
    %get3A_107 = vector.shape_cast %get3A_106 : vector<16xi32> to vector<16xi32>
    %swap3A_108 = arith.constant 80 : index
    %swap3A_109 = tpu.vector_load %arg9[%swap3A_108] {strides = array<i32>} : memref<96xi32, #tpu.memory_space<vmem>>, vector<16xi32>,
    %swap3A_110 = vector.shape_cast %swap3A_109 : vector<16xi32> to vector<16xi32>
    %swap3A_111 = vector.shape_cast %get3A_107 : vector<16xi32> to vector<16xi32>
    tpu.vector_store %arg9[%swap3A_108], %swap3A_111 {strides = array<i32>} : memref<96xi32, #tpu.memory_space<vmem>>, vector<16xi32>,
    "tpu.region"() ({
      %run_scoped3A = tpu.sem_alloc : memref<!tpu.dma_semaphore, #tpu.memory_space<semaphore_mem>>
      %dma_start3A_143 = arith.constant 0 : i32
      %dma_start3A_144 = arith.constant 0 : i32
      %dma_start3A_145 = tpu.memref_slice %arg13[%dma_start3A_143, %dma_start3A_144] : memref<10240x128xf32, #tpu.memory_space<vmem_shared>> -> memref<10240x128xf32, #tpu.memory_space<vmem_shared>>
      tpu.enqueue_indirect_dma source(%arg12 : memref<96x128xf32, #tpu.memory_space<vmem>>) target(%dma_start3A_145 : memref<10240x128xf32, #tpu.memory_space<vmem_shared>>) offsets(%arg9 : memref<96xi32, #tpu.memory_space<vmem>>) semaphore(%run_scoped3A : memref<!tpu.dma_semaphore, #tpu.memory_space<semaphore_mem>>) {add = true}
      %dma_wait3A_146 = arith.constant 0 : i32
      %dma_wait3A_147 = arith.constant 0 : i32
      %dma_wait3A_148 = tpu.memref_slice %arg13[%dma_wait3A_146, %dma_wait3A_147] : memref<10240x128xf32, #tpu.memory_space<vmem_shared>> -> memref<10240x128xf32, #tpu.memory_space<vmem_shared>>
      tpu.wait_indirect_dma semaphore(%run_scoped3A : memref<!tpu.dma_semaphore, #tpu.memory_space<semaphore_mem>>) src(%arg12 : memref<96x128xf32, #tpu.memory_space<vmem>>) dst(%dma_wait3A_148 : memref<10240x128xf32, #tpu.memory_space<vmem_shared>>)
      tpu.yield
    }) : () -> ()
    %dma_start3A_112 = arith.constant 0 : i32
    %dma_start3A_113 = arith.constant 0 : i32
    %dma_start3A_114 = tpu.memref_slice %arg11[%dma_start3A_112, %dma_start3A_113] : memref<96x128xf32, #tpu.memory_space<vmem>> -> memref<16x128xf32, #tpu.memory_space<vmem>>
    %dma_start3A_115 = arith.constant 9984 : i32
    %dma_start3A_116 = tpu.memref_slice %arg7[%dma_start3A_115] : memref<10000xi32, #tpu.memory_space<vmem>> -> memref<16xi32, #tpu.memory_space<vmem>>
    %dma_start3A_117 = arith.constant 0 : i32
    %dma_start3A_118 = arith.constant 0 : i32
    %dma_start3A_119 = tpu.memref_slice %arg2[%dma_start3A_117, %dma_start3A_118] : memref<10000x128xf32, #tpu.memory_space<hbm>> -> memref<10000x128xf32, #tpu.memory_space<hbm>>
    tpu.enqueue_indirect_dma source(%dma_start3A_119 : memref<10000x128xf32, #tpu.memory_space<hbm>>) target(%dma_start3A_114 : memref<16x128xf32, #tpu.memory_space<vmem>>) offsets(%dma_start3A_116 : memref<16xi32, #tpu.memory_space<vmem>>) semaphore(%arg14 : memref<!tpu.dma_semaphore, #tpu.memory_space<semaphore_mem>>)
    %dma_wait3A_120 = arith.constant 0 : i32
    %dma_wait3A_121 = arith.constant 0 : i32
    %dma_wait3A_122 = tpu.memref_slice %arg11[%dma_wait3A_120, %dma_wait3A_121] : memref<96x128xf32, #tpu.memory_space<vmem>> -> memref<16x128xf32, #tpu.memory_space<vmem>>
    %dma_wait3A_123 = arith.constant 9984 : i32
    %dma_wait3A_124 = tpu.memref_slice %arg7[%dma_wait3A_123] : memref<10000xi32, #tpu.memory_space<vmem>> -> memref<16xi32, #tpu.memory_space<vmem>>
    %dma_wait3A_125 = arith.constant 0 : i32
    %dma_wait3A_126 = arith.constant 0 : i32
    %dma_wait3A_127 = tpu.memref_slice %arg2[%dma_wait3A_125, %dma_wait3A_126] : memref<10000x128xf32, #tpu.memory_space<hbm>> -> memref<10000x128xf32, #tpu.memory_space<hbm>>
    tpu.wait_indirect_dma semaphore(%arg14 : memref<!tpu.dma_semaphore, #tpu.memory_space<semaphore_mem>>) src(%dma_wait3A_127 : memref<10000x128xf32, #tpu.memory_space<hbm>>) dst(%dma_wait3A_122 : memref<16x128xf32, #tpu.memory_space<vmem>>)
    %get3A_128 = arith.constant 9984 : index
    %get3A_129 = tpu.vector_load %arg8[%get3A_128] {strides = array<i32>} : memref<10000xi32, #tpu.memory_space<vmem>>, vector<16xi32>,
    %get3A_130 = vector.shape_cast %get3A_129 : vector<16xi32> to vector<16xi32>
    %swap3A_131 = arith.constant 0 : index
    %swap3A_132 = tpu.vector_load %arg10[%swap3A_131] {strides = array<i32>} : memref<16xi32, #tpu.memory_space<vmem>>, vector<16xi32>,
    %swap3A_133 = vector.shape_cast %swap3A_132 : vector<16xi32> to vector<16xi32>
    %swap3A_134 = vector.shape_cast %get3A_130 : vector<16xi32> to vector<16xi32>
    tpu.vector_store %arg10[%swap3A_131], %swap3A_134 {strides = array<i32>} : memref<16xi32, #tpu.memory_space<vmem>>, vector<16xi32>,
    "tpu.region"() ({
      %run_scoped3A = tpu.sem_alloc : memref<!tpu.dma_semaphore, #tpu.memory_space<semaphore_mem>>
      %dma_start3A_143 = arith.constant 0 : i32
      %dma_start3A_144 = arith.constant 0 : i32
      %dma_start3A_145 = tpu.memref_slice %arg11[%dma_start3A_143, %dma_start3A_144] : memref<96x128xf32, #tpu.memory_space<vmem>> -> memref<16x128xf32, #tpu.memory_space<vmem>>
      %dma_start3A_146 = arith.constant 0 : i32
      %dma_start3A_147 = arith.constant 0 : i32
      %dma_start3A_148 = tpu.memref_slice %arg13[%dma_start3A_146, %dma_start3A_147] : memref<10240x128xf32, #tpu.memory_space<vmem_shared>> -> memref<10240x128xf32, #tpu.memory_space<vmem_shared>>
      tpu.enqueue_indirect_dma source(%dma_start3A_145 : memref<16x128xf32, #tpu.memory_space<vmem>>) target(%dma_start3A_148 : memref<10240x128xf32, #tpu.memory_space<vmem_shared>>) offsets(%arg10 : memref<16xi32, #tpu.memory_space<vmem>>) semaphore(%run_scoped3A : memref<!tpu.dma_semaphore, #tpu.memory_space<semaphore_mem>>) {add = true}
      %dma_wait3A_149 = arith.constant 0 : i32
      %dma_wait3A_150 = arith.constant 0 : i32
      %dma_wait3A_151 = tpu.memref_slice %arg11[%dma_wait3A_149, %dma_wait3A_150] : memref<96x128xf32, #tpu.memory_space<vmem>> -> memref<16x128xf32, #tpu.memory_space<vmem>>
      %dma_wait3A_152 = arith.constant 0 : i32
      %dma_wait3A_153 = arith.constant 0 : i32
      %dma_wait3A_154 = tpu.memref_slice %arg13[%dma_wait3A_152, %dma_wait3A_153] : memref<10240x128xf32, #tpu.memory_space<vmem_shared>> -> memref<10240x128xf32, #tpu.memory_space<vmem_shared>>
      tpu.wait_indirect_dma semaphore(%run_scoped3A : memref<!tpu.dma_semaphore, #tpu.memory_space<semaphore_mem>>) src(%dma_wait3A_151 : memref<16x128xf32, #tpu.memory_space<vmem>>) dst(%dma_wait3A_154 : memref<10240x128xf32, #tpu.memory_space<vmem_shared>>)
      tpu.yield
    }) : () -> ()
    %barrier3A_135 = arith.constant 0 : index
    tpu.barrier barrier_id(%barrier3A_135)
    %mul3A_136 = arith.constant 640 : i32
    %mul3A_137 = arith.muli %arg1, %mul3A_136 : i32
    %mul3A_138 = arith.constant 10240 : i32
    %mul3A_139 = arith.muli %arg0, %mul3A_138 : i32
    %mul3A_140 = arith.constant 640 : i32
    %mul3A_141 = arith.muli %arg1, %mul3A_140 : i32
    %add3A_142 = arith.addi %mul3A_139, %mul3A_141 : i32
    "tpu.region"() ({
      %run_scoped3A = tpu.sem_alloc : memref<!tpu.dma_semaphore, #tpu.memory_space<semaphore_mem>>
      %dma_start3A_143 = arith.constant 0 : i32
      %dma_start3A_144 = tpu.memref_slice %arg6[%add3A_142, %dma_start3A_143] : memref<20480x128xf32, #tpu.memory_space<hbm>> -> memref<640x128xf32, #tpu.memory_space<hbm>>
      %dma_start3A_145 = arith.constant 0 : i32
      %dma_start3A_146 = tpu.memref_slice %arg13[%mul3A_137, %dma_start3A_145] : memref<10240x128xf32, #tpu.memory_space<vmem_shared>> -> memref<640x128xf32, #tpu.memory_space<vmem_shared>>
      tpu.enqueue_dma source(%dma_start3A_146 : memref<640x128xf32, #tpu.memory_space<vmem_shared>>) target(%dma_start3A_144 : memref<640x128xf32, #tpu.memory_space<hbm>>) target_semaphore(%run_scoped3A : memref<!tpu.dma_semaphore, #tpu.memory_space<semaphore_mem>>)
      %dma_wait3A_147 = arith.constant 0 : i32
      %dma_wait3A_148 = tpu.memref_slice %arg6[%add3A_142, %dma_wait3A_147] : memref<20480x128xf32, #tpu.memory_space<hbm>> -> memref<640x128xf32, #tpu.memory_space<hbm>>
      %dma_wait3A_149 = arith.constant 0 : i32
      %dma_wait3A_150 = tpu.memref_slice %arg13[%mul3A_137, %dma_wait3A_149] : memref<10240x128xf32, #tpu.memory_space<vmem_shared>> -> memref<640x128xf32, #tpu.memory_space<vmem_shared>>
      tpu.wait_dma2 semaphore(%run_scoped3A : memref<!tpu.dma_semaphore, #tpu.memory_space<semaphore_mem>>) src(%dma_wait3A_150 : memref<640x128xf32, #tpu.memory_space<vmem_shared>>) dst(%dma_wait3A_148 : memref<640x128xf32, #tpu.memory_space<hbm>>)
      tpu.yield
    }) : () -> ()
    return
  }
}

module attributes {stable_mosaic.version = 14 : i64} {
  func.func @_mm0_body(%arg0: memref<10000x128xf32, #tpu.memory_space<vmem>>, %arg1: memref<128x128xf32, #tpu.memory_space<vmem>>, %arg2: memref<2x10240x128xf32, #tpu.memory_space<vmem>>, %arg3: memref<10000x128xf32, #tpu.memory_space<vmem>>) attributes {dimension_semantics = [], scalar_prefetch = 0 : i64, scratch_operands = 0 : i64, tpu.core_type = #tpu.core_type<tc>} {
    %get3A = arith.constant 0 : index
    %get3A_0 = arith.constant 0 : index
    %get3A_1 = arith.constant 0 : index
    %get3A_2 = vector.load %arg2[%get3A, %get3A_0, %get3A_1] : memref<2x10240x128xf32, #tpu.memory_space<vmem>>, vector<1x10000x1xf32>
    %get3A_3 = vector.shape_cast %get3A_2 : vector<1x10000x1xf32> to vector<10000x1xf32>
    %add3A = arith.constant 1.000000e+00 : f32
    %add3A_4 = vector.broadcast %add3A : f32 to vector<10000x1xf32>
    %add3A_5 = arith.addf %add3A_4, %get3A_3 : vector<10000x1xf32>
    %get3A_6 = arith.constant 1 : index
    %get3A_7 = arith.constant 0 : index
    %get3A_8 = arith.constant 0 : index
    %get3A_9 = vector.load %arg2[%get3A_6, %get3A_7, %get3A_8] : memref<2x10240x128xf32, #tpu.memory_space<vmem>>, vector<1x10000x1xf32>
    %get3A_10 = vector.shape_cast %get3A_9 : vector<1x10000x1xf32> to vector<10000x1xf32>
    %add3A_11 = arith.addf %add3A_5, %get3A_10 : vector<10000x1xf32>
    %sqrt3A = math.sqrt %add3A_11 : vector<10000x1xf32>
    %div3A = arith.constant 1.000000e+00 : f32
    %div3A_12 = vector.broadcast %div3A : f32 to vector<10000x1xf32>
    %div3A_13 = arith.divf %div3A_12, %sqrt3A : vector<10000x1xf32>
    %get3A_14 = arith.constant 0 : index
    %get3A_15 = arith.constant 0 : index
    %get3A_16 = vector.load %arg0[%get3A_14, %get3A_15] : memref<10000x128xf32, #tpu.memory_space<vmem>>, vector<10000x128xf32>
    %get3A_17 = arith.constant 0 : index
    %get3A_18 = arith.constant 0 : index
    %get3A_19 = vector.load %arg1[%get3A_17, %get3A_18] : memref<128x128xf32, #tpu.memory_space<vmem>>, vector<128x128xf32>
    %dot_general3A = arith.constant dense<0.000000e+00> : vector<10000x128xf32>
    %dot_general3A_20 = tpu.matmul %get3A_16, %get3A_19, %dot_general3A {dimension_numbers = #tpu.dot_dimension_numbers<[1], [0], [0], [1], [0, 0, 1, 1], [], []>, transpose_lhs_hint = false} : vector<10000x128xf32>, vector<128x128xf32>, vector<10000x128xf32> -> vector<10000x128xf32>
    %mul3A = vector.broadcast %div3A_13 : vector<10000x1xf32> to vector<10000x128xf32>
    %mul3A_21 = arith.mulf %mul3A, %dot_general3A_20 : vector<10000x128xf32>
    %swap3A = arith.constant 0 : index
    %swap3A_22 = arith.constant 0 : index
    %swap3A_23 = vector.load %arg3[%swap3A, %swap3A_22] : memref<10000x128xf32, #tpu.memory_space<vmem>>, vector<10000x128xf32>
    tpu.vector_store %arg3[%swap3A, %swap3A_22], %mul3A_21 {strides = array<i32>} : memref<10000x128xf32, #tpu.memory_space<vmem>>, vector<10000x128xf32>,
    return
  }
}

module attributes {stable_mosaic.version = 14 : i64} {
  func.func @_epi_body(%arg0: memref<2x10240x128xf32, #tpu.memory_space<vmem>>, %arg1: memref<10000x128xf32, #tpu.memory_space<vmem>>, %arg2: memref<2x10240x128xf32, #tpu.memory_space<vmem>>, %arg3: memref<1x128xf32, #tpu.memory_space<vmem>>, %arg4: memref<1x128xf32, #tpu.memory_space<vmem>>, %arg5: memref<1x128xf32, #tpu.memory_space<vmem>>, %arg6: memref<1x10000xi32, #tpu.memory_space<vmem>>, %arg7: memref<128x128xf32, #tpu.memory_space<vmem>>, %arg8: memref<64x128xf32, #tpu.memory_space<vmem>>, %arg9: memref<10000x128xf32, #tpu.memory_space<vmem>>) attributes {dimension_semantics = [], scalar_prefetch = 0 : i64, scratch_operands = 0 : i64, tpu.core_type = #tpu.core_type<tc>} {
    %get3A = arith.constant 0 : index
    %get3A_0 = arith.constant 0 : index
    %get3A_1 = arith.constant 0 : index
    %get3A_2 = vector.load %arg2[%get3A, %get3A_0, %get3A_1] : memref<2x10240x128xf32, #tpu.memory_space<vmem>>, vector<1x10000x1xf32>
    %get3A_3 = vector.shape_cast %get3A_2 : vector<1x10000x1xf32> to vector<10000x1xf32>
    %add3A = arith.constant 1.000000e+00 : f32
    %add3A_4 = vector.broadcast %add3A : f32 to vector<10000x1xf32>
    %add3A_5 = arith.addf %add3A_4, %get3A_3 : vector<10000x1xf32>
    %get3A_6 = arith.constant 1 : index
    %get3A_7 = arith.constant 0 : index
    %get3A_8 = arith.constant 0 : index
    %get3A_9 = vector.load %arg2[%get3A_6, %get3A_7, %get3A_8] : memref<2x10240x128xf32, #tpu.memory_space<vmem>>, vector<1x10000x1xf32>
    %get3A_10 = vector.shape_cast %get3A_9 : vector<1x10000x1xf32> to vector<10000x1xf32>
    %add3A_11 = arith.addf %add3A_5, %get3A_10 : vector<10000x1xf32>
    %sqrt3A = math.sqrt %add3A_11 : vector<10000x1xf32>
    %div3A = arith.constant 1.000000e+00 : f32
    %div3A_12 = vector.broadcast %div3A : f32 to vector<10000x1xf32>
    %div3A_13 = arith.divf %div3A_12, %sqrt3A : vector<10000x1xf32>
    %get3A_14 = arith.constant 0 : index
    %get3A_15 = arith.constant 0 : index
    %get3A_16 = arith.constant 0 : index
    %get3A_17 = vector.load %arg0[%get3A_14, %get3A_15, %get3A_16] : memref<2x10240x128xf32, #tpu.memory_space<vmem>>, vector<1x10000x128xf32>
    %get3A_18 = vector.shape_cast %get3A_17 : vector<1x10000x128xf32> to vector<10000x128xf32>
    %get3A_19 = arith.constant 1 : index
    %get3A_20 = arith.constant 0 : index
    %get3A_21 = arith.constant 0 : index
    %get3A_22 = vector.load %arg0[%get3A_19, %get3A_20, %get3A_21] : memref<2x10240x128xf32, #tpu.memory_space<vmem>>, vector<1x10000x128xf32>
    %get3A_23 = vector.shape_cast %get3A_22 : vector<1x10000x128xf32> to vector<10000x128xf32>
    %add3A_24 = arith.addf %get3A_18, %get3A_23 : vector<10000x128xf32>
    %get3A_25 = arith.constant 0 : index
    %get3A_26 = arith.constant 0 : index
    %get3A_27 = vector.load %arg1[%get3A_25, %get3A_26] : memref<10000x128xf32, #tpu.memory_space<vmem>>, vector<10000x128xf32>
    %add3A_28 = arith.addf %add3A_24, %get3A_27 : vector<10000x128xf32>
    %mul3A = vector.broadcast %div3A_13 : vector<10000x1xf32> to vector<10000x128xf32>
    %mul3A_29 = arith.mulf %mul3A, %add3A_28 : vector<10000x128xf32>
    %get3A_30 = arith.constant 0 : index
    %get3A_31 = arith.constant 0 : index
    %get3A_32 = vector.load %arg3[%get3A_30, %get3A_31] : memref<1x128xf32, #tpu.memory_space<vmem>>, vector<1x128xf32>
    %add3A_33 = vector.broadcast %get3A_32 : vector<1x128xf32> to vector<10000x128xf32>
    %add3A_34 = arith.addf %mul3A_29, %add3A_33 : vector<10000x128xf32>
    %max3A = arith.constant 0.000000e+00 : f32
    %max3A_35 = vector.broadcast %max3A : f32 to vector<10000x128xf32>
    %max3A_36 = arith.maximumf %add3A_34, %max3A_35 : vector<10000x128xf32>
    %reduce_sum3A = arith.constant dense<0.000000e+00> : vector<128xf32>
    %reduce_sum3A_37 = vector.multi_reduction <add>, %max3A_36, %reduce_sum3A [0] : vector<10000x128xf32> to vector<128xf32>
    %broadcast_in_dim3A = vector.shape_cast %reduce_sum3A_37 : vector<128xf32> to vector<1x128xf32>
    %div3A_38 = arith.constant 1.000000e+04 : f32
    %div3A_39 = vector.broadcast %div3A_38 : f32 to vector<1x128xf32>
    %div3A_40 = arith.divf %broadcast_in_dim3A, %div3A_39 : vector<1x128xf32>
    %sub3A = vector.broadcast %div3A_40 : vector<1x128xf32> to vector<10000x128xf32>
    %sub3A_41 = arith.subf %max3A_36, %sub3A : vector<10000x128xf32>
    %integer_pow3A = arith.mulf %sub3A_41, %sub3A_41 : vector<10000x128xf32>
    %reduce_sum3A_42 = arith.constant dense<0.000000e+00> : vector<128xf32>
    %reduce_sum3A_43 = vector.multi_reduction <add>, %integer_pow3A, %reduce_sum3A_42 [0] : vector<10000x128xf32> to vector<128xf32>
    %broadcast_in_dim3A_44 = vector.shape_cast %reduce_sum3A_43 : vector<128xf32> to vector<1x128xf32>
    %div3A_45 = arith.constant 1.000000e+04 : f32
    %div3A_46 = vector.broadcast %div3A_45 : f32 to vector<1x128xf32>
    %div3A_47 = arith.divf %broadcast_in_dim3A_44, %div3A_46 : vector<1x128xf32>
    %get3A_48 = arith.constant 0 : index
    %get3A_49 = arith.constant 0 : index
    %get3A_50 = vector.load %arg4[%get3A_48, %get3A_49] : memref<1x128xf32, #tpu.memory_space<vmem>>, vector<1x128xf32>
    %sub3A_51 = vector.broadcast %div3A_40 : vector<1x128xf32> to vector<10000x128xf32>
    %sub3A_52 = arith.subf %max3A_36, %sub3A_51 : vector<10000x128xf32>
    %mul3A_53 = vector.broadcast %get3A_50 : vector<1x128xf32> to vector<10000x128xf32>
    %mul3A_54 = arith.mulf %mul3A_53, %sub3A_52 : vector<10000x128xf32>
    %add3A_55 = arith.constant 9.99999974E-6 : f32
    %add3A_56 = vector.broadcast %add3A_55 : f32 to vector<1x128xf32>
    %add3A_57 = arith.addf %div3A_47, %add3A_56 : vector<1x128xf32>
    %sqrt3A_58 = math.sqrt %add3A_57 : vector<1x128xf32>
    %div3A_59 = vector.broadcast %sqrt3A_58 : vector<1x128xf32> to vector<10000x128xf32>
    %div3A_60 = arith.divf %mul3A_54, %div3A_59 : vector<10000x128xf32>
    %get3A_61 = arith.constant 0 : index
    %get3A_62 = arith.constant 0 : index
    %get3A_63 = vector.load %arg5[%get3A_61, %get3A_62] : memref<1x128xf32, #tpu.memory_space<vmem>>, vector<1x128xf32>
    %add3A_64 = vector.broadcast %get3A_63 : vector<1x128xf32> to vector<10000x128xf32>
    %add3A_65 = arith.addf %div3A_60, %add3A_64 : vector<10000x128xf32>
    %get3A_66 = arith.constant 0 : index
    %get3A_67 = arith.constant 0 : index
    %get3A_68 = vector.load %arg6[%get3A_66, %get3A_67] : memref<1x10000xi32, #tpu.memory_space<vmem>>, vector<1x10000xi32>
    %iota3A = tpu.iota {dimensions = array<i32: 0>} : vector<64x10000xi32>
    %eq3A = vector.broadcast %get3A_68 : vector<1x10000xi32> to vector<64x10000xi32>
    %eq3A_69 = arith.cmpi eq, %eq3A, %iota3A : vector<64x10000xi32>
    %convert_element_type3A = arith.extui %eq3A_69 : vector<64x10000xi1> to vector<64x10000xi32>
    %convert_element_type3A_70 = arith.sitofp %convert_element_type3A : vector<64x10000xi32> to vector<64x10000xf32>
    %dot_general3A = arith.constant dense<0.000000e+00> : vector<64x128xf32>
    %dot_general3A_71 = tpu.matmul %convert_element_type3A_70, %add3A_65, %dot_general3A {dimension_numbers = #tpu.dot_dimension_numbers<[1], [0], [0], [1], [0, 0, 1, 1], [], []>, precision = #tpu.contract_precision<fp32>, transpose_lhs_hint = false} : vector<64x10000xf32>, vector<10000x128xf32>, vector<64x128xf32> -> vector<64x128xf32>
    %swap3A = arith.constant 0 : index
    %swap3A_72 = arith.constant 0 : index
    %swap3A_73 = vector.load %arg8[%swap3A, %swap3A_72] : memref<64x128xf32, #tpu.memory_space<vmem>>, vector<64x128xf32>
    tpu.vector_store %arg8[%swap3A, %swap3A_72], %dot_general3A_71 {strides = array<i32>} : memref<64x128xf32, #tpu.memory_space<vmem>>, vector<64x128xf32>,
    %get3A_74 = arith.constant 0 : index
    %get3A_75 = arith.constant 0 : index
    %get3A_76 = vector.load %arg7[%get3A_74, %get3A_75] : memref<128x128xf32, #tpu.memory_space<vmem>>, vector<128x128xf32>
    %dot_general3A_77 = arith.constant dense<0.000000e+00> : vector<10000x128xf32>
    %dot_general3A_78 = tpu.matmul %add3A_65, %get3A_76, %dot_general3A_77 {dimension_numbers = #tpu.dot_dimension_numbers<[1], [0], [0], [1], [0, 0, 1, 1], [], []>, transpose_lhs_hint = false} : vector<10000x128xf32>, vector<128x128xf32>, vector<10000x128xf32> -> vector<10000x128xf32>
    %mul3A_79 = vector.broadcast %div3A_13 : vector<10000x1xf32> to vector<10000x128xf32>
    %mul3A_80 = arith.mulf %mul3A_79, %dot_general3A_78 : vector<10000x128xf32>
    %swap3A_81 = arith.constant 0 : index
    %swap3A_82 = arith.constant 0 : index
    %swap3A_83 = vector.load %arg9[%swap3A_81, %swap3A_82] : memref<10000x128xf32, #tpu.memory_space<vmem>>, vector<10000x128xf32>
    tpu.vector_store %arg9[%swap3A_81, %swap3A_82], %mul3A_80 {strides = array<i32>} : memref<10000x128xf32, #tpu.memory_space<vmem>>, vector<10000x128xf32>,
    return
  }
}

module attributes {stable_mosaic.version = 14 : i64} {
  func.func @_epi_body(%arg0: memref<2x10240x128xf32, #tpu.memory_space<vmem>>, %arg1: memref<10000x128xf32, #tpu.memory_space<vmem>>, %arg2: memref<2x10240x128xf32, #tpu.memory_space<vmem>>, %arg3: memref<1x128xf32, #tpu.memory_space<vmem>>, %arg4: memref<1x128xf32, #tpu.memory_space<vmem>>, %arg5: memref<1x128xf32, #tpu.memory_space<vmem>>, %arg6: memref<1x10000xi32, #tpu.memory_space<vmem>>, %arg7: memref<128x128xf32, #tpu.memory_space<vmem>>, %arg8: memref<64x128xf32, #tpu.memory_space<vmem>>) attributes {dimension_semantics = [], scalar_prefetch = 0 : i64, scratch_operands = 0 : i64, tpu.core_type = #tpu.core_type<tc>} {
    %get3A = arith.constant 0 : index
    %get3A_0 = arith.constant 0 : index
    %get3A_1 = arith.constant 0 : index
    %get3A_2 = vector.load %arg2[%get3A, %get3A_0, %get3A_1] : memref<2x10240x128xf32, #tpu.memory_space<vmem>>, vector<1x10000x1xf32>
    %get3A_3 = vector.shape_cast %get3A_2 : vector<1x10000x1xf32> to vector<10000x1xf32>
    %add3A = arith.constant 1.000000e+00 : f32
    %add3A_4 = vector.broadcast %add3A : f32 to vector<10000x1xf32>
    %add3A_5 = arith.addf %add3A_4, %get3A_3 : vector<10000x1xf32>
    %get3A_6 = arith.constant 1 : index
    %get3A_7 = arith.constant 0 : index
    %get3A_8 = arith.constant 0 : index
    %get3A_9 = vector.load %arg2[%get3A_6, %get3A_7, %get3A_8] : memref<2x10240x128xf32, #tpu.memory_space<vmem>>, vector<1x10000x1xf32>
    %get3A_10 = vector.shape_cast %get3A_9 : vector<1x10000x1xf32> to vector<10000x1xf32>
    %add3A_11 = arith.addf %add3A_5, %get3A_10 : vector<10000x1xf32>
    %sqrt3A = math.sqrt %add3A_11 : vector<10000x1xf32>
    %div3A = arith.constant 1.000000e+00 : f32
    %div3A_12 = vector.broadcast %div3A : f32 to vector<10000x1xf32>
    %div3A_13 = arith.divf %div3A_12, %sqrt3A : vector<10000x1xf32>
    %get3A_14 = arith.constant 0 : index
    %get3A_15 = arith.constant 0 : index
    %get3A_16 = arith.constant 0 : index
    %get3A_17 = vector.load %arg0[%get3A_14, %get3A_15, %get3A_16] : memref<2x10240x128xf32, #tpu.memory_space<vmem>>, vector<1x10000x128xf32>
    %get3A_18 = vector.shape_cast %get3A_17 : vector<1x10000x128xf32> to vector<10000x128xf32>
    %get3A_19 = arith.constant 1 : index
    %get3A_20 = arith.constant 0 : index
    %get3A_21 = arith.constant 0 : index
    %get3A_22 = vector.load %arg0[%get3A_19, %get3A_20, %get3A_21] : memref<2x10240x128xf32, #tpu.memory_space<vmem>>, vector<1x10000x128xf32>
    %get3A_23 = vector.shape_cast %get3A_22 : vector<1x10000x128xf32> to vector<10000x128xf32>
    %add3A_24 = arith.addf %get3A_18, %get3A_23 : vector<10000x128xf32>
    %get3A_25 = arith.constant 0 : index
    %get3A_26 = arith.constant 0 : index
    %get3A_27 = vector.load %arg1[%get3A_25, %get3A_26] : memref<10000x128xf32, #tpu.memory_space<vmem>>, vector<10000x128xf32>
    %add3A_28 = arith.addf %add3A_24, %get3A_27 : vector<10000x128xf32>
    %mul3A = vector.broadcast %div3A_13 : vector<10000x1xf32> to vector<10000x128xf32>
    %mul3A_29 = arith.mulf %mul3A, %add3A_28 : vector<10000x128xf32>
    %get3A_30 = arith.constant 0 : index
    %get3A_31 = arith.constant 0 : index
    %get3A_32 = vector.load %arg3[%get3A_30, %get3A_31] : memref<1x128xf32, #tpu.memory_space<vmem>>, vector<1x128xf32>
    %add3A_33 = vector.broadcast %get3A_32 : vector<1x128xf32> to vector<10000x128xf32>
    %add3A_34 = arith.addf %mul3A_29, %add3A_33 : vector<10000x128xf32>
    %max3A = arith.constant 0.000000e+00 : f32
    %max3A_35 = vector.broadcast %max3A : f32 to vector<10000x128xf32>
    %max3A_36 = arith.maximumf %add3A_34, %max3A_35 : vector<10000x128xf32>
    %reduce_sum3A = arith.constant dense<0.000000e+00> : vector<128xf32>
    %reduce_sum3A_37 = vector.multi_reduction <add>, %max3A_36, %reduce_sum3A [0] : vector<10000x128xf32> to vector<128xf32>
    %broadcast_in_dim3A = vector.shape_cast %reduce_sum3A_37 : vector<128xf32> to vector<1x128xf32>
    %div3A_38 = arith.constant 1.000000e+04 : f32
    %div3A_39 = vector.broadcast %div3A_38 : f32 to vector<1x128xf32>
    %div3A_40 = arith.divf %broadcast_in_dim3A, %div3A_39 : vector<1x128xf32>
    %sub3A = vector.broadcast %div3A_40 : vector<1x128xf32> to vector<10000x128xf32>
    %sub3A_41 = arith.subf %max3A_36, %sub3A : vector<10000x128xf32>
    %integer_pow3A = arith.mulf %sub3A_41, %sub3A_41 : vector<10000x128xf32>
    %reduce_sum3A_42 = arith.constant dense<0.000000e+00> : vector<128xf32>
    %reduce_sum3A_43 = vector.multi_reduction <add>, %integer_pow3A, %reduce_sum3A_42 [0] : vector<10000x128xf32> to vector<128xf32>
    %broadcast_in_dim3A_44 = vector.shape_cast %reduce_sum3A_43 : vector<128xf32> to vector<1x128xf32>
    %div3A_45 = arith.constant 1.000000e+04 : f32
    %div3A_46 = vector.broadcast %div3A_45 : f32 to vector<1x128xf32>
    %div3A_47 = arith.divf %broadcast_in_dim3A_44, %div3A_46 : vector<1x128xf32>
    %get3A_48 = arith.constant 0 : index
    %get3A_49 = arith.constant 0 : index
    %get3A_50 = vector.load %arg4[%get3A_48, %get3A_49] : memref<1x128xf32, #tpu.memory_space<vmem>>, vector<1x128xf32>
    %sub3A_51 = vector.broadcast %div3A_40 : vector<1x128xf32> to vector<10000x128xf32>
    %sub3A_52 = arith.subf %max3A_36, %sub3A_51 : vector<10000x128xf32>
    %mul3A_53 = vector.broadcast %get3A_50 : vector<1x128xf32> to vector<10000x128xf32>
    %mul3A_54 = arith.mulf %mul3A_53, %sub3A_52 : vector<10000x128xf32>
    %add3A_55 = arith.constant 9.99999974E-6 : f32
    %add3A_56 = vector.broadcast %add3A_55 : f32 to vector<1x128xf32>
    %add3A_57 = arith.addf %div3A_47, %add3A_56 : vector<1x128xf32>
    %sqrt3A_58 = math.sqrt %add3A_57 : vector<1x128xf32>
    %div3A_59 = vector.broadcast %sqrt3A_58 : vector<1x128xf32> to vector<10000x128xf32>
    %div3A_60 = arith.divf %mul3A_54, %div3A_59 : vector<10000x128xf32>
    %get3A_61 = arith.constant 0 : index
    %get3A_62 = arith.constant 0 : index
    %get3A_63 = vector.load %arg5[%get3A_61, %get3A_62] : memref<1x128xf32, #tpu.memory_space<vmem>>, vector<1x128xf32>
    %add3A_64 = vector.broadcast %get3A_63 : vector<1x128xf32> to vector<10000x128xf32>
    %add3A_65 = arith.addf %div3A_60, %add3A_64 : vector<10000x128xf32>
    %get3A_66 = arith.constant 0 : index
    %get3A_67 = arith.constant 0 : index
    %get3A_68 = vector.load %arg6[%get3A_66, %get3A_67] : memref<1x10000xi32, #tpu.memory_space<vmem>>, vector<1x10000xi32>
    %iota3A = tpu.iota {dimensions = array<i32: 0>} : vector<64x10000xi32>
    %eq3A = vector.broadcast %get3A_68 : vector<1x10000xi32> to vector<64x10000xi32>
    %eq3A_69 = arith.cmpi eq, %eq3A, %iota3A : vector<64x10000xi32>
    %convert_element_type3A = arith.extui %eq3A_69 : vector<64x10000xi1> to vector<64x10000xi32>
    %convert_element_type3A_70 = arith.sitofp %convert_element_type3A : vector<64x10000xi32> to vector<64x10000xf32>
    %dot_general3A = arith.constant dense<0.000000e+00> : vector<64x128xf32>
    %dot_general3A_71 = tpu.matmul %convert_element_type3A_70, %add3A_65, %dot_general3A {dimension_numbers = #tpu.dot_dimension_numbers<[1], [0], [0], [1], [0, 0, 1, 1], [], []>, precision = #tpu.contract_precision<fp32>, transpose_lhs_hint = false} : vector<64x10000xf32>, vector<10000x128xf32>, vector<64x128xf32> -> vector<64x128xf32>
    %swap3A = arith.constant 0 : index
    %swap3A_72 = arith.constant 0 : index
    %swap3A_73 = vector.load %arg8[%swap3A, %swap3A_72] : memref<64x128xf32, #tpu.memory_space<vmem>>, vector<64x128xf32>
    tpu.vector_store %arg8[%swap3A, %swap3A_72], %dot_general3A_71 {strides = array<i32>} : memref<64x128xf32, #tpu.memory_space<vmem>>, vector<64x128xf32>,
    return
  }
}

</mosaic_0001>

<sc_bundles>
// kernel: kernel.10.cloned.1.call-start
scs
__scs_entry_jumppad:
0x0: {  	(pc) =	sbr.rel $0x88, $3  }
0x1: {  	(tag) =	ssettag $0x0;
	lr =	simm.s32 $0x1  }
0x2: {  	[smem:$0x3F92] =	sst lr;
	_ =	strace $0xD0000000  }
0x3: {  	_ = 	snop  }
0x4: {  	_ = 	snop  }
0x5: {  	_ = 	snop  }
0x6: {  	_ = 	snop  }
0x7: {  	_ = 	snop  }
__scs_overlays_trampoline_lowered:
0x8: {  	[smem:$0x3FA1] =	sst s0  }
0x9: {  	[smem:$0x3FA2] =	sst s1  }
0xa: {  	[smem:$0x3FA3] =	sst s2  }
0xb: {  	[smem:$0x3FA4] =	sst s3  }
0xc: {  	[smem:$0x3FA5] =	sst s4  }
0xd: {  	[smem:$0x3FA6] =	sst s5  }
0xe: {  	[smem:$0x3FA7] =	sst s6  }
0xf: {  	[smem:$0x3FA8] =	sst s7  }
0x10: {  	[smem:$0x3FA9] =	sst s8  }
0x11: {  	[smem:$0x3FAA] =	sst s9;
	s0 =	simm.s32 @!p0 $0x0  }
0x12: {  	s1 =	sld [smem:$0x3F90];
	s0 =	simm.s32 @p0 $0x1  }
0x13: {  	[smem:$0x3FAB] =	sst s0;
	s0 =	simm.s32 @!p1 $0x0  }
0x14: {  	s2 =	sld [smem:$0x3F8F];
	s0 =	simm.s32 @p1 $0x1  }
0x15: {  	[smem:$0x3FAC] =	sst s0;
	s0 =	simm.s32 @!p2 $0x0  }
0x16: {  	s3 =	sld [smem:$0x3FDB];
	s0 =	simm.s32 @p2 $0x1  }
0x17: {  	s4 =	simm.s32 $0x1BF5;
	[smem:$0x3FAE] =	sst s0  }
0x18: {  	s0 =	sld [smem:$0x3F91];
	_ =	swait.ge [sflag:s4], $0x0  }
0x19: {  	s7 =	sld [smem:$0x3F92]  }
0x1a: {  	s8 =	sadd.s32 $0xFFFFE003, lr  }
0x1b: {  	s9 =	sadd.s32 $0xFFFFFEF7, lr;
	s5 =	simm.s32 $0xFFFFFFFF;
	p2 =	slt.u32 s8, $0xFFFFF086  }
0x1c: {  	p1 =	slt.u32 s9, $0xF7A;
	s5 =	simm.s32 @!p2 $0x0  }
0x1d: {  	s5 =	simm.s32 @p1 $0x1;
	p0 =	seq.s32 s7, s2  }
0x1e: {  	s7 =	smul.u32 @!p0 $0xF7A, s2;
	p2 =	seq.s32 @!p0 s5, $0x0  }
0x1f: {  	s9 =	smul.u32 $0xF7A, s1;
	s8 =	simm.s32 @!p0 $0x1BF5;
	p2 =	por !p2, p0  }
0x20: {  	[sflag:s8] =	ssyncset.s32 @!p0 $0xFFFFF086;
	s6 =	sadd.s32 @!p0 s3, s7;
	s7 =	simm.s32 @!p0 $0x108  }
0x21: {  	s3 =	sadd.s32 s3, s9;
	s6 =	sadd.s32 @!p0 $0x88, s6;
	s7 =	simm.s32 @p2 $0x1082  }
0x22: {  	[simem:s7], [sflag:s8] =	dma.local @!p0 [hbm:s6], $0xF7A  }
0x23: {  	s9 =	sor.u32 $0xD0000000, s2;
	s6 =	simm.s32 $0x108;
	_ =	swait.ge @!p0 [sflag:s8], $0x0  }
0x24: {  	s3 =	sadd.s32 $0x88, s3;
	s6 =	simm.s32 @!p1 $0x1082;
	[sflag:s4] =	ssyncset.s32 $0xFFFFF086  }
0x25: {  	[simem:s6], [sflag:s4] =	dma.local [hbm:s3], $0xF7A  }
0x26: {  	[smem:$0x3F92] =	sst s1;
	(tag) =	ssettag s2;
	_ =	strace s9  }
0x27: {  	s1 =	sld [smem:$0x3FA2]  }
0x28: {  	s2 =	sld [smem:$0x3FA3]  }
0x29: {  	s4 =	sld [smem:$0x3FA5]  }
0x2a: {  	p0 =	seq.s32 s5, $0x0;
	s5 =	sld [smem:$0x3FA6]  }
0x2b: {  	s6 =	sld [smem:$0x3FA7]  }
0x2c: {  	s7 =	sld [smem:$0x3FA8]  }
0x2d: {  	s3 =	simm.s32 $0x108;
	s8 =	sld [smem:$0x3FA9]  }
0x2e: {  	s3 =	simm.s32 @!p0 $0x1082;
	s9 =	sld [smem:$0x3FAA]  }
0x2f: {  	lr =	sadd.s32 s0, s3;
	s0 =	sld [smem:$0x3FA1]  }
0x30: {  	s3 =	sld [smem:$0x3FA4]  }
0x31: {  	[smem:$0x3FAD] =	sst s10  }
0x32: {  	s10 =	sld [smem:$0x3FAB];
	_ =	sdelay $0x3  }
0x33: {  	p0 =	seq.s32 s10, $0x1;
	s10 =	sld [smem:$0x3FAD];
	_ =	sdelay $0x3  }
0x34: {  	[smem:$0x3FAD] =	sst s10  }
0x35: {  	s10 =	sld [smem:$0x3FAC];
	_ =	sdelay $0x3  }
0x36: {  	p1 =	seq.s32 s10, $0x1;
	s10 =	sld [smem:$0x3FAD];
	_ =	sdelay $0x3  }
0x37: {  	[smem:$0x3FAD] =	sst s10  }
0x38: {  	s10 =	sld [smem:$0x3FAE]  }
0x39: {  	_ = 	snop;
	(pc) =	sbr.ind lr, $3  }
0x3a: {  	_ = 	snop  }
0x3b: {  	_ = 	snop  }
0x3c: {  	p2 =	seq.s32 s10, $0x1;
	s10 =	sld [smem:$0x3FAD]  }
0x3d: {  	_ =	shalt  }
0x3e: {  	_ =	shalt  }
0x3f: {  	_ =	shalt  }
0x40: {  	_ =	shalt  }
0x41: {  	_ =	shalt  }
0x42: {  	_ =	shalt  }
0x43: {  	_ =	shalt  }
0x44: {  	_ =	shalt  }
0x45: {  	_ =	shalt  }
0x46: {  	_ =	shalt  }
0x47: {  	_ =	shalt  }
0x48: {  	_ =	shalt  }
0x49: {  	_ =	shalt  }
0x4a: {  	_ =	shalt  }
0x4b: {  	_ =	shalt  }
0x4c: {  	_ =	shalt  }
0x4d: {  	_ =	shalt  }
0x4e: {  	_ =	shalt  }
0x4f: {  	_ =	shalt  }
0x50: {  	_ =	shalt  }
0x51: {  	_ =	shalt  }
0x52: {  	_ =	shalt  }
0x53: {  	_ =	shalt  }
0x54: {  	_ =	shalt  }
0x55: {  	_ =	shalt  }
0x56: {  	_ =	shalt  }
0x57: {  	_ =	shalt  }
0x58: {  	_ =	shalt  }
0x59: {  	_ =	shalt  }
0x5a: {  	_ =	shalt  }
0x5b: {  	_ =	shalt  }
0x5c: {  	_ =	shalt  }
0x5d: {  	_ =	shalt  }
0x5e: {  	_ =	shalt  }
0x5f: {  	_ =	shalt  }
0x60: {  	_ =	shalt  }
0x61: {  	_ =	shalt  }
0x62: {  	_ =	shalt  }
0x63: {  	_ =	shalt  }
0x64: {  	_ =	shalt  }
0x65: {  	_ =	shalt  }
0x66: {  	_ =	shalt  }
0x67: {  	_ =	shalt  }
0x68: {  	_ =	shalt  }
0x69: {  	_ =	shalt  }
0x6a: {  	_ =	shalt  }
0x6b: {  	_ =	shalt  }
0x6c: {  	_ =	shalt  }
0x6d: {  	_ =	shalt  }
0x6e: {  	_ =	shalt  }
0x6f: {  	_ =	shalt  }
0x70: {  	_ =	shalt  }
0x71: {  	_ =	shalt  }
0x72: {  	_ =	shalt  }
0x73: {  	_ =	shalt  }
0x74: {  	_ =	shalt  }
0x75: {  	_ =	shalt  }
0x76: {  	_ =	shalt  }
0x77: {  	_ =	shalt  }
0x78: {  	_ =	shalt  }
0x79: {  	_ =	shalt  }
0x7a: {  	_ =	shalt  }
0x7b: {  	_ =	shalt  }
0x7c: {  	_ =	shalt  }
0x7d: {  	_ =	shalt  }
0x7e: {  	_ =	shalt  }
0x7f: {  	_ =	shalt  }
0x80: {  	_ =	shalt  }
0x81: {  	_ =	shalt  }
0x82: {  	_ =	shalt  }
0x83: {  	_ =	shalt  }
0x84: {  	_ =	shalt  }
0x85: {  	_ =	shalt  }
0x86: {  	_ =	shalt  }
0x87: {  	_ =	shalt  }
.Lfunc_end0:
.L_simem_size_0:
called_computation_lowered:
.L_overlay_start_0:
0x88: {  	s2 =	sld [smem:$0x3FD9]  }
0x89: {  	s3 =	sld [smem:$0x3FFE];
	_ =	sdelay $0x1  }
0x8a: {  	s1 =	srdreg.scid  }
0x8b: {  	s0 =	sand.u32 $0x1, s1  }
0x8c: {  	s17 =	sshll.u32 s0, $0xA;
	s2 =	sadd.s32 s3, s2  }
0x8d: {  	s2 =	sadd.s32 s2, s17  }
0x8e: {  	[smem:$0x3FB9] =	sst s2  }
0x8f: {  	_ = 	snop  }
0x90: {  	s2 =	sld [smem:$0x3FD0];
	(tm) =	ssettm $0x1  }
0x91: {  	s18 =	sld [smem:$0x3FFB];
	_ =	sdelay $0x3  }
0x92: {  	_ =	strace s18  }
0x93: {  	s3 =	sld [smem:$0x3FFC];
	_ =	sdelay $0x3  }
0x94: {  	_ =	strace s3  }
0x95: {  	s3 =	sld [smem:$0x3FFD];
	_ =	sdelay $0x3  }
0x96: {  	_ =	strace s3  }
0x97: {  	_ =	strace $0x8FFFFFFF  }
0x98: {  	s19 =	sld [smem:$0x3FDB];
	_ =	sdelay $0x1  }
0x99: {  	s4 =	simm.s32 $_scs_section_size  }
0x9a: {  	s5 =	simm.s32 $_size__tile_overlayer_lowered;
	s6 =	simm.s32 $_tile_overlayer_lowered  }
0x9b: {  	s22 =	simm.s32 $0x1BFF;
	s21 =	sshll.u32 s6, $0x1;
	s3 =	sadd.s32 s4, s19  }
0x9c: {  	s7 =	simm.s32 $0x0;
	s20 =	sshll.u32 s5, $0x1;
	s5 =	sadd.s32 s21, s3  }
0x9d: {  	[timem:s7], [sflag:s22] =	dma.local [hbm:s5], s20  }
0x9e: {  	_ =	swait.ge [sflag:s22], s20  }
0x9f: {  	s4 =	ssub.s32 $0x0, s20;
	[sflag:s22] =	ssyncset.done $0x0  }
0xa0: {  	[sflag:s22] =	ssyncadd.s32 s4;
	_ =	sdelay $0x1  }
0xa1: {  	s23 =	simm.s32 $0x1B8B  }
0xa2: {  	_ =	swait.ge [sflag:s23], $0x1  }
0xa3: {  	[sflag:s23] =	ssyncset.done $0x0  }
0xa4: {  	s25 =	simm.s32 $0x1B8E;
	s24 =	sld [smem:$0x3FFE];
	[sflag:s23] =	ssyncadd.s32 $0xFFFFFFFF  }
0xa5: {  	s26 =	simm.s32 $execute0_lowered;
	[smem:$0x3FD2] =	sst s25  }
0xa6: {  	s5 =	sshll.u32 s26, $0x1;
	_ =	strace $0x80000046;
	[dreg:$0x1] =	wrdreg $0xFFFFFFFF  }
0xa7: {  	s28 =	simm.s32 $_size_execute0_lowered;
	s3 =	sadd.s32 s3, s5;
	[dreg:$0x0] =	wrdreg $0x0  }
0xa8: {  	s5 =	sshll.u32 s28, $0x1;
	[dreg:$0x2] =	wrdreg s3  }
0xa9: {  	[dreg:$0x3] =	wrdreg s5  }
0xaa: {  	[dreg:$0x4] =	wrdreg $0xC0  }
0xab: {  	_ =	task [dreg:s7], $0x5FFFF  }
0xac: {  	[dreg:$0x1] =	wrdreg $0xFFFFFFFF  }
0xad: {  	[dreg:$0x0] =	wrdreg $0x60  }
0xae: {  	[dreg:$0x2] =	wrdreg s24  }
0xaf: {  	[dreg:$0x3] =	wrdreg s2  }
0xb0: {  	[dreg:$0x4] =	wrdreg $0x5A000  }
0xb1: {  	[dreg:$0x5] =	wrdreg $0x9  }
0xb2: {  	_ =	task.clear_ibuf [dreg:s7], $0x6FFFF;
	_ =	strace $0x90000046  }
0xb3: {  	s29 =	simm.s32 $0x9;
	_ =	strace $0x80000048  }
0xb4: {  	_ =	swait.ge [sflag:s29], $0x1  }
0xb5: {  	[sflag:s29] =	ssyncadd.s32 $0xFFFFFFFF  }
0xb6: {  	_ =	strace $0x90000048  }
0xb7: {  	_ =	sfence  }
0xb8: {  	s30 =	sld [smem:$0x0];
	_ =	sdelay $0x2  }
0xb9: {  	s31 =	sshll.u32 s1, $0xD;
	s1 =	sshrl.u32 s1, $0x2  }
0xba: {  	s3 =	sand.u32 $0x4000, s31;
	s1 =	sadd.s32 s1, s30  }
0xbb: {  	s0 =	sor.u32 s3, s0;
	s1 =	sshll.u32 s1, $0x11  }
0xbc: {  	s0 =	sor.u32 s1, s0  }
0xbd: {  	s0 =	sadd.s32 $0x8F2B, s0  }
0xbe: {  	[sflag:s0] =	ssyncadd.remote.s32 $0x1  }
0xbf: {  	_ =	sfence.sel $0xFFFF  }
0xc0: {  	[dreg:$0x0] =	wrdreg $0xFFFFFFFF;
	(pc) =	sbr.abs _section_cstart, $3  }
0xc1: {  	[dreg:$0x1] =	wrdreg $0xFFFFFFFF  }
0xc2: {  	_ =	task.clear_ibuf [dreg:s7], $0x2FFFF;
	_ =	strace $0x9FFFFFFF  }
0xc3: {  	(tm) =	ssettm $0x7FFFFFFF  }
tec
execute0_lowered:
.L_overlay_start_1:
0x0: {  	(tag) =	ssettag $0x1  }
0x1: {  	s5 =	rddreg [dreg:$0x0]  }
0x2: {  	s2 =	rddreg [dreg:$0x1]  }
0x3: {  	s3 =	rddreg [dreg:$0x2]  }
0x4: {  	s0 =	srdreg.scid;
	s1 =	rddreg [dreg:$0x3]  }
0x5: {  	s4 =	simm.s32 $0x0;
	s13 =	simm.s32 $0x60;
	s14 =	simm.s32 $0x2780  }
0x6: {  	s15 =	simm.s32 $0x2800;
	s16 =	simm.s32 $0x2880;
	s6 =	sand.u32 $0x1, s0  }
0x7: {  	s17 =	simm.s32 $0x2900;
	s0 =	stileid.u32;
	s7 =	smul.u32 $0x27100, s6  }
0x8: {  	s18 =	simm.s32 $0x1;
	s19 =	simm.s32 $0x10;
	s8 =	smul.u32 $0x2710, s0  }
0x9: {  	s20 =	simm.s32 $0x2980;
	[smem:$0x7FF] =	sst s4;
	s28 =	smul.u32 $0x2800, s0  }
0xa: {  	s21 =	simm.s32 $0x0;
	s9 =	smul.u32 $0x28000, s6;
	_ =	strace $0x80000047  }
0xb: {  	s6 =	ssub.s32 $0x2, s6;
	s10 =	smul.u32 $0x50000, s0;
	s31 =	sshll.u32 s0, $0x6  }
0xc: {  	s29 =	sshrl.u32 s6, $0x1;
	s7 =	sadd.s32 s8, s7;
	s9 =	sadd.s32 s28, s9  }
0xd: {  	s8 =	sadd.s32 s28, s5;
	s11 =	ssub.s32 s6, s29;
	s30 =	sshrl.u32 s10, $0x2  }
0xe: {  	s10 =	sor.u32 $0x1C02, s31;
	s7 =	sshrl.u32 s7, $0x3;
	s9 =	sadd.s32 s9, s5  }
0xf: {  	s12 =	sadd.s32 s30, s3;
	s6 =	sadd.s32 $0x17E00, s8;
	s8 =	smax.u32 s11, $0x1  }
0x10: {  	s7 =	sadd.s32 s7, s5;
	s11 =	sshrl.u32 s12, $0x3;
	s12 =	simm.s32 $0x2A00  }
0x11: {  	s5 =	sadd.s32 $0xE000, s7;
	s7 =	sadd.s32 $0x3FE00, s9;
	s9 =	simm.s32 $0x2  }
.LBB2_1:
0x12: {  	[tilespmem:s4], [sflag:$0x2] =	stream.linear.gather [hbm4b:s5+s4], $0x2710, $0x38;
	[tilespmem:$0x19A00] =	vst v63  }
0x13: {  	_ =	swait.ge [sflag:s9], $0x2710  }
0x14: {  	[sflag:s9] =	ssyncset.done $0x0  }
0x15: {  	[sflag:s9] =	ssyncadd.s32 $0xFFFFD8F0  }
0x16: {  	[spmem:s11], [sflag:s10] =	dma.local [hbm:s6], $0x2800  }
0x17: {  	_ =	swait.ge [sflag:s9], $0x2800  }
0x18: {  	[sflag:s9] =	ssyncset.done $0x0  }
0x19: {  	[sflag:s9] =	ssyncadd.s32 $0xFFFFD800  }
0x1a: {  	[tilespmem:s12], [sflag:$0x2] =	stream.linear.gather [hbm4b:s2+s4], $0x3000, $0x38;
	[tilespmem:$0x19A00] =	vst v63  }
0x1b: {  	_ =	swait.ge [sflag:s9], $0x3000  }
0x1c: {  	[sflag:s9] =	ssyncset.done $0x0  }
0x1d: {  	[sflag:s9] =	ssyncadd.s32 $0xFFFFD000  }
0x1e: {  	s22 =	simm.s32 $0x0;
	[bflag:$0x0] =	sbarrier.arrive $0xFFFF  }
0x1f: {  	v0 =	vld [tilespmem:s22+$0x0];
	_ =	sdelay $0x4  }
0x20: {  	[tilespmem:$0x2780] =	vst v0  }
0x21: {  	v0 =	vld [tilespmem:s22+$0x10];
	_ =	sdelay $0x4  }
0x22: {  	[tilespmem:$0x2790] =	vst v0  }
0x23: {  	v0 =	vld [tilespmem:s22+$0x20];
	_ =	sdelay $0x4  }
0x24: {  	[tilespmem:$0x27A0] =	vst v0  }
0x25: {  	v0 =	vld [tilespmem:s22+$0x30];
	_ =	sdelay $0x4  }
0x26: {  	[tilespmem:$0x27B0] =	vst v0  }
0x27: {  	v0 =	vld [tilespmem:s22+$0x40];
	_ =	sdelay $0x4  }
0x28: {  	[tilespmem:$0x27C0] =	vst v0  }
0x29: {  	v0 =	vld [tilespmem:s22+$0x50];
	_ =	sdelay $0x4  }
0x2a: {  	[tilespmem:$0x27D0] =	vst v0  }
0x2b: {  	[spmem:s3] =	stream.indirect.scatter.add.f32 [tilespmem:s12], [sflag:$0x1], $0x80, s14, s13, $0xb8;
	[tilespmem:$0x19A00] =	vst v63  }
0x2c: {  	v0 =	vld [tilespmem:s22+$0x60];
	_ =	sdelay $0x4  }
0x2d: {  	[tilespmem:$0x2800] =	vst v0  }
0x2e: {  	v0 =	vld [tilespmem:s22+$0x70];
	_ =	sdelay $0x4  }
0x2f: {  	[tilespmem:$0x2810] =	vst v0  }
0x30: {  	v0 =	vld [tilespmem:s22+$0x80];
	_ =	sdelay $0x4  }
0x31: {  	[tilespmem:$0x2820] =	vst v0  }
0x32: {  	v0 =	vld [tilespmem:s22+$0x90];
	_ =	sdelay $0x4  }
0x33: {  	[tilespmem:$0x2830] =	vst v0  }
0x34: {  	v0 =	vld [tilespmem:s22+$0xA0];
	_ =	sdelay $0x4  }
0x35: {  	[tilespmem:$0x2840] =	vst v0  }
0x36: {  	v0 =	vld [tilespmem:s22+$0xB0];
	_ =	sdelay $0x4  }
0x37: {  	[tilespmem:$0x2850] =	vst v0  }
0x38: {  	[spmem:s3] =	stream.indirect.scatter.add.f32 [tilespmem:s12], [sflag:$0x1], $0x80, s15, s13, $0xb8;
	[tilespmem:$0x19A00] =	vst v63  }
0x39: {  	v0 =	vld [tilespmem:s22+$0xC0];
	_ =	sdelay $0x4  }
0x3a: {  	[tilespmem:$0x2880] =	vst v0  }
0x3b: {  	v0 =	vld [tilespmem:s22+$0xD0];
	_ =	sdelay $0x4  }
0x3c: {  	[tilespmem:$0x2890] =	vst v0  }
0x3d: {  	v0 =	vld [tilespmem:s22+$0xE0];
	_ =	sdelay $0x4  }
0x3e: {  	[tilespmem:$0x28A0] =	vst v0  }
0x3f: {  	v0 =	vld [tilespmem:s22+$0xF0];
	_ =	sdelay $0x4  }
0x40: {  	[tilespmem:$0x28B0] =	vst v0  }
0x41: {  	v0 =	vld [tilespmem:s22+$0x100];
	_ =	sdelay $0x4  }
0x42: {  	[tilespmem:$0x28C0] =	vst v0  }
0x43: {  	v0 =	vld [tilespmem:s22+$0x110];
	_ =	sdelay $0x4  }
0x44: {  	[tilespmem:$0x28D0] =	vst v0  }
0x45: {  	[spmem:s3] =	stream.indirect.scatter.add.f32 [tilespmem:s12], [sflag:$0x1], $0x80, s16, s13, $0xb8;
	[tilespmem:$0x19A00] =	vst v63  }
0x46: {  	v0 =	vld [tilespmem:s22+$0x120];
	_ =	sdelay $0x4  }
0x47: {  	[tilespmem:$0x2900] =	vst v0  }
0x48: {  	v0 =	vld [tilespmem:s22+$0x130];
	_ =	sdelay $0x4  }
0x49: {  	[tilespmem:$0x2910] =	vst v0  }
0x4a: {  	v0 =	vld [tilespmem:s22+$0x140];
	_ =	sdelay $0x4  }
0x4b: {  	[tilespmem:$0x2920] =	vst v0  }
0x4c: {  	v0 =	vld [tilespmem:s22+$0x150];
	_ =	sdelay $0x4  }
0x4d: {  	[tilespmem:$0x2930] =	vst v0  }
0x4e: {  	v0 =	vld [tilespmem:s22+$0x160];
	_ =	sdelay $0x4  }
0x4f: {  	[tilespmem:$0x2940] =	vst v0  }
0x50: {  	v0 =	vld [tilespmem:s22+$0x170];
	_ =	sdelay $0x4  }
0x51: {  	[tilespmem:$0x2950] =	vst v0  }
0x52: {  	[spmem:s3] =	stream.indirect.scatter.add.f32 [tilespmem:s12], [sflag:$0x1], $0x80, s17, s13, $0xb8;
	[tilespmem:$0x19A00] =	vst v63  }
0x53: {  	_ =	swait.ge [sflag:s18], $0x3000  }
0x54: {  	[sflag:s18] =	ssyncset.done $0x0  }
0x55: {  	[sflag:s18] =	ssyncadd.s32 $0xFFFFD000  }
0x56: {  	_ =	swait.ge [sflag:s18], $0x3000  }
0x57: {  	[sflag:s18] =	ssyncset.done $0x0  }
0x58: {  	[sflag:s18] =	ssyncadd.s32 $0xFFFFD000  }
0x59: {  	_ =	swait.ge [sflag:s18], $0x3000  }
0x5a: {  	[sflag:s18] =	ssyncset.done $0x0  }
0x5b: {  	[sflag:s18] =	ssyncadd.s32 $0xFFFFD000  }
0x5c: {  	_ =	swait.ge [sflag:s18], $0x3000  }
0x5d: {  	s25 =	simm.s32 $0xC00;
	s22 =	simm.s32 $0x600;
	[sflag:s18] =	ssyncset.done $0x0  }
.LBB2_2:
0x5e: {  	s24 =	sshra.s32 s22, $0x2  }
0x5f: {  	[sflag:s18] =	ssyncadd.s32 $0xFFFFD000;
	s22 =	smov.u32 s25;
	s23 =	sadd.s32 $0x600, s25  }
0x60: {  	p0 =	sne.s32 s25, $0x9600;
	v0 =	vld [tilespmem:s24+$0x0];
	_ =	sdelay $0x4  }
0x61: {  	[tilespmem:$0x2780] =	vst v0  }
0x62: {  	v0 =	vld [tilespmem:s24+$0x10];
	_ =	sdelay $0x4  }
0x63: {  	[tilespmem:$0x2790] =	vst v0  }
0x64: {  	v0 =	vld [tilespmem:s24+$0x20];
	_ =	sdelay $0x4  }
0x65: {  	[tilespmem:$0x27A0] =	vst v0  }
0x66: {  	v0 =	vld [tilespmem:s24+$0x30];
	_ =	sdelay $0x4  }
0x67: {  	[tilespmem:$0x27B0] =	vst v0  }
0x68: {  	v0 =	vld [tilespmem:s24+$0x40];
	_ =	sdelay $0x4  }
0x69: {  	[tilespmem:$0x27C0] =	vst v0  }
0x6a: {  	v0 =	vld [tilespmem:s24+$0x50];
	_ =	sdelay $0x4  }
0x6b: {  	[tilespmem:$0x27D0] =	vst v0  }
0x6c: {  	[spmem:s3] =	stream.indirect.scatter.add.f32 [tilespmem:s12], [sflag:$0x1], $0x80, s14, s13, $0xb8;
	[tilespmem:$0x19A00] =	vst v63  }
0x6d: {  	v0 =	vld [tilespmem:s24+$0x60];
	_ =	sdelay $0x4  }
0x6e: {  	[tilespmem:$0x2800] =	vst v0  }
0x6f: {  	v0 =	vld [tilespmem:s24+$0x70];
	_ =	sdelay $0x4  }
0x70: {  	[tilespmem:$0x2810] =	vst v0  }
0x71: {  	v0 =	vld [tilespmem:s24+$0x80];
	_ =	sdelay $0x4  }
0x72: {  	[tilespmem:$0x2820] =	vst v0  }
0x73: {  	v0 =	vld [tilespmem:s24+$0x90];
	_ =	sdelay $0x4  }
0x74: {  	[tilespmem:$0x2830] =	vst v0  }
0x75: {  	v0 =	vld [tilespmem:s24+$0xA0];
	_ =	sdelay $0x4  }
0x76: {  	[tilespmem:$0x2840] =	vst v0  }
0x77: {  	v0 =	vld [tilespmem:s24+$0xB0];
	_ =	sdelay $0x4  }
0x78: {  	[tilespmem:$0x2850] =	vst v0  }
0x79: {  	[spmem:s3] =	stream.indirect.scatter.add.f32 [tilespmem:s12], [sflag:$0x1], $0x80, s15, s13, $0xb8;
	[tilespmem:$0x19A00] =	vst v63  }
0x7a: {  	v0 =	vld [tilespmem:s24+$0xC0];
	_ =	sdelay $0x4  }
0x7b: {  	[tilespmem:$0x2880] =	vst v0  }
0x7c: {  	v0 =	vld [tilespmem:s24+$0xD0];
	_ =	sdelay $0x4  }
0x7d: {  	[tilespmem:$0x2890] =	vst v0  }
0x7e: {  	v0 =	vld [tilespmem:s24+$0xE0];
	_ =	sdelay $0x4  }
0x7f: {  	[tilespmem:$0x28A0] =	vst v0  }
0x80: {  	v0 =	vld [tilespmem:s24+$0xF0];
	_ =	sdelay $0x4  }
0x81: {  	[tilespmem:$0x28B0] =	vst v0  }
0x82: {  	v0 =	vld [tilespmem:s24+$0x100];
	_ =	sdelay $0x4  }
0x83: {  	[tilespmem:$0x28C0] =	vst v0  }
0x84: {  	v0 =	vld [tilespmem:s24+$0x110];
	_ =	sdelay $0x4  }
0x85: {  	[tilespmem:$0x28D0] =	vst v0  }
0x86: {  	[spmem:s3] =	stream.indirect.scatter.add.f32 [tilespmem:s12], [sflag:$0x1], $0x80, s16, s13, $0xb8;
	[tilespmem:$0x19A00] =	vst v63  }
0x87: {  	v0 =	vld [tilespmem:s24+$0x120];
	_ =	sdelay $0x4  }
0x88: {  	[tilespmem:$0x2900] =	vst v0  }
0x89: {  	v0 =	vld [tilespmem:s24+$0x130];
	_ =	sdelay $0x4  }
0x8a: {  	[tilespmem:$0x2910] =	vst v0  }
0x8b: {  	v0 =	vld [tilespmem:s24+$0x140];
	_ =	sdelay $0x4  }
0x8c: {  	[tilespmem:$0x2920] =	vst v0  }
0x8d: {  	v0 =	vld [tilespmem:s24+$0x150];
	_ =	sdelay $0x4  }
0x8e: {  	[tilespmem:$0x2930] =	vst v0  }
0x8f: {  	v0 =	vld [tilespmem:s24+$0x160];
	_ =	sdelay $0x4  }
0x90: {  	[tilespmem:$0x2940] =	vst v0  }
0x91: {  	v0 =	vld [tilespmem:s24+$0x170];
	_ =	sdelay $0x4  }
0x92: {  	[tilespmem:$0x2950] =	vst v0  }
0x93: {  	[spmem:s3] =	stream.indirect.scatter.add.f32 [tilespmem:s12], [sflag:$0x1], $0x80, s17, s13, $0xb8;
	[tilespmem:$0x19A00] =	vst v63  }
0x94: {  	_ =	swait.ge [sflag:s18], $0x3000  }
0x95: {  	[sflag:s18] =	ssyncset.done $0x0  }
0x96: {  	[sflag:s18] =	ssyncadd.s32 $0xFFFFD000  }
0x97: {  	_ =	swait.ge [sflag:s18], $0x3000  }
0x98: {  	[sflag:s18] =	ssyncset.done $0x0  }
0x99: {  	[sflag:s18] =	ssyncadd.s32 $0xFFFFD000  }
.Ltmp0:
0x9a: {  	_ =	swait.ge [sflag:s18], $0x3000;
	(pc) =	sbr.rel @p0 .LBB2_2-.Ltmp0, $4  }
0x9b: {  	[sflag:s18] =	ssyncset.done $0x0  }
0x9c: {  	[sflag:s18] =	ssyncadd.s32 $0xFFFFD000  }
0x9d: {  	_ =	swait.ge [sflag:s18], $0x3000  }
0x9e: {  	s25 =	smov.u32 s23;
	[sflag:s18] =	ssyncset.done $0x0  }
0x9f: {  	s22 =	sshra.s32 s22, $0x2;
	[sflag:s18] =	ssyncadd.s32 $0xFFFFD000  }
0xa0: {  	v0 =	vld [tilespmem:s22+$0x0];
	_ =	sdelay $0x4  }
0xa1: {  	[tilespmem:$0x2780] =	vst v0  }
0xa2: {  	v0 =	vld [tilespmem:s22+$0x10];
	_ =	sdelay $0x4  }
0xa3: {  	[tilespmem:$0x2790] =	vst v0  }
0xa4: {  	v0 =	vld [tilespmem:s22+$0x20];
	_ =	sdelay $0x4  }
0xa5: {  	[tilespmem:$0x27A0] =	vst v0  }
0xa6: {  	v0 =	vld [tilespmem:s22+$0x30];
	_ =	sdelay $0x4  }
0xa7: {  	[tilespmem:$0x27B0] =	vst v0  }
0xa8: {  	v0 =	vld [tilespmem:s22+$0x40];
	_ =	sdelay $0x4  }
0xa9: {  	[tilespmem:$0x27C0] =	vst v0  }
0xaa: {  	v0 =	vld [tilespmem:s22+$0x50];
	_ =	sdelay $0x4  }
0xab: {  	[tilespmem:$0x27D0] =	vst v0  }
0xac: {  	[spmem:s3] =	stream.indirect.scatter.add.f32 [tilespmem:s12], [sflag:$0x1], $0x80, s14, s13, $0xb8;
	[tilespmem:$0x19A00] =	vst v63  }
0xad: {  	v0 =	vld [tilespmem:s22+$0x60];
	_ =	sdelay $0x4  }
0xae: {  	[tilespmem:$0x2800] =	vst v0  }
0xaf: {  	v0 =	vld [tilespmem:s22+$0x70];
	_ =	sdelay $0x4  }
0xb0: {  	[tilespmem:$0x2810] =	vst v0  }
0xb1: {  	v0 =	vld [tilespmem:s22+$0x80];
	_ =	sdelay $0x4  }
0xb2: {  	[tilespmem:$0x2820] =	vst v0  }
0xb3: {  	v0 =	vld [tilespmem:s22+$0x90];
	_ =	sdelay $0x4  }
0xb4: {  	[tilespmem:$0x2830] =	vst v0  }
0xb5: {  	v0 =	vld [tilespmem:s22+$0xA0];
	_ =	sdelay $0x4  }
0xb6: {  	[tilespmem:$0x2840] =	vst v0  }
0xb7: {  	v0 =	vld [tilespmem:s22+$0xB0];
	_ =	sdelay $0x4  }
0xb8: {  	[tilespmem:$0x2850] =	vst v0  }
0xb9: {  	[spmem:s3] =	stream.indirect.scatter.add.f32 [tilespmem:s12], [sflag:$0x1], $0x80, s15, s13, $0xb8;
	[tilespmem:$0x19A00] =	vst v63  }
0xba: {  	v0 =	vld [tilespmem:s22+$0xC0];
	_ =	sdelay $0x4  }
0xbb: {  	[tilespmem:$0x2880] =	vst v0  }
0xbc: {  	v0 =	vld [tilespmem:s22+$0xD0];
	_ =	sdelay $0x4  }
0xbd: {  	[tilespmem:$0x2890] =	vst v0  }
0xbe: {  	v0 =	vld [tilespmem:s22+$0xE0];
	_ =	sdelay $0x4  }
0xbf: {  	[tilespmem:$0x28A0] =	vst v0  }
0xc0: {  	v0 =	vld [tilespmem:s22+$0xF0];
	_ =	sdelay $0x4  }
0xc1: {  	[tilespmem:$0x28B0] =	vst v0  }
0xc2: {  	v0 =	vld [tilespmem:s22+$0x100];
	_ =	sdelay $0x4  }
0xc3: {  	[tilespmem:$0x28C0] =	vst v0  }
0xc4: {  	v0 =	vld [tilespmem:s22+$0x110];
	_ =	sdelay $0x4  }
0xc5: {  	[tilespmem:$0x28D0] =	vst v0  }
0xc6: {  	[spmem:s3] =	stream.indirect.scatter.add.f32 [tilespmem:s12], [sflag:$0x1], $0x80, s16, s13, $0xb8;
	[tilespmem:$0x19A00] =	vst v63  }
0xc7: {  	v0 =	vld [tilespmem:s22+$0x120];
	_ =	sdelay $0x4  }
0xc8: {  	[tilespmem:$0x2900] =	vst v0  }
0xc9: {  	v0 =	vld [tilespmem:s22+$0x130];
	_ =	sdelay $0x4  }
0xca: {  	[tilespmem:$0x2910] =	vst v0  }
0xcb: {  	v0 =	vld [tilespmem:s22+$0x140];
	_ =	sdelay $0x4  }
0xcc: {  	[tilespmem:$0x2920] =	vst v0  }
0xcd: {  	v0 =	vld [tilespmem:s22+$0x150];
	_ =	sdelay $0x4  }
0xce: {  	[tilespmem:$0x2930] =	vst v0  }
0xcf: {  	v0 =	vld [tilespmem:s22+$0x160];
	_ =	sdelay $0x4  }
0xd0: {  	[tilespmem:$0x2940] =	vst v0  }
0xd1: {  	v0 =	vld [tilespmem:s22+$0x170];
	_ =	sdelay $0x4  }
0xd2: {  	[tilespmem:$0x2950] =	vst v0  }
0xd3: {  	[spmem:s3] =	stream.indirect.scatter.add.f32 [tilespmem:s12], [sflag:$0x1], $0x80, s17, s13, $0xb8;
	[tilespmem:$0x19A00] =	vst v63  }
0xd4: {  	_ =	swait.ge [sflag:s18], $0x3000  }
0xd5: {  	[sflag:s18] =	ssyncset.done $0x0  }
0xd6: {  	[sflag:s18] =	ssyncadd.s32 $0xFFFFD000  }
0xd7: {  	_ =	swait.ge [sflag:s18], $0x3000  }
0xd8: {  	[sflag:s18] =	ssyncset.done $0x0  }
0xd9: {  	[sflag:s18] =	ssyncadd.s32 $0xFFFFD000  }
0xda: {  	_ =	swait.ge [sflag:s18], $0x3000  }
0xdb: {  	[sflag:s18] =	ssyncset.done $0x0  }
0xdc: {  	[sflag:s18] =	ssyncadd.s32 $0xFFFFD000  }
0xdd: {  	_ =	swait.ge [sflag:s18], $0x3000  }
0xde: {  	[sflag:s18] =	ssyncset.done $0x0  }
0xdf: {  	[sflag:s18] =	ssyncadd.s32 $0xFFFFD000  }
0xe0: {  	v63 =	vld [tilespmem:$0x2700];
	_ =	sdelay $0x4  }
0xe1: {  	[tilespmem:$0x2980] =	vst v63  }
0xe2: {  	[spmem:s3] =	stream.indirect.scatter.add.f32 [tilespmem:s12], [sflag:$0x2], $0x80, s20, s19, $0xb8;
	[tilespmem:$0x19A00] =	vst v63  }
0xe3: {  	_ =	swait.ge [sflag:s9], $0x800  }
0xe4: {  	s21 =	sadd.s32 $0x1, s21;
	[sflag:s9] =	ssyncset.done $0x0  }
0xe5: {  	p0 =	sne.s32 s21, s8;
	[sflag:s9] =	ssyncadd.s32 $0xFFFFF800  }
.Ltmp1:
0xe6: {  	[bflag:$0x0] =	sbarrier.arrive $0xFFFF;
	(pc) =	sbr.rel @p0 .LBB2_1-.Ltmp1, $4  }
0xe7: {  	[hbm:s7], [sflag:s10] =	dma.local [spmem:s11], $0x2800  }
0xe8: {  	_ =	swait.ge [sflag:s9], $0x2800  }
0xe9: {  	[sflag:s9] =	ssyncset.done $0x0  }
0xea: {  	[sflag:s9] =	ssyncadd.s32 $0xFFFFD800  }
0xeb: {  	_ =	sfence.sel $0x180000  }
0xec: {  	[bflag:$0x0] =	sbarrier.arrive $0xFFFF  }
0xed: {  	p0 =	sne.s32 s0, $0x0;
	_ =	strace $0x90000047  }
0xee: {  	s0 =	sadd.s32 @!p0 $0x100000, s1;
	[bflag:$0x2] =	sbarrier.arrive $0xFFFF  }
0xef: {  	[sflag:s0] =	ssyncadd.tile.s32 @!p0 $0x1;
	_ =	shalt  }
.Lfunc_end2:
_tile_overlayer_lowered:
.L_overlay_start_2:
0xf0: {  	(tag) =	ssettag $0x2  }
0xf1: {  	s0 =	rddreg [dreg:$0x0];
	s2 =	stileid.u32  }
0xf2: {  	s1 =	rddreg [dreg:$0x1];
	p0 =	sne.s32 s2, $0x0  }
0xf3: {  	s3 =	rddreg [dreg:$0x2];
	[bflag:$0x3] =	sbarrier.arrive $0xFFFF;
	s2 =	simm.s32 @!p0 $0x1C02  }
0xf4: {  	[timem:s3], [sflag:s2] =	dma.local @!p0 [hbm:s0], s1  }
0xf5: {  	s0 =	simm.s32 @!p0 $0x2  }
0xf6: {  	_ =	swait.ge @!p0 [sflag:s0], s1  }
0xf7: {  	s1 =	ssub.s32 @!p0 $0x0, s1;
	[sflag:s0] =	ssyncset.done @!p0 $0x0  }
0xf8: {  	[sflag:s0] =	ssyncadd.s32 @!p0 s1  }
0xf9: {  	[bflag:$0x3] =	sbarrier.arrive $0xFFFF  }
0xfa: {  	_ =	shalt  }

// kernel: kernel.13.cloned.1.call-start
scs
__scs_entry_jumppad:
0x0: {  	(pc) =	sbr.rel $0x88, $3  }
0x1: {  	(tag) =	ssettag $0x0;
	lr =	simm.s32 $0x1  }
0x2: {  	[smem:$0x3F92] =	sst lr;
	_ =	strace $0xD0000000  }
0x3: {  	_ = 	snop  }
0x4: {  	_ = 	snop  }
0x5: {  	_ = 	snop  }
0x6: {  	_ = 	snop  }
0x7: {  	_ = 	snop  }
__scs_overlays_trampoline_lowered:
0x8: {  	[smem:$0x3FA1] =	sst s0  }
0x9: {  	[smem:$0x3FA2] =	sst s1  }
0xa: {  	[smem:$0x3FA3] =	sst s2  }
0xb: {  	[smem:$0x3FA4] =	sst s3  }
0xc: {  	[smem:$0x3FA5] =	sst s4  }
0xd: {  	[smem:$0x3FA6] =	sst s5  }
0xe: {  	[smem:$0x3FA7] =	sst s6  }
0xf: {  	[smem:$0x3FA8] =	sst s7  }
0x10: {  	[smem:$0x3FA9] =	sst s8  }
0x11: {  	[smem:$0x3FAA] =	sst s9;
	s0 =	simm.s32 @!p0 $0x0  }
0x12: {  	s1 =	sld [smem:$0x3F90];
	s0 =	simm.s32 @p0 $0x1  }
0x13: {  	[smem:$0x3FAB] =	sst s0;
	s0 =	simm.s32 @!p1 $0x0  }
0x14: {  	s2 =	sld [smem:$0x3F8F];
	s0 =	simm.s32 @p1 $0x1  }
0x15: {  	[smem:$0x3FAC] =	sst s0;
	s0 =	simm.s32 @!p2 $0x0  }
0x16: {  	s3 =	sld [smem:$0x3FDB];
	s0 =	simm.s32 @p2 $0x1  }
0x17: {  	s4 =	simm.s32 $0x1BF5;
	[smem:$0x3FAE] =	sst s0  }
0x18: {  	s0 =	sld [smem:$0x3F91];
	_ =	swait.ge [sflag:s4], $0x0  }
0x19: {  	s7 =	sld [smem:$0x3F92]  }
0x1a: {  	s8 =	sadd.s32 $0xFFFFE003, lr  }
0x1b: {  	s9 =	sadd.s32 $0xFFFFFEF7, lr;
	s5 =	simm.s32 $0xFFFFFFFF;
	p2 =	slt.u32 s8, $0xFFFFF086  }
0x1c: {  	p1 =	slt.u32 s9, $0xF7A;
	s5 =	simm.s32 @!p2 $0x0  }
0x1d: {  	s5 =	simm.s32 @p1 $0x1;
	p0 =	seq.s32 s7, s2  }
0x1e: {  	s7 =	smul.u32 @!p0 $0xF7A, s2;
	p2 =	seq.s32 @!p0 s5, $0x0  }
0x1f: {  	s9 =	smul.u32 $0xF7A, s1;
	s8 =	simm.s32 @!p0 $0x1BF5;
	p2 =	por !p2, p0  }
0x20: {  	[sflag:s8] =	ssyncset.s32 @!p0 $0xFFFFF086;
	s6 =	sadd.s32 @!p0 s3, s7;
	s7 =	simm.s32 @!p0 $0x108  }
0x21: {  	s3 =	sadd.s32 s3, s9;
	s6 =	sadd.s32 @!p0 $0x88, s6;
	s7 =	simm.s32 @p2 $0x1082  }
0x22: {  	[simem:s7], [sflag:s8] =	dma.local @!p0 [hbm:s6], $0xF7A  }
0x23: {  	s9 =	sor.u32 $0xD0000000, s2;
	s6 =	simm.s32 $0x108;
	_ =	swait.ge @!p0 [sflag:s8], $0x0  }
0x24: {  	s3 =	sadd.s32 $0x88, s3;
	s6 =	simm.s32 @!p1 $0x1082;
	[sflag:s4] =	ssyncset.s32 $0xFFFFF086  }
0x25: {  	[simem:s6], [sflag:s4] =	dma.local [hbm:s3], $0xF7A  }
0x26: {  	[smem:$0x3F92] =	sst s1;
	(tag) =	ssettag s2;
	_ =	strace s9  }
0x27: {  	s1 =	sld [smem:$0x3FA2]  }
0x28: {  	s2 =	sld [smem:$0x3FA3]  }
0x29: {  	s4 =	sld [smem:$0x3FA5]  }
0x2a: {  	p0 =	seq.s32 s5, $0x0;
	s5 =	sld [smem:$0x3FA6]  }
0x2b: {  	s6 =	sld [smem:$0x3FA7]  }
0x2c: {  	s7 =	sld [smem:$0x3FA8]  }
0x2d: {  	s3 =	simm.s32 $0x108;
	s8 =	sld [smem:$0x3FA9]  }
0x2e: {  	s3 =	simm.s32 @!p0 $0x1082;
	s9 =	sld [smem:$0x3FAA]  }
0x2f: {  	lr =	sadd.s32 s0, s3;
	s0 =	sld [smem:$0x3FA1]  }
0x30: {  	s3 =	sld [smem:$0x3FA4]  }
0x31: {  	[smem:$0x3FAD] =	sst s10  }
0x32: {  	s10 =	sld [smem:$0x3FAB];
	_ =	sdelay $0x3  }
0x33: {  	p0 =	seq.s32 s10, $0x1;
	s10 =	sld [smem:$0x3FAD];
	_ =	sdelay $0x3  }
0x34: {  	[smem:$0x3FAD] =	sst s10  }
0x35: {  	s10 =	sld [smem:$0x3FAC];
	_ =	sdelay $0x3  }
0x36: {  	p1 =	seq.s32 s10, $0x1;
	s10 =	sld [smem:$0x3FAD];
	_ =	sdelay $0x3  }
0x37: {  	[smem:$0x3FAD] =	sst s10  }
0x38: {  	s10 =	sld [smem:$0x3FAE]  }
0x39: {  	_ = 	snop;
	(pc) =	sbr.ind lr, $3  }
0x3a: {  	_ = 	snop  }
0x3b: {  	_ = 	snop  }
0x3c: {  	p2 =	seq.s32 s10, $0x1;
	s10 =	sld [smem:$0x3FAD]  }
0x3d: {  	_ =	shalt  }
0x3e: {  	_ =	shalt  }
0x3f: {  	_ =	shalt  }
0x40: {  	_ =	shalt  }
0x41: {  	_ =	shalt  }
0x42: {  	_ =	shalt  }
0x43: {  	_ =	shalt  }
0x44: {  	_ =	shalt  }
0x45: {  	_ =	shalt  }
0x46: {  	_ =	shalt  }
0x47: {  	_ =	shalt  }
0x48: {  	_ =	shalt  }
0x49: {  	_ =	shalt  }
0x4a: {  	_ =	shalt  }
0x4b: {  	_ =	shalt  }
0x4c: {  	_ =	shalt  }
0x4d: {  	_ =	shalt  }
0x4e: {  	_ =	shalt  }
0x4f: {  	_ =	shalt  }
0x50: {  	_ =	shalt  }
0x51: {  	_ =	shalt  }
0x52: {  	_ =	shalt  }
0x53: {  	_ =	shalt  }
0x54: {  	_ =	shalt  }
0x55: {  	_ =	shalt  }
0x56: {  	_ =	shalt  }
0x57: {  	_ =	shalt  }
0x58: {  	_ =	shalt  }
0x59: {  	_ =	shalt  }
0x5a: {  	_ =	shalt  }
0x5b: {  	_ =	shalt  }
0x5c: {  	_ =	shalt  }
0x5d: {  	_ =	shalt  }
0x5e: {  	_ =	shalt  }
0x5f: {  	_ =	shalt  }
0x60: {  	_ =	shalt  }
0x61: {  	_ =	shalt  }
0x62: {  	_ =	shalt  }
0x63: {  	_ =	shalt  }
0x64: {  	_ =	shalt  }
0x65: {  	_ =	shalt  }
0x66: {  	_ =	shalt  }
0x67: {  	_ =	shalt  }
0x68: {  	_ =	shalt  }
0x69: {  	_ =	shalt  }
0x6a: {  	_ =	shalt  }
0x6b: {  	_ =	shalt  }
0x6c: {  	_ =	shalt  }
0x6d: {  	_ =	shalt  }
0x6e: {  	_ =	shalt  }
0x6f: {  	_ =	shalt  }
0x70: {  	_ =	shalt  }
0x71: {  	_ =	shalt  }
0x72: {  	_ =	shalt  }
0x73: {  	_ =	shalt  }
0x74: {  	_ =	shalt  }
0x75: {  	_ =	shalt  }
0x76: {  	_ =	shalt  }
0x77: {  	_ =	shalt  }
0x78: {  	_ =	shalt  }
0x79: {  	_ =	shalt  }
0x7a: {  	_ =	shalt  }
0x7b: {  	_ =	shalt  }
0x7c: {  	_ =	shalt  }
0x7d: {  	_ =	shalt  }
0x7e: {  	_ =	shalt  }
0x7f: {  	_ =	shalt  }
0x80: {  	_ =	shalt  }
0x81: {  	_ =	shalt  }
0x82: {  	_ =	shalt  }
0x83: {  	_ =	shalt  }
0x84: {  	_ =	shalt  }
0x85: {  	_ =	shalt  }
0x86: {  	_ =	shalt  }
0x87: {  	_ =	shalt  }
.Lfunc_end0:
.L_simem_size_0:
called_computation.1_lowered:
.L_overlay_start_0:
0x88: {  	s2 =	sld [smem:$0x3FD9]  }
0x89: {  	s3 =	sld [smem:$0x3FFE];
	_ =	sdelay $0x1  }
0x8a: {  	s1 =	srdreg.scid  }
0x8b: {  	s0 =	sand.u32 $0x1, s1  }
0x8c: {  	s16 =	sshll.u32 s0, $0xA;
	s2 =	sadd.s32 s3, s2  }
0x8d: {  	s2 =	sadd.s32 s2, s16  }
0x8e: {  	[smem:$0x3FB9] =	sst s2  }
0x8f: {  	_ = 	snop  }
0x90: {  	(tm) =	ssettm $0x1  }
0x91: {  	s17 =	sld [smem:$0x3FFB];
	_ =	sdelay $0x3  }
0x92: {  	_ =	strace s17  }
0x93: {  	s2 =	sld [smem:$0x3FFC];
	_ =	sdelay $0x3  }
0x94: {  	_ =	strace s2  }
0x95: {  	s2 =	sld [smem:$0x3FFD];
	_ =	sdelay $0x3  }
0x96: {  	_ =	strace s2  }
0x97: {  	_ =	strace $0x8FFFFFFF  }
0x98: {  	s18 =	sld [smem:$0x3FDB];
	_ =	sdelay $0x1  }
0x99: {  	s19 =	simm.s32 $_scs_section_size  }
0x9a: {  	s4 =	simm.s32 $_size__tile_overlayer_lowered;
	s5 =	simm.s32 $_tile_overlayer_lowered  }
0x9b: {  	s22 =	simm.s32 $0x1BFF;
	s21 =	sshll.u32 s5, $0x1;
	s2 =	sadd.s32 s19, s18  }
0x9c: {  	s6 =	simm.s32 $0x0;
	s20 =	sshll.u32 s4, $0x1;
	s4 =	sadd.s32 s21, s2  }
0x9d: {  	[timem:s6], [sflag:s22] =	dma.local [hbm:s4], s20  }
0x9e: {  	_ =	swait.ge [sflag:s22], s20  }
0x9f: {  	s3 =	ssub.s32 $0x0, s20;
	[sflag:s22] =	ssyncset.done $0x0  }
0xa0: {  	[sflag:s22] =	ssyncadd.s32 s3;
	_ =	sdelay $0x1  }
0xa1: {  	s23 =	simm.s32 $0x1B8B  }
0xa2: {  	_ =	swait.ge [sflag:s23], $0x1  }
0xa3: {  	[sflag:s23] =	ssyncset.done $0x0  }
0xa4: {  	s25 =	simm.s32 $0x1B8E;
	s24 =	sld [smem:$0x3FFE];
	[sflag:s23] =	ssyncadd.s32 $0xFFFFFFFF  }
0xa5: {  	s26 =	simm.s32 $execute0_lowered;
	[smem:$0x3FD2] =	sst s25  }
0xa6: {  	s4 =	sshll.u32 s26, $0x1;
	_ =	strace $0x80000049;
	[dreg:$0x1] =	wrdreg $0xFFFFFFFF  }
0xa7: {  	s28 =	simm.s32 $_size_execute0_lowered;
	s2 =	sadd.s32 s2, s4;
	[dreg:$0x0] =	wrdreg $0x0  }
0xa8: {  	s4 =	sshll.u32 s28, $0x1;
	[dreg:$0x2] =	wrdreg s2  }
0xa9: {  	[dreg:$0x3] =	wrdreg s4  }
0xaa: {  	[dreg:$0x4] =	wrdreg $0xC0  }
0xab: {  	_ =	task [dreg:s6], $0x5FFFF  }
0xac: {  	[dreg:$0x1] =	wrdreg $0xFFFFFFFF  }
0xad: {  	[dreg:$0x0] =	wrdreg $0x60  }
0xae: {  	[dreg:$0x2] =	wrdreg s24  }
0xaf: {  	[dreg:$0x3] =	wrdreg $0xB0000  }
0xb0: {  	[dreg:$0x4] =	wrdreg $0x9  }
0xb1: {  	_ =	task.clear_ibuf [dreg:s6], $0x5FFFF;
	_ =	strace $0x90000049  }
0xb2: {  	s29 =	simm.s32 $0x9;
	_ =	strace $0x8000004B  }
0xb3: {  	_ =	swait.ge [sflag:s29], $0x1  }
0xb4: {  	[sflag:s29] =	ssyncadd.s32 $0xFFFFFFFF  }
0xb5: {  	_ =	strace $0x9000004B  }
0xb6: {  	_ =	sfence  }
0xb7: {  	s30 =	sld [smem:$0x0];
	_ =	sdelay $0x2  }
0xb8: {  	s31 =	sshll.u32 s1, $0xD;
	s1 =	sshrl.u32 s1, $0x2  }
0xb9: {  	s3 =	sand.u32 $0x4000, s31;
	s1 =	sadd.s32 s1, s30  }
0xba: {  	s0 =	sor.u32 s3, s0;
	s1 =	sshll.u32 s1, $0x11  }
0xbb: {  	s0 =	sor.u32 s1, s0  }
0xbc: {  	s0 =	sadd.s32 $0x8F2B, s0  }
0xbd: {  	[sflag:s0] =	ssyncadd.remote.s32 $0x1  }
0xbe: {  	_ =	sfence.sel $0xFFFF  }
0xbf: {  	[dreg:$0x0] =	wrdreg $0xFFFFFFFF;
	(pc) =	sbr.abs _section_cstart, $3  }
0xc0: {  	[dreg:$0x1] =	wrdreg $0xFFFFFFFF  }
0xc1: {  	_ =	task.clear_ibuf [dreg:s6], $0x2FFFF;
	_ =	strace $0x9FFFFFFF  }
0xc2: {  	(tm) =	ssettm $0x7FFFFFFF  }
0xc3: {  	_ =	shalt  }
tec
execute0_lowered:
.L_overlay_start_1:
0x0: {  	(tag) =	ssettag $0x1  }
0x1: {  	s5 =	rddreg [dreg:$0x0]  }
0x2: {  	s2 =	rddreg [dreg:$0x1]  }
0x3: {  	s0 =	srdreg.scid;
	s1 =	rddreg [dreg:$0x2];
	s3 =	simm.s32 $0x0  }
0x4: {  	s14 =	simm.s32 $0x60;
	s15 =	simm.s32 $0x5000;
	s16 =	simm.s32 $0x1  }
0x5: {  	s17 =	simm.s32 $0x8000;
	s18 =	simm.s32 $0x4F00;
	s6 =	sand.u32 $0x1, s0  }
0x6: {  	s19 =	simm.s32 $0x2;
	s0 =	stileid.u32;
	s4 =	smul.u32 $0x27100, s6  }
0x7: {  	s20 =	simm.s32 $0x26A0;
	s21 =	simm.s32 $0x10;
	s7 =	smul.u32 $0x2710, s0  }
0x8: {  	s22 =	simm.s32 $0x2700;
	s23 =	simm.s32 $0x4F80;
	s30 =	smul.u32 $0x2800, s0  }
0x9: {  	s24 =	simm.s32 $0x0;
	[smem:$0x7FF] =	sst s3;
	s9 =	smul.u32 $0x28000, s6  }
0xa: {  	_ =	strace $0x8000004A;
	s6 =	ssub.s32 $0x2, s6;
	s12 =	sshll.u32 s0, $0x6  }
0xb: {  	s10 =	smul.u32 $0x50000, s0;
	s31 =	sshrl.u32 s6, $0x1;
	s12 =	sor.u32 $0x1C03, s12  }
0xc: {  	s4 =	sadd.s32 s7, s4;
	s9 =	sadd.s32 s30, s9;
	s7 =	sadd.s32 s30, s5  }
0xd: {  	s11 =	ssub.s32 s6, s31;
	s10 =	sshrl.u32 s10, $0x2;
	s8 =	sshrl.u32 s4, $0x3  }
0xe: {  	s4 =	sadd.s32 $0x8FE00, s5;
	s9 =	sadd.s32 s9, s5;
	s13 =	sadd.s32 s10, s2  }
0xf: {  	s7 =	sadd.s32 $0x17E00, s7;
	s10 =	simm.s32 $0x3;
	s8 =	sadd.s32 s8, s5  }
0x10: {  	s13 =	sshrl.u32 s13, $0x3;
	s5 =	sadd.s32 $0x4200, s8;
	s6 =	sadd.s32 $0xE000, s8  }
0x11: {  	s8 =	sadd.s32 $0xB7000, s9;
	s9 =	smax.u32 s11, $0x1;
	s11 =	simm.s32 $0x2780  }
.LBB2_1:
0x12: {  	[tilespmem:s3], [sflag:$0x3] =	stream.linear.gather [hbm4b:s5+s3], $0x2710, $0x38;
	[tilespmem:$0x1F000] =	vst v63  }
0x13: {  	_ =	swait.ge [sflag:s10], $0x2710  }
0x14: {  	[sflag:s10] =	ssyncset.done $0x0  }
0x15: {  	[sflag:s10] =	ssyncadd.s32 $0xFFFFD8F0  }
0x16: {  	[tilespmem:s11], [sflag:$0x3] =	stream.linear.gather [hbm4b:s6+s3], $0x2710, $0x38;
	[tilespmem:$0x1F000] =	vst v63  }
0x17: {  	_ =	swait.ge [sflag:s10], $0x2710  }
0x18: {  	[sflag:s10] =	ssyncset.done $0x0  }
0x19: {  	[sflag:s10] =	ssyncadd.s32 $0xFFFFD8F0  }
0x1a: {  	[spmem:s13], [sflag:s12] =	dma.local [hbm:s7], $0x2800  }
0x1b: {  	_ =	swait.ge [sflag:s10], $0x2800  }
0x1c: {  	[sflag:s10] =	ssyncset.done $0x0  }
0x1d: {  	[sflag:s10] =	ssyncadd.s32 $0xFFFFD800  }
0x1e: {  	[bflag:$0x0] =	sbarrier.arrive $0xFFFF  }
0x1f: {  	[tilespmem:s15], [sflag:$0x1] =	stream.indirect.gather [hbm4b:s4+s14], $0x80, s3, s14, $0xb8;
	[tilespmem:$0x1F000] =	vst v63  }
0x20: {  	_ =	swait.ge [sflag:s16], $0x3000  }
0x21: {  	[sflag:s16] =	ssyncset.done $0x0  }
0x22: {  	s25 =	simm.s32 $0x27E0;
	s26 =	simm.s32 $0x60;
	[sflag:s16] =	ssyncadd.s32 $0xFFFFD000  }
0x23: {  	[tilespmem:s17], [sflag:$0x2] =	stream.indirect.gather [hbm4b:s4+s14], $0x80, s26, s14, $0xb8;
	[tilespmem:$0x1F000] =	vst v63  }
0x24: {  	v0 =	vld [tilespmem:s25+$0xFFFFFFA0];
	_ =	sdelay $0x4  }
0x25: {  	[tilespmem:$0x4F00] =	vst v0  }
0x26: {  	v0 =	vld [tilespmem:s25+$0xFFFFFFB0];
	_ =	sdelay $0x4  }
0x27: {  	[tilespmem:$0x4F10] =	vst v0  }
0x28: {  	v0 =	vld [tilespmem:s25+$0xFFFFFFC0];
	_ =	sdelay $0x4  }
0x29: {  	[tilespmem:$0x4F20] =	vst v0  }
0x2a: {  	v0 =	vld [tilespmem:s25+$0xFFFFFFD0];
	_ =	sdelay $0x4  }
0x2b: {  	[tilespmem:$0x4F30] =	vst v0  }
0x2c: {  	v0 =	vld [tilespmem:s25+$0xFFFFFFE0];
	_ =	sdelay $0x4  }
0x2d: {  	[tilespmem:$0x4F40] =	vst v0  }
0x2e: {  	v0 =	vld [tilespmem:s25+$0xFFFFFFF0];
	_ =	sdelay $0x4  }
0x2f: {  	[tilespmem:$0x4F50] =	vst v0  }
0x30: {  	[spmem:s2] =	stream.indirect.scatter.add.f32 [tilespmem:s15], [sflag:$0x3], $0x80, s18, s14, $0xb8;
	[tilespmem:$0x1F000] =	vst v63  }
0x31: {  	_ =	swait.ge [sflag:s10], $0x3000  }
0x32: {  	[sflag:s10] =	ssyncset.done $0x0  }
0x33: {  	[sflag:s10] =	ssyncadd.s32 $0xFFFFD000  }
0x34: {  	_ =	swait.ge [sflag:s19], $0x3000  }
0x35: {  	[sflag:s19] =	ssyncset.done $0x0  }
0x36: {  	s30 =	simm.s32 $0xC0;
	[sflag:s19] =	ssyncadd.s32 $0xFFFFD000  }
0x37: {  	[tilespmem:s15], [sflag:$0x1] =	stream.indirect.gather [hbm4b:s4+s14], $0x80, s30, s14, $0xb8;
	[tilespmem:$0x1F000] =	vst v63  }
0x38: {  	v63 =	vld [tilespmem:s25+$0x0];
	_ =	sdelay $0x4  }
0x39: {  	[tilespmem:$0x4F00] =	vst v63  }
0x3a: {  	v0 =	vld [tilespmem:s25+$0x10];
	_ =	sdelay $0x4  }
0x3b: {  	s31 =	sand.u32 $0x3FC0, s3;
	[tilespmem:$0x4F10] =	vst v0  }
0x3c: {  	v0 =	vld [tilespmem:s31+$0x2800];
	_ =	sdelay $0x4  }
0x3d: {  	[tilespmem:$0x4F20] =	vst v0  }
0x3e: {  	v0 =	vld [tilespmem:s25+$0x30];
	_ =	sdelay $0x4  }
0x3f: {  	[tilespmem:$0x4F30] =	vst v0  }
0x40: {  	v0 =	vld [tilespmem:s25+$0x40];
	_ =	sdelay $0x4  }
0x41: {  	[tilespmem:$0x4F40] =	vst v0  }
0x42: {  	v0 =	vld [tilespmem:s25+$0x50];
	_ =	sdelay $0x4  }
0x43: {  	[tilespmem:$0x4F50] =	vst v0  }
0x44: {  	[spmem:s2] =	stream.indirect.scatter.add.f32 [tilespmem:s17], [sflag:$0x3], $0x80, s18, s14, $0xb8;
	[tilespmem:$0x1F000] =	vst v63  }
0x45: {  	_ =	swait.ge [sflag:s10], $0x3000  }
0x46: {  	[sflag:s10] =	ssyncset.done $0x0  }
0x47: {  	[sflag:s10] =	ssyncadd.s32 $0xFFFFD000  }
0x48: {  	s29 =	simm.s32 $0x180;
	_ =	swait.ge [sflag:s16], $0x3000  }
0x49: {  	s28 =	simm.s32 $0x180;
	s26 =	simm.s32 $0xC0;
	[sflag:s16] =	ssyncset.done $0x0  }
.LBB2_2:
0x4a: {  	s30 =	sadd.s32 $0xFFFFFFA0, s28;
	[sflag:s16] =	ssyncadd.s32 $0xFFFFD000;
	s25 =	sadd.s32 $0xC0, s25  }
0x4b: {  	[tilespmem:s17], [sflag:$0x2] =	stream.indirect.gather [hbm4b:s4+s14], $0x80, s30, s14, $0xb8;
	[tilespmem:$0x1F000] =	vst v63  }
0x4c: {  	p0 =	sne.s32 s29, $0x2580;
	s30 =	smov.u32 s29;
	s29 =	sadd.s32 $0xC0, s29;
	v0 =	vld [tilespmem:s25+$0xFFFFFFA0]  }
0x4d: {  	_ =	sdelay $0x3  }
0x4e: {  	[tilespmem:$0x4F00] =	vst v0  }
0x4f: {  	v0 =	vld [tilespmem:s25+$0xFFFFFFB0];
	_ =	sdelay $0x4  }
0x50: {  	[tilespmem:$0x4F10] =	vst v0  }
0x51: {  	v0 =	vld [tilespmem:s25+$0xFFFFFFC0];
	_ =	sdelay $0x4  }
0x52: {  	[tilespmem:$0x4F20] =	vst v0  }
0x53: {  	v0 =	vld [tilespmem:s25+$0xFFFFFFD0];
	_ =	sdelay $0x4  }
0x54: {  	[tilespmem:$0x4F30] =	vst v0  }
0x55: {  	v0 =	vld [tilespmem:s25+$0xFFFFFFE0];
	_ =	sdelay $0x4  }
0x56: {  	[tilespmem:$0x4F40] =	vst v0  }
0x57: {  	v0 =	vld [tilespmem:s25+$0xFFFFFFF0];
	_ =	sdelay $0x4  }
0x58: {  	[tilespmem:$0x4F50] =	vst v0  }
0x59: {  	[spmem:s2] =	stream.indirect.scatter.add.f32 [tilespmem:s15], [sflag:$0x3], $0x80, s18, s14, $0xb8;
	[tilespmem:$0x1F000] =	vst v63  }
0x5a: {  	_ =	swait.ge [sflag:s10], $0x3000  }
0x5b: {  	[sflag:s10] =	ssyncset.done $0x0  }
0x5c: {  	[sflag:s10] =	ssyncadd.s32 $0xFFFFD000  }
0x5d: {  	_ =	swait.ge [sflag:s19], $0x3000  }
0x5e: {  	[sflag:s19] =	ssyncset.done $0x0  }
0x5f: {  	[sflag:s19] =	ssyncadd.s32 $0xFFFFD000  }
0x60: {  	[tilespmem:s15], [sflag:$0x1] =	stream.indirect.gather [hbm4b:s4+s14], $0x80, s28, s14, $0xb8;
	[tilespmem:$0x1F000] =	vst v63  }
0x61: {  	v0 =	vld [tilespmem:s25+$0x0];
	_ =	sdelay $0x4  }
0x62: {  	[tilespmem:$0x4F00] =	vst v0  }
0x63: {  	v0 =	vld [tilespmem:s25+$0x10];
	_ =	sdelay $0x4  }
0x64: {  	s31 =	sand.u32 $0x3FC0, s26;
	s26 =	smov.u32 s30;
	[tilespmem:$0x4F10] =	vst v0  }
0x65: {  	v0 =	vld [tilespmem:s31+$0x2800];
	_ =	sdelay $0x4  }
0x66: {  	[tilespmem:$0x4F20] =	vst v0  }
0x67: {  	v0 =	vld [tilespmem:s25+$0x30];
	_ =	sdelay $0x4  }
0x68: {  	[tilespmem:$0x4F30] =	vst v0  }
0x69: {  	v0 =	vld [tilespmem:s25+$0x40];
	_ =	sdelay $0x4  }
0x6a: {  	[tilespmem:$0x4F40] =	vst v0  }
0x6b: {  	v0 =	vld [tilespmem:s25+$0x50];
	_ =	sdelay $0x4  }
0x6c: {  	[tilespmem:$0x4F50] =	vst v0  }
0x6d: {  	[spmem:s2] =	stream.indirect.scatter.add.f32 [tilespmem:s17], [sflag:$0x3], $0x80, s18, s14, $0xb8;
	[tilespmem:$0x1F000] =	vst v63  }
.Ltmp0:
0x6e: {  	_ =	swait.ge [sflag:s10], $0x3000;
	(pc) =	sbr.rel @p0 .LBB2_2-.Ltmp0, $4  }
0x6f: {  	[sflag:s10] =	ssyncset.done $0x0  }
0x70: {  	[sflag:s10] =	ssyncadd.s32 $0xFFFFD000  }
0x71: {  	_ =	swait.ge [sflag:s16], $0x3000  }
0x72: {  	s28 =	sadd.s32 $0xC0, s28;
	[sflag:s16] =	ssyncset.done $0x0  }
0x73: {  	s29 =	sadd.s32 $0xFFFFFFA0, s28;
	[sflag:s16] =	ssyncadd.s32 $0xFFFFD000;
	s25 =	sadd.s32 $0xC0, s25  }
0x74: {  	[tilespmem:s17], [sflag:$0x2] =	stream.indirect.gather [hbm4b:s4+s14], $0x80, s29, s14, $0xb8;
	[tilespmem:$0x1F000] =	vst v63  }
0x75: {  	v0 =	vld [tilespmem:s25+$0xFFFFFFA0];
	_ =	sdelay $0x4  }
0x76: {  	[tilespmem:$0x4F00] =	vst v0  }
0x77: {  	v0 =	vld [tilespmem:s25+$0xFFFFFFB0];
	_ =	sdelay $0x4  }
0x78: {  	[tilespmem:$0x4F10] =	vst v0  }
0x79: {  	v0 =	vld [tilespmem:s25+$0xFFFFFFC0];
	_ =	sdelay $0x4  }
0x7a: {  	[tilespmem:$0x4F20] =	vst v0  }
0x7b: {  	v0 =	vld [tilespmem:s25+$0xFFFFFFD0];
	_ =	sdelay $0x4  }
0x7c: {  	[tilespmem:$0x4F30] =	vst v0  }
0x7d: {  	v0 =	vld [tilespmem:s25+$0xFFFFFFE0];
	_ =	sdelay $0x4  }
0x7e: {  	[tilespmem:$0x4F40] =	vst v0  }
0x7f: {  	v0 =	vld [tilespmem:s25+$0xFFFFFFF0];
	_ =	sdelay $0x4  }
0x80: {  	[tilespmem:$0x4F50] =	vst v0  }
0x81: {  	[spmem:s2] =	stream.indirect.scatter.add.f32 [tilespmem:s15], [sflag:$0x3], $0x80, s18, s14, $0xb8;
	[tilespmem:$0x1F000] =	vst v63  }
0x82: {  	_ =	swait.ge [sflag:s10], $0x3000  }
0x83: {  	[sflag:s10] =	ssyncset.done $0x0  }
0x84: {  	[sflag:s10] =	ssyncadd.s32 $0xFFFFD000  }
0x85: {  	_ =	swait.ge [sflag:s19], $0x3000  }
0x86: {  	[sflag:s19] =	ssyncset.done $0x0  }
0x87: {  	[sflag:s19] =	ssyncadd.s32 $0xFFFFD000  }
0x88: {  	[tilespmem:s15], [sflag:$0x1] =	stream.indirect.gather [hbm4b:s4+s14], $0x80, s28, s14, $0xb8;
	[tilespmem:$0x1F000] =	vst v63  }
0x89: {  	v54 =	vld [tilespmem:s25+$0x0];
	_ =	sdelay $0x4  }
0x8a: {  	[tilespmem:$0x4F00] =	vst v54  }
0x8b: {  	v0 =	vld [tilespmem:s25+$0x10];
	_ =	sdelay $0x4  }
0x8c: {  	s26 =	sand.u32 $0x3FC0, s26;
	[tilespmem:$0x4F10] =	vst v0  }
0x8d: {  	v0 =	vld [tilespmem:s26+$0x2800];
	_ =	sdelay $0x4  }
0x8e: {  	[tilespmem:$0x4F20] =	vst v0  }
0x8f: {  	v0 =	vld [tilespmem:s25+$0x30];
	_ =	sdelay $0x4  }
0x90: {  	[tilespmem:$0x4F30] =	vst v0  }
0x91: {  	v0 =	vld [tilespmem:s25+$0x40];
	_ =	sdelay $0x4  }
0x92: {  	[tilespmem:$0x4F40] =	vst v0  }
0x93: {  	v0 =	vld [tilespmem:s25+$0x50];
	_ =	sdelay $0x4  }
0x94: {  	[tilespmem:$0x4F50] =	vst v0  }
0x95: {  	[spmem:s2] =	stream.indirect.scatter.add.f32 [tilespmem:s17], [sflag:$0x3], $0x80, s18, s14, $0xb8;
	[tilespmem:$0x1F000] =	vst v63  }
0x96: {  	_ =	swait.ge [sflag:s10], $0x3000  }
0x97: {  	[sflag:s10] =	ssyncset.done $0x0  }
0x98: {  	[sflag:s10] =	ssyncadd.s32 $0xFFFFD000  }
0x99: {  	_ =	swait.ge [sflag:s16], $0x3000  }
0x9a: {  	[sflag:s16] =	ssyncset.done $0x0  }
0x9b: {  	[sflag:s16] =	ssyncadd.s32 $0xFFFFD000  }
0x9c: {  	[tilespmem:s17], [sflag:$0x2] =	stream.indirect.gather [hbm4b:s4+s14], $0x80, s20, s14, $0xb8;
	[tilespmem:$0x1F000] =	vst v63  }
0x9d: {  	v55 =	vld [tilespmem:$0x4DC0]  }
0x9e: {  	v1 =	vld [tilespmem:$0x4DD0]  }
0x9f: {  	v2 =	vld [tilespmem:$0x4DE0]  }
0xa0: {  	v3 =	vld [tilespmem:$0x4DF0]  }
0xa1: {  	v4 =	vld [tilespmem:$0x4E00]  }
0xa2: {  	v56 =	vld [tilespmem:$0x4E10];
	[tilespmem:$0x4F00] =	vst v55  }
0xa3: {  	[tilespmem:$0x4F10] =	vst v1  }
0xa4: {  	[tilespmem:$0x4F20] =	vst v2  }
0xa5: {  	[tilespmem:$0x4F30] =	vst v3  }
0xa6: {  	[tilespmem:$0x4F40] =	vst v4  }
0xa7: {  	[tilespmem:$0x4F50] =	vst v56  }
0xa8: {  	[spmem:s2] =	stream.indirect.scatter.add.f32 [tilespmem:s15], [sflag:$0x3], $0x80, s18, s14, $0xb8;
	[tilespmem:$0x1F000] =	vst v63  }
0xa9: {  	_ =	swait.ge [sflag:s10], $0x3000  }
0xaa: {  	[sflag:s10] =	ssyncset.done $0x0  }
0xab: {  	[sflag:s10] =	ssyncadd.s32 $0xFFFFD000  }
0xac: {  	_ =	swait.ge [sflag:s19], $0x3000  }
0xad: {  	[sflag:s19] =	ssyncset.done $0x0  }
0xae: {  	[sflag:s19] =	ssyncadd.s32 $0xFFFFD000  }
0xaf: {  	v57 =	vld [tilespmem:$0x4E20]  }
0xb0: {  	v58 =	vld [tilespmem:$0x4E30]  }
0xb1: {  	v59 =	vld [tilespmem:$0x4E40]  }
0xb2: {  	v60 =	vld [tilespmem:$0x4E50]  }
0xb3: {  	v61 =	vld [tilespmem:$0x4E60]  }
0xb4: {  	v62 =	vld [tilespmem:$0x4E70];
	[tilespmem:$0x4F00] =	vst v57  }
0xb5: {  	[tilespmem:$0x4F10] =	vst v58  }
0xb6: {  	[tilespmem:$0x4F20] =	vst v59  }
0xb7: {  	[tilespmem:$0x4F30] =	vst v60  }
0xb8: {  	[tilespmem:$0x4F40] =	vst v61  }
0xb9: {  	[tilespmem:$0x4F50] =	vst v62  }
0xba: {  	[spmem:s2] =	stream.indirect.scatter.add.f32 [tilespmem:s17], [sflag:$0x3], $0x80, s18, s14, $0xb8;
	[tilespmem:$0x1F000] =	vst v63  }
0xbb: {  	_ =	swait.ge [sflag:s10], $0x3000  }
0xbc: {  	[sflag:s10] =	ssyncset.done $0x0  }
0xbd: {  	[sflag:s10] =	ssyncadd.s32 $0xFFFFD000  }
0xbe: {  	[tilespmem:s15], [sflag:$0x1] =	stream.indirect.gather [hbm4b:s4+s21], $0x80, s22, s21, $0xb8;
	[tilespmem:$0x1F000] =	vst v63  }
0xbf: {  	_ =	swait.ge [sflag:s16], $0x800  }
0xc0: {  	[sflag:s16] =	ssyncset.done $0x0  }
0xc1: {  	[sflag:s16] =	ssyncadd.s32 $0xFFFFF800  }
0xc2: {  	v63 =	vld [tilespmem:$0x4E80];
	_ =	sdelay $0x4  }
0xc3: {  	[tilespmem:$0x4F80] =	vst v63  }
0xc4: {  	[spmem:s2] =	stream.indirect.scatter.add.f32 [tilespmem:s15], [sflag:$0x3], $0x80, s23, s21, $0xb8;
	[tilespmem:$0x1F000] =	vst v63  }
0xc5: {  	_ =	swait.ge [sflag:s10], $0x800  }
0xc6: {  	s24 =	sadd.s32 $0x1, s24;
	[sflag:s10] =	ssyncset.done $0x0  }
0xc7: {  	p0 =	sne.s32 s24, s9;
	[sflag:s10] =	ssyncadd.s32 $0xFFFFF800  }
.Ltmp1:
0xc8: {  	[bflag:$0x0] =	sbarrier.arrive $0xFFFF;
	(pc) =	sbr.rel @p0 .LBB2_1-.Ltmp1, $4  }
0xc9: {  	[hbm:s8], [sflag:s12] =	dma.local [spmem:s13], $0x2800  }
0xca: {  	_ =	swait.ge [sflag:s10], $0x2800  }
0xcb: {  	[sflag:s10] =	ssyncset.done $0x0  }
0xcc: {  	[sflag:s10] =	ssyncadd.s32 $0xFFFFD800  }
0xcd: {  	_ =	sfence.sel $0x180000  }
0xce: {  	[bflag:$0x0] =	sbarrier.arrive $0xFFFF  }
0xcf: {  	p0 =	sne.s32 s0, $0x0;
	_ =	strace $0x9000004A  }
0xd0: {  	s0 =	sadd.s32 @!p0 $0x100000, s1;
	[bflag:$0x2] =	sbarrier.arrive $0xFFFF  }
0xd1: {  	[sflag:s0] =	ssyncadd.tile.s32 @!p0 $0x1;
	_ =	shalt  }
.Lfunc_end2:
_tile_overlayer_lowered:
.L_overlay_start_2:
0xd2: {  	(tag) =	ssettag $0x2  }
0xd3: {  	s0 =	rddreg [dreg:$0x0];
	s2 =	stileid.u32  }
0xd4: {  	s1 =	rddreg [dreg:$0x1];
	p0 =	sne.s32 s2, $0x0  }
0xd5: {  	s3 =	rddreg [dreg:$0x2];
	[bflag:$0x3] =	sbarrier.arrive $0xFFFF;
	s2 =	simm.s32 @!p0 $0x1C03  }
0xd6: {  	[timem:s3], [sflag:s2] =	dma.local @!p0 [hbm:s0], s1  }
0xd7: {  	s0 =	simm.s32 @!p0 $0x3  }
0xd8: {  	_ =	swait.ge @!p0 [sflag:s0], s1  }
0xd9: {  	s1 =	ssub.s32 @!p0 $0x0, s1;
	[sflag:s0] =	ssyncset.done @!p0 $0x0  }
0xda: {  	[sflag:s0] =	ssyncadd.s32 @!p0 s1  }
0xdb: {  	[bflag:$0x3] =	sbarrier.arrive $0xFFFF  }
0xdc: {  	_ =	shalt  }

// kernel: kernel.16.cloned.1.call-start
scs
__scs_entry_jumppad:
0x0: {  	(pc) =	sbr.rel $0x88, $3  }
0x1: {  	(tag) =	ssettag $0x0;
	lr =	simm.s32 $0x1  }
0x2: {  	[smem:$0x3F92] =	sst lr;
	_ =	strace $0xD0000000  }
0x3: {  	_ = 	snop  }
0x4: {  	_ = 	snop  }
0x5: {  	_ = 	snop  }
0x6: {  	_ = 	snop  }
0x7: {  	_ = 	snop  }
__scs_overlays_trampoline_lowered:
0x8: {  	[smem:$0x3FA1] =	sst s0  }
0x9: {  	[smem:$0x3FA2] =	sst s1  }
0xa: {  	[smem:$0x3FA3] =	sst s2  }
0xb: {  	[smem:$0x3FA4] =	sst s3  }
0xc: {  	[smem:$0x3FA5] =	sst s4  }
0xd: {  	[smem:$0x3FA6] =	sst s5  }
0xe: {  	[smem:$0x3FA7] =	sst s6  }
0xf: {  	[smem:$0x3FA8] =	sst s7  }
0x10: {  	[smem:$0x3FA9] =	sst s8  }
0x11: {  	[smem:$0x3FAA] =	sst s9;
	s0 =	simm.s32 @!p0 $0x0  }
0x12: {  	s1 =	sld [smem:$0x3F90];
	s0 =	simm.s32 @p0 $0x1  }
0x13: {  	[smem:$0x3FAB] =	sst s0;
	s0 =	simm.s32 @!p1 $0x0  }
0x14: {  	s2 =	sld [smem:$0x3F8F];
	s0 =	simm.s32 @p1 $0x1  }
0x15: {  	[smem:$0x3FAC] =	sst s0;
	s0 =	simm.s32 @!p2 $0x0  }
0x16: {  	s3 =	sld [smem:$0x3FDB];
	s0 =	simm.s32 @p2 $0x1  }
0x17: {  	s4 =	simm.s32 $0x1BF5;
	[smem:$0x3FAE] =	sst s0  }
0x18: {  	s0 =	sld [smem:$0x3F91];
	_ =	swait.ge [sflag:s4], $0x0  }
0x19: {  	s7 =	sld [smem:$0x3F92]  }
0x1a: {  	s8 =	sadd.s32 $0xFFFFE003, lr  }
0x1b: {  	s9 =	sadd.s32 $0xFFFFFEF7, lr;
	s5 =	simm.s32 $0xFFFFFFFF;
	p2 =	slt.u32 s8, $0xFFFFF086  }
0x1c: {  	p1 =	slt.u32 s9, $0xF7A;
	s5 =	simm.s32 @!p2 $0x0  }
0x1d: {  	s5 =	simm.s32 @p1 $0x1;
	p0 =	seq.s32 s7, s2  }
0x1e: {  	s7 =	smul.u32 @!p0 $0xF7A, s2;
	p2 =	seq.s32 @!p0 s5, $0x0  }
0x1f: {  	s9 =	smul.u32 $0xF7A, s1;
	s8 =	simm.s32 @!p0 $0x1BF5;
	p2 =	por !p2, p0  }
0x20: {  	[sflag:s8] =	ssyncset.s32 @!p0 $0xFFFFF086;
	s6 =	sadd.s32 @!p0 s3, s7;
	s7 =	simm.s32 @!p0 $0x108  }
0x21: {  	s3 =	sadd.s32 s3, s9;
	s6 =	sadd.s32 @!p0 $0x88, s6;
	s7 =	simm.s32 @p2 $0x1082  }
0x22: {  	[simem:s7], [sflag:s8] =	dma.local @!p0 [hbm:s6], $0xF7A  }
0x23: {  	s9 =	sor.u32 $0xD0000000, s2;
	s6 =	simm.s32 $0x108;
	_ =	swait.ge @!p0 [sflag:s8], $0x0  }
0x24: {  	s3 =	sadd.s32 $0x88, s3;
	s6 =	simm.s32 @!p1 $0x1082;
	[sflag:s4] =	ssyncset.s32 $0xFFFFF086  }
0x25: {  	[simem:s6], [sflag:s4] =	dma.local [hbm:s3], $0xF7A  }
0x26: {  	[smem:$0x3F92] =	sst s1;
	(tag) =	ssettag s2;
	_ =	strace s9  }
0x27: {  	s1 =	sld [smem:$0x3FA2]  }
0x28: {  	s2 =	sld [smem:$0x3FA3]  }
0x29: {  	s4 =	sld [smem:$0x3FA5]  }
0x2a: {  	p0 =	seq.s32 s5, $0x0;
	s5 =	sld [smem:$0x3FA6]  }
0x2b: {  	s6 =	sld [smem:$0x3FA7]  }
0x2c: {  	s7 =	sld [smem:$0x3FA8]  }
0x2d: {  	s3 =	simm.s32 $0x108;
	s8 =	sld [smem:$0x3FA9]  }
0x2e: {  	s3 =	simm.s32 @!p0 $0x1082;
	s9 =	sld [smem:$0x3FAA]  }
0x2f: {  	lr =	sadd.s32 s0, s3;
	s0 =	sld [smem:$0x3FA1]  }
0x30: {  	s3 =	sld [smem:$0x3FA4]  }
0x31: {  	[smem:$0x3FAD] =	sst s10  }
0x32: {  	s10 =	sld [smem:$0x3FAB];
	_ =	sdelay $0x3  }
0x33: {  	p0 =	seq.s32 s10, $0x1;
	s10 =	sld [smem:$0x3FAD];
	_ =	sdelay $0x3  }
0x34: {  	[smem:$0x3FAD] =	sst s10  }
0x35: {  	s10 =	sld [smem:$0x3FAC];
	_ =	sdelay $0x3  }
0x36: {  	p1 =	seq.s32 s10, $0x1;
	s10 =	sld [smem:$0x3FAD];
	_ =	sdelay $0x3  }
0x37: {  	[smem:$0x3FAD] =	sst s10  }
0x38: {  	s10 =	sld [smem:$0x3FAE]  }
0x39: {  	_ = 	snop;
	(pc) =	sbr.ind lr, $3  }
0x3a: {  	_ = 	snop  }
0x3b: {  	_ = 	snop  }
0x3c: {  	p2 =	seq.s32 s10, $0x1;
	s10 =	sld [smem:$0x3FAD]  }
0x3d: {  	_ =	shalt  }
0x3e: {  	_ =	shalt  }
0x3f: {  	_ =	shalt  }
0x40: {  	_ =	shalt  }
0x41: {  	_ =	shalt  }
0x42: {  	_ =	shalt  }
0x43: {  	_ =	shalt  }
0x44: {  	_ =	shalt  }
0x45: {  	_ =	shalt  }
0x46: {  	_ =	shalt  }
0x47: {  	_ =	shalt  }
0x48: {  	_ =	shalt  }
0x49: {  	_ =	shalt  }
0x4a: {  	_ =	shalt  }
0x4b: {  	_ =	shalt  }
0x4c: {  	_ =	shalt  }
0x4d: {  	_ =	shalt  }
0x4e: {  	_ =	shalt  }
0x4f: {  	_ =	shalt  }
0x50: {  	_ =	shalt  }
0x51: {  	_ =	shalt  }
0x52: {  	_ =	shalt  }
0x53: {  	_ =	shalt  }
0x54: {  	_ =	shalt  }
0x55: {  	_ =	shalt  }
0x56: {  	_ =	shalt  }
0x57: {  	_ =	shalt  }
0x58: {  	_ =	shalt  }
0x59: {  	_ =	shalt  }
0x5a: {  	_ =	shalt  }
0x5b: {  	_ =	shalt  }
0x5c: {  	_ =	shalt  }
0x5d: {  	_ =	shalt  }
0x5e: {  	_ =	shalt  }
0x5f: {  	_ =	shalt  }
0x60: {  	_ =	shalt  }
0x61: {  	_ =	shalt  }
0x62: {  	_ =	shalt  }
0x63: {  	_ =	shalt  }
0x64: {  	_ =	shalt  }
0x65: {  	_ =	shalt  }
0x66: {  	_ =	shalt  }
0x67: {  	_ =	shalt  }
0x68: {  	_ =	shalt  }
0x69: {  	_ =	shalt  }
0x6a: {  	_ =	shalt  }
0x6b: {  	_ =	shalt  }
0x6c: {  	_ =	shalt  }
0x6d: {  	_ =	shalt  }
0x6e: {  	_ =	shalt  }
0x6f: {  	_ =	shalt  }
0x70: {  	_ =	shalt  }
0x71: {  	_ =	shalt  }
0x72: {  	_ =	shalt  }
0x73: {  	_ =	shalt  }
0x74: {  	_ =	shalt  }
0x75: {  	_ =	shalt  }
0x76: {  	_ =	shalt  }
0x77: {  	_ =	shalt  }
0x78: {  	_ =	shalt  }
0x79: {  	_ =	shalt  }
0x7a: {  	_ =	shalt  }
0x7b: {  	_ =	shalt  }
0x7c: {  	_ =	shalt  }
0x7d: {  	_ =	shalt  }
0x7e: {  	_ =	shalt  }
0x7f: {  	_ =	shalt  }
0x80: {  	_ =	shalt  }
0x81: {  	_ =	shalt  }
0x82: {  	_ =	shalt  }
0x83: {  	_ =	shalt  }
0x84: {  	_ =	shalt  }
0x85: {  	_ =	shalt  }
0x86: {  	_ =	shalt  }
0x87: {  	_ =	shalt  }
.Lfunc_end0:
.L_simem_size_0:
called_computation.2_lowered:
.L_overlay_start_0:
0x88: {  	s2 =	sld [smem:$0x3FD9]  }
0x89: {  	s3 =	sld [smem:$0x3FFE];
	_ =	sdelay $0x1  }
0x8a: {  	s1 =	srdreg.scid  }
0x8b: {  	s0 =	sand.u32 $0x1, s1  }
0x8c: {  	s16 =	sshll.u32 s0, $0xA;
	s2 =	sadd.s32 s3, s2  }
0x8d: {  	s2 =	sadd.s32 s2, s16  }
0x8e: {  	[smem:$0x3FB9] =	sst s2  }
0x8f: {  	_ = 	snop  }
0x90: {  	(tm) =	ssettm $0x1  }
0x91: {  	s17 =	sld [smem:$0x3FFB];
	_ =	sdelay $0x3  }
0x92: {  	_ =	strace s17  }
0x93: {  	s2 =	sld [smem:$0x3FFC];
	_ =	sdelay $0x3  }
0x94: {  	_ =	strace s2  }
0x95: {  	s2 =	sld [smem:$0x3FFD];
	_ =	sdelay $0x3  }
0x96: {  	_ =	strace s2  }
0x97: {  	_ =	strace $0x8FFFFFFF  }
0x98: {  	s18 =	sld [smem:$0x3FDB];
	_ =	sdelay $0x1  }
0x99: {  	s19 =	simm.s32 $_scs_section_size  }
0x9a: {  	s4 =	simm.s32 $_size__tile_overlayer_lowered;
	s5 =	simm.s32 $_tile_overlayer_lowered  }
0x9b: {  	s22 =	simm.s32 $0x1BFF;
	s21 =	sshll.u32 s5, $0x1;
	s2 =	sadd.s32 s19, s18  }
0x9c: {  	s6 =	simm.s32 $0x0;
	s20 =	sshll.u32 s4, $0x1;
	s4 =	sadd.s32 s21, s2  }
0x9d: {  	[timem:s6], [sflag:s22] =	dma.local [hbm:s4], s20  }
0x9e: {  	_ =	swait.ge [sflag:s22], s20  }
0x9f: {  	s3 =	ssub.s32 $0x0, s20;
	[sflag:s22] =	ssyncset.done $0x0  }
0xa0: {  	[sflag:s22] =	ssyncadd.s32 s3;
	_ =	sdelay $0x1  }
0xa1: {  	s23 =	simm.s32 $0x1B8B  }
0xa2: {  	_ =	swait.ge [sflag:s23], $0x1  }
0xa3: {  	[sflag:s23] =	ssyncset.done $0x0  }
0xa4: {  	s25 =	simm.s32 $0x1B8E;
	s24 =	sld [smem:$0x3FFE];
	[sflag:s23] =	ssyncadd.s32 $0xFFFFFFFF  }
0xa5: {  	s26 =	simm.s32 $execute0_lowered;
	[smem:$0x3FD2] =	sst s25  }
0xa6: {  	s4 =	sshll.u32 s26, $0x1;
	_ =	strace $0x8000004C;
	[dreg:$0x1] =	wrdreg $0xFFFFFFFF  }
0xa7: {  	s28 =	simm.s32 $_size_execute0_lowered;
	s2 =	sadd.s32 s2, s4;
	[dreg:$0x0] =	wrdreg $0x0  }
0xa8: {  	s4 =	sshll.u32 s28, $0x1;
	[dreg:$0x2] =	wrdreg s2  }
0xa9: {  	[dreg:$0x3] =	wrdreg s4  }
0xaa: {  	[dreg:$0x4] =	wrdreg $0xC0  }
0xab: {  	_ =	task [dreg:s6], $0x5FFFF  }
0xac: {  	[dreg:$0x1] =	wrdreg $0xFFFFFFFF  }
0xad: {  	[dreg:$0x0] =	wrdreg $0x60  }
0xae: {  	[dreg:$0x2] =	wrdreg s24  }
0xaf: {  	[dreg:$0x3] =	wrdreg $0xB0000  }
0xb0: {  	[dreg:$0x4] =	wrdreg $0x9  }
0xb1: {  	_ =	task.clear_ibuf [dreg:s6], $0x5FFFF;
	_ =	strace $0x9000004C  }
0xb2: {  	s29 =	simm.s32 $0x9;
	_ =	strace $0x8000004E  }
0xb3: {  	_ =	swait.ge [sflag:s29], $0x1  }
0xb4: {  	[sflag:s29] =	ssyncadd.s32 $0xFFFFFFFF  }
0xb5: {  	_ =	strace $0x9000004E  }
0xb6: {  	_ =	sfence  }
0xb7: {  	s30 =	sld [smem:$0x0];
	_ =	sdelay $0x2  }
0xb8: {  	s31 =	sshll.u32 s1, $0xD;
	s1 =	sshrl.u32 s1, $0x2  }
0xb9: {  	s3 =	sand.u32 $0x4000, s31;
	s1 =	sadd.s32 s1, s30  }
0xba: {  	s0 =	sor.u32 s3, s0;
	s1 =	sshll.u32 s1, $0x11  }
0xbb: {  	s0 =	sor.u32 s1, s0  }
0xbc: {  	s0 =	sadd.s32 $0x8F2B, s0  }
0xbd: {  	[sflag:s0] =	ssyncadd.remote.s32 $0x1  }
0xbe: {  	_ =	sfence.sel $0xFFFF  }
0xbf: {  	[dreg:$0x0] =	wrdreg $0xFFFFFFFF;
	(pc) =	sbr.abs _section_cstart, $3  }
0xc0: {  	[dreg:$0x1] =	wrdreg $0xFFFFFFFF  }
0xc1: {  	_ =	task.clear_ibuf [dreg:s6], $0x2FFFF;
	_ =	strace $0x9FFFFFFF  }
0xc2: {  	(tm) =	ssettm $0x7FFFFFFF  }
0xc3: {  	_ =	shalt  }
tec
execute0_lowered:
.L_overlay_start_1:
0x0: {  	(tag) =	ssettag $0x1  }
0x1: {  	s5 =	rddreg [dreg:$0x0]  }
0x2: {  	s2 =	rddreg [dreg:$0x1]  }
0x3: {  	s0 =	srdreg.scid;
	s1 =	rddreg [dreg:$0x2];
	s3 =	simm.s32 $0x0  }
0x4: {  	s14 =	simm.s32 $0x60;
	s15 =	simm.s32 $0x5000;
	s16 =	simm.s32 $0x1  }
0x5: {  	s17 =	simm.s32 $0x8000;
	s18 =	simm.s32 $0x4F00;
	s6 =	sand.u32 $0x1, s0  }
0x6: {  	s19 =	simm.s32 $0x2;
	s0 =	stileid.u32;
	s4 =	smul.u32 $0x27100, s6  }
0x7: {  	s20 =	simm.s32 $0x26A0;
	s21 =	simm.s32 $0x10;
	s7 =	smul.u32 $0x2710, s0  }
0x8: {  	s22 =	simm.s32 $0x2700;
	s23 =	simm.s32 $0x4F80;
	s30 =	smul.u32 $0x2800, s0  }
0x9: {  	s24 =	simm.s32 $0x0;
	[smem:$0x7FF] =	sst s3;
	s9 =	smul.u32 $0x28000, s6  }
0xa: {  	_ =	strace $0x8000004D;
	s6 =	ssub.s32 $0x2, s6;
	s12 =	sshll.u32 s0, $0x6  }
0xb: {  	s10 =	smul.u32 $0x50000, s0;
	s31 =	sshrl.u32 s6, $0x1;
	s12 =	sor.u32 $0x1C03, s12  }
0xc: {  	s4 =	sadd.s32 s7, s4;
	s9 =	sadd.s32 s30, s9;
	s7 =	sadd.s32 s30, s5  }
0xd: {  	s11 =	ssub.s32 s6, s31;
	s10 =	sshrl.u32 s10, $0x2;
	s8 =	sshrl.u32 s4, $0x3  }
0xe: {  	s4 =	sadd.s32 $0x8FE00, s5;
	s9 =	sadd.s32 s9, s5;
	s13 =	sadd.s32 s10, s2  }
0xf: {  	s7 =	sadd.s32 $0x17E00, s7;
	s10 =	simm.s32 $0x3;
	s8 =	sadd.s32 s8, s5  }
0x10: {  	s13 =	sshrl.u32 s13, $0x3;
	s5 =	sadd.s32 $0x4200, s8;
	s6 =	sadd.s32 $0xE000, s8  }
0x11: {  	s8 =	sadd.s32 $0xB7000, s9;
	s9 =	smax.u32 s11, $0x1;
	s11 =	simm.s32 $0x2780  }
.LBB2_1:
0x12: {  	[tilespmem:s3], [sflag:$0x3] =	stream.linear.gather [hbm4b:s5+s3], $0x2710, $0x38;
	[tilespmem:$0x1F000] =	vst v63  }
0x13: {  	_ =	swait.ge [sflag:s10], $0x2710  }
0x14: {  	[sflag:s10] =	ssyncset.done $0x0  }
0x15: {  	[sflag:s10] =	ssyncadd.s32 $0xFFFFD8F0  }
0x16: {  	[tilespmem:s11], [sflag:$0x3] =	stream.linear.gather [hbm4b:s6+s3], $0x2710, $0x38;
	[tilespmem:$0x1F000] =	vst v63  }
0x17: {  	_ =	swait.ge [sflag:s10], $0x2710  }
0x18: {  	[sflag:s10] =	ssyncset.done $0x0  }
0x19: {  	[sflag:s10] =	ssyncadd.s32 $0xFFFFD8F0  }
0x1a: {  	[spmem:s13], [sflag:s12] =	dma.local [hbm:s7], $0x2800  }
0x1b: {  	_ =	swait.ge [sflag:s10], $0x2800  }
0x1c: {  	[sflag:s10] =	ssyncset.done $0x0  }
0x1d: {  	[sflag:s10] =	ssyncadd.s32 $0xFFFFD800  }
0x1e: {  	[bflag:$0x0] =	sbarrier.arrive $0xFFFF  }
0x1f: {  	[tilespmem:s15], [sflag:$0x1] =	stream.indirect.gather [hbm4b:s4+s14], $0x80, s3, s14, $0xb8;
	[tilespmem:$0x1F000] =	vst v63  }
0x20: {  	_ =	swait.ge [sflag:s16], $0x3000  }
0x21: {  	[sflag:s16] =	ssyncset.done $0x0  }
0x22: {  	s25 =	simm.s32 $0x27E0;
	s26 =	simm.s32 $0x60;
	[sflag:s16] =	ssyncadd.s32 $0xFFFFD000  }
0x23: {  	[tilespmem:s17], [sflag:$0x2] =	stream.indirect.gather [hbm4b:s4+s14], $0x80, s26, s14, $0xb8;
	[tilespmem:$0x1F000] =	vst v63  }
0x24: {  	v0 =	vld [tilespmem:s25+$0xFFFFFFA0];
	_ =	sdelay $0x4  }
0x25: {  	[tilespmem:$0x4F00] =	vst v0  }
0x26: {  	v0 =	vld [tilespmem:s25+$0xFFFFFFB0];
	_ =	sdelay $0x4  }
0x27: {  	[tilespmem:$0x4F10] =	vst v0  }
0x28: {  	v0 =	vld [tilespmem:s25+$0xFFFFFFC0];
	_ =	sdelay $0x4  }
0x29: {  	[tilespmem:$0x4F20] =	vst v0  }
0x2a: {  	v0 =	vld [tilespmem:s25+$0xFFFFFFD0];
	_ =	sdelay $0x4  }
0x2b: {  	[tilespmem:$0x4F30] =	vst v0  }
0x2c: {  	v0 =	vld [tilespmem:s25+$0xFFFFFFE0];
	_ =	sdelay $0x4  }
0x2d: {  	[tilespmem:$0x4F40] =	vst v0  }
0x2e: {  	v0 =	vld [tilespmem:s25+$0xFFFFFFF0];
	_ =	sdelay $0x4  }
0x2f: {  	[tilespmem:$0x4F50] =	vst v0  }
0x30: {  	[spmem:s2] =	stream.indirect.scatter.add.f32 [tilespmem:s15], [sflag:$0x3], $0x80, s18, s14, $0xb8;
	[tilespmem:$0x1F000] =	vst v63  }
0x31: {  	_ =	swait.ge [sflag:s10], $0x3000  }
0x32: {  	[sflag:s10] =	ssyncset.done $0x0  }
0x33: {  	[sflag:s10] =	ssyncadd.s32 $0xFFFFD000  }
0x34: {  	_ =	swait.ge [sflag:s19], $0x3000  }
0x35: {  	[sflag:s19] =	ssyncset.done $0x0  }
0x36: {  	s30 =	simm.s32 $0xC0;
	[sflag:s19] =	ssyncadd.s32 $0xFFFFD000  }
0x37: {  	[tilespmem:s15], [sflag:$0x1] =	stream.indirect.gather [hbm4b:s4+s14], $0x80, s30, s14, $0xb8;
	[tilespmem:$0x1F000] =	vst v63  }
0x38: {  	v63 =	vld [tilespmem:s25+$0x0];
	_ =	sdelay $0x4  }
0x39: {  	[tilespmem:$0x4F00] =	vst v63  }
0x3a: {  	v0 =	vld [tilespmem:s25+$0x10];
	_ =	sdelay $0x4  }
0x3b: {  	s31 =	sand.u32 $0x3FC0, s3;
	[tilespmem:$0x4F10] =	vst v0  }
0x3c: {  	v0 =	vld [tilespmem:s31+$0x2800];
	_ =	sdelay $0x4  }
0x3d: {  	[tilespmem:$0x4F20] =	vst v0  }
0x3e: {  	v0 =	vld [tilespmem:s25+$0x30];
	_ =	sdelay $0x4  }
0x3f: {  	[tilespmem:$0x4F30] =	vst v0  }
0x40: {  	v0 =	vld [tilespmem:s25+$0x40];
	_ =	sdelay $0x4  }
0x41: {  	[tilespmem:$0x4F40] =	vst v0  }
0x42: {  	v0 =	vld [tilespmem:s25+$0x50];
	_ =	sdelay $0x4  }
0x43: {  	[tilespmem:$0x4F50] =	vst v0  }
0x44: {  	[spmem:s2] =	stream.indirect.scatter.add.f32 [tilespmem:s17], [sflag:$0x3], $0x80, s18, s14, $0xb8;
	[tilespmem:$0x1F000] =	vst v63  }
0x45: {  	_ =	swait.ge [sflag:s10], $0x3000  }
0x46: {  	[sflag:s10] =	ssyncset.done $0x0  }
0x47: {  	[sflag:s10] =	ssyncadd.s32 $0xFFFFD000  }
0x48: {  	s29 =	simm.s32 $0x180;
	_ =	swait.ge [sflag:s16], $0x3000  }
0x49: {  	s28 =	simm.s32 $0x180;
	s26 =	simm.s32 $0xC0;
	[sflag:s16] =	ssyncset.done $0x0  }
.LBB2_2:
0x4a: {  	s30 =	sadd.s32 $0xFFFFFFA0, s28;
	[sflag:s16] =	ssyncadd.s32 $0xFFFFD000;
	s25 =	sadd.s32 $0xC0, s25  }
0x4b: {  	[tilespmem:s17], [sflag:$0x2] =	stream.indirect.gather [hbm4b:s4+s14], $0x80, s30, s14, $0xb8;
	[tilespmem:$0x1F000] =	vst v63  }
0x4c: {  	p0 =	sne.s32 s29, $0x2580;
	s30 =	smov.u32 s29;
	s29 =	sadd.s32 $0xC0, s29;
	v0 =	vld [tilespmem:s25+$0xFFFFFFA0]  }
0x4d: {  	_ =	sdelay $0x3  }
0x4e: {  	[tilespmem:$0x4F00] =	vst v0  }
0x4f: {  	v0 =	vld [tilespmem:s25+$0xFFFFFFB0];
	_ =	sdelay $0x4  }
0x50: {  	[tilespmem:$0x4F10] =	vst v0  }
0x51: {  	v0 =	vld [tilespmem:s25+$0xFFFFFFC0];
	_ =	sdelay $0x4  }
0x52: {  	[tilespmem:$0x4F20] =	vst v0  }
0x53: {  	v0 =	vld [tilespmem:s25+$0xFFFFFFD0];
	_ =	sdelay $0x4  }
0x54: {  	[tilespmem:$0x4F30] =	vst v0  }
0x55: {  	v0 =	vld [tilespmem:s25+$0xFFFFFFE0];
	_ =	sdelay $0x4  }
0x56: {  	[tilespmem:$0x4F40] =	vst v0  }
0x57: {  	v0 =	vld [tilespmem:s25+$0xFFFFFFF0];
	_ =	sdelay $0x4  }
0x58: {  	[tilespmem:$0x4F50] =	vst v0  }
0x59: {  	[spmem:s2] =	stream.indirect.scatter.add.f32 [tilespmem:s15], [sflag:$0x3], $0x80, s18, s14, $0xb8;
	[tilespmem:$0x1F000] =	vst v63  }
0x5a: {  	_ =	swait.ge [sflag:s10], $0x3000  }
0x5b: {  	[sflag:s10] =	ssyncset.done $0x0  }
0x5c: {  	[sflag:s10] =	ssyncadd.s32 $0xFFFFD000  }
0x5d: {  	_ =	swait.ge [sflag:s19], $0x3000  }
0x5e: {  	[sflag:s19] =	ssyncset.done $0x0  }
0x5f: {  	[sflag:s19] =	ssyncadd.s32 $0xFFFFD000  }
0x60: {  	[tilespmem:s15], [sflag:$0x1] =	stream.indirect.gather [hbm4b:s4+s14], $0x80, s28, s14, $0xb8;
	[tilespmem:$0x1F000] =	vst v63  }
0x61: {  	v0 =	vld [tilespmem:s25+$0x0];
	_ =	sdelay $0x4  }
0x62: {  	[tilespmem:$0x4F00] =	vst v0  }
0x63: {  	v0 =	vld [tilespmem:s25+$0x10];
	_ =	sdelay $0x4  }
0x64: {  	s31 =	sand.u32 $0x3FC0, s26;
	s26 =	smov.u32 s30;
	[tilespmem:$0x4F10] =	vst v0  }
0x65: {  	v0 =	vld [tilespmem:s31+$0x2800];
	_ =	sdelay $0x4  }
0x66: {  	[tilespmem:$0x4F20] =	vst v0  }
0x67: {  	v0 =	vld [tilespmem:s25+$0x30];
	_ =	sdelay $0x4  }
0x68: {  	[tilespmem:$0x4F30] =	vst v0  }
0x69: {  	v0 =	vld [tilespmem:s25+$0x40];
	_ =	sdelay $0x4  }
0x6a: {  	[tilespmem:$0x4F40] =	vst v0  }
0x6b: {  	v0 =	vld [tilespmem:s25+$0x50];
	_ =	sdelay $0x4  }
0x6c: {  	[tilespmem:$0x4F50] =	vst v0  }
0x6d: {  	[spmem:s2] =	stream.indirect.scatter.add.f32 [tilespmem:s17], [sflag:$0x3], $0x80, s18, s14, $0xb8;
	[tilespmem:$0x1F000] =	vst v63  }
.Ltmp0:
0x6e: {  	_ =	swait.ge [sflag:s10], $0x3000;
	(pc) =	sbr.rel @p0 .LBB2_2-.Ltmp0, $4  }
0x6f: {  	[sflag:s10] =	ssyncset.done $0x0  }
0x70: {  	[sflag:s10] =	ssyncadd.s32 $0xFFFFD000  }
0x71: {  	_ =	swait.ge [sflag:s16], $0x3000  }
0x72: {  	s28 =	sadd.s32 $0xC0, s28;
	[sflag:s16] =	ssyncset.done $0x0  }
0x73: {  	s29 =	sadd.s32 $0xFFFFFFA0, s28;
	[sflag:s16] =	ssyncadd.s32 $0xFFFFD000;
	s25 =	sadd.s32 $0xC0, s25  }
0x74: {  	[tilespmem:s17], [sflag:$0x2] =	stream.indirect.gather [hbm4b:s4+s14], $0x80, s29, s14, $0xb8;
	[tilespmem:$0x1F000] =	vst v63  }
0x75: {  	v0 =	vld [tilespmem:s25+$0xFFFFFFA0];
	_ =	sdelay $0x4  }
0x76: {  	[tilespmem:$0x4F00] =	vst v0  }
0x77: {  	v0 =	vld [tilespmem:s25+$0xFFFFFFB0];
	_ =	sdelay $0x4  }
0x78: {  	[tilespmem:$0x4F10] =	vst v0  }
0x79: {  	v0 =	vld [tilespmem:s25+$0xFFFFFFC0];
	_ =	sdelay $0x4  }
0x7a: {  	[tilespmem:$0x4F20] =	vst v0  }
0x7b: {  	v0 =	vld [tilespmem:s25+$0xFFFFFFD0];
	_ =	sdelay $0x4  }
0x7c: {  	[tilespmem:$0x4F30] =	vst v0  }
0x7d: {  	v0 =	vld [tilespmem:s25+$0xFFFFFFE0];
	_ =	sdelay $0x4  }
0x7e: {  	[tilespmem:$0x4F40] =	vst v0  }
0x7f: {  	v0 =	vld [tilespmem:s25+$0xFFFFFFF0];
	_ =	sdelay $0x4  }
0x80: {  	[tilespmem:$0x4F50] =	vst v0  }
0x81: {  	[spmem:s2] =	stream.indirect.scatter.add.f32 [tilespmem:s15], [sflag:$0x3], $0x80, s18, s14, $0xb8;
	[tilespmem:$0x1F000] =	vst v63  }
0x82: {  	_ =	swait.ge [sflag:s10], $0x3000  }
0x83: {  	[sflag:s10] =	ssyncset.done $0x0  }
0x84: {  	[sflag:s10] =	ssyncadd.s32 $0xFFFFD000  }
0x85: {  	_ =	swait.ge [sflag:s19], $0x3000  }
0x86: {  	[sflag:s19] =	ssyncset.done $0x0  }
0x87: {  	[sflag:s19] =	ssyncadd.s32 $0xFFFFD000  }
0x88: {  	[tilespmem:s15], [sflag:$0x1] =	stream.indirect.gather [hbm4b:s4+s14], $0x80, s28, s14, $0xb8;
	[tilespmem:$0x1F000] =	vst v63  }
0x89: {  	v54 =	vld [tilespmem:s25+$0x0];
	_ =	sdelay $0x4  }
0x8a: {  	[tilespmem:$0x4F00] =	vst v54  }
0x8b: {  	v0 =	vld [tilespmem:s25+$0x10];
	_ =	sdelay $0x4  }
0x8c: {  	s26 =	sand.u32 $0x3FC0, s26;
	[tilespmem:$0x4F10] =	vst v0  }
0x8d: {  	v0 =	vld [tilespmem:s26+$0x2800];
	_ =	sdelay $0x4  }
0x8e: {  	[tilespmem:$0x4F20] =	vst v0  }
0x8f: {  	v0 =	vld [tilespmem:s25+$0x30];
	_ =	sdelay $0x4  }
0x90: {  	[tilespmem:$0x4F30] =	vst v0  }
0x91: {  	v0 =	vld [tilespmem:s25+$0x40];
	_ =	sdelay $0x4  }
0x92: {  	[tilespmem:$0x4F40] =	vst v0  }
0x93: {  	v0 =	vld [tilespmem:s25+$0x50];
	_ =	sdelay $0x4  }
0x94: {  	[tilespmem:$0x4F50] =	vst v0  }
0x95: {  	[spmem:s2] =	stream.indirect.scatter.add.f32 [tilespmem:s17], [sflag:$0x3], $0x80, s18, s14, $0xb8;
	[tilespmem:$0x1F000] =	vst v63  }
0x96: {  	_ =	swait.ge [sflag:s10], $0x3000  }
0x97: {  	[sflag:s10] =	ssyncset.done $0x0  }
0x98: {  	[sflag:s10] =	ssyncadd.s32 $0xFFFFD000  }
0x99: {  	_ =	swait.ge [sflag:s16], $0x3000  }
0x9a: {  	[sflag:s16] =	ssyncset.done $0x0  }
0x9b: {  	[sflag:s16] =	ssyncadd.s32 $0xFFFFD000  }
0x9c: {  	[tilespmem:s17], [sflag:$0x2] =	stream.indirect.gather [hbm4b:s4+s14], $0x80, s20, s14, $0xb8;
	[tilespmem:$0x1F000] =	vst v63  }
0x9d: {  	v55 =	vld [tilespmem:$0x4DC0]  }
0x9e: {  	v1 =	vld [tilespmem:$0x4DD0]  }
0x9f: {  	v2 =	vld [tilespmem:$0x4DE0]  }
0xa0: {  	v3 =	vld [tilespmem:$0x4DF0]  }
0xa1: {  	v4 =	vld [tilespmem:$0x4E00]  }
0xa2: {  	v56 =	vld [tilespmem:$0x4E10];
	[tilespmem:$0x4F00] =	vst v55  }
0xa3: {  	[tilespmem:$0x4F10] =	vst v1  }
0xa4: {  	[tilespmem:$0x4F20] =	vst v2  }
0xa5: {  	[tilespmem:$0x4F30] =	vst v3  }
0xa6: {  	[tilespmem:$0x4F40] =	vst v4  }
0xa7: {  	[tilespmem:$0x4F50] =	vst v56  }
0xa8: {  	[spmem:s2] =	stream.indirect.scatter.add.f32 [tilespmem:s15], [sflag:$0x3], $0x80, s18, s14, $0xb8;
	[tilespmem:$0x1F000] =	vst v63  }
0xa9: {  	_ =	swait.ge [sflag:s10], $0x3000  }
0xaa: {  	[sflag:s10] =	ssyncset.done $0x0  }
0xab: {  	[sflag:s10] =	ssyncadd.s32 $0xFFFFD000  }
0xac: {  	_ =	swait.ge [sflag:s19], $0x3000  }
0xad: {  	[sflag:s19] =	ssyncset.done $0x0  }
0xae: {  	[sflag:s19] =	ssyncadd.s32 $0xFFFFD000  }
0xaf: {  	v57 =	vld [tilespmem:$0x4E20]  }
0xb0: {  	v58 =	vld [tilespmem:$0x4E30]  }
0xb1: {  	v59 =	vld [tilespmem:$0x4E40]  }
0xb2: {  	v60 =	vld [tilespmem:$0x4E50]  }
0xb3: {  	v61 =	vld [tilespmem:$0x4E60]  }
0xb4: {  	v62 =	vld [tilespmem:$0x4E70];
	[tilespmem:$0x4F00] =	vst v57  }
0xb5: {  	[tilespmem:$0x4F10] =	vst v58  }
0xb6: {  	[tilespmem:$0x4F20] =	vst v59  }
0xb7: {  	[tilespmem:$0x4F30] =	vst v60  }
0xb8: {  	[tilespmem:$0x4F40] =	vst v61  }
0xb9: {  	[tilespmem:$0x4F50] =	vst v62  }
0xba: {  	[spmem:s2] =	stream.indirect.scatter.add.f32 [tilespmem:s17], [sflag:$0x3], $0x80, s18, s14, $0xb8;
	[tilespmem:$0x1F000] =	vst v63  }
0xbb: {  	_ =	swait.ge [sflag:s10], $0x3000  }
0xbc: {  	[sflag:s10] =	ssyncset.done $0x0  }
0xbd: {  	[sflag:s10] =	ssyncadd.s32 $0xFFFFD000  }
0xbe: {  	[tilespmem:s15], [sflag:$0x1] =	stream.indirect.gather [hbm4b:s4+s21], $0x80, s22, s21, $0xb8;
	[tilespmem:$0x1F000] =	vst v63  }
0xbf: {  	_ =	swait.ge [sflag:s16], $0x800  }
0xc0: {  	[sflag:s16] =	ssyncset.done $0x0  }
0xc1: {  	[sflag:s16] =	ssyncadd.s32 $0xFFFFF800  }
0xc2: {  	v63 =	vld [tilespmem:$0x4E80];
	_ =	sdelay $0x4  }
0xc3: {  	[tilespmem:$0x4F80] =	vst v63  }
0xc4: {  	[spmem:s2] =	stream.indirect.scatter.add.f32 [tilespmem:s15], [sflag:$0x3], $0x80, s23, s21, $0xb8;
	[tilespmem:$0x1F000] =	vst v63  }
0xc5: {  	_ =	swait.ge [sflag:s10], $0x800  }
0xc6: {  	s24 =	sadd.s32 $0x1, s24;
	[sflag:s10] =	ssyncset.done $0x0  }
0xc7: {  	p0 =	sne.s32 s24, s9;
	[sflag:s10] =	ssyncadd.s32 $0xFFFFF800  }
.Ltmp1:
0xc8: {  	[bflag:$0x0] =	sbarrier.arrive $0xFFFF;
	(pc) =	sbr.rel @p0 .LBB2_1-.Ltmp1, $4  }
0xc9: {  	[hbm:s8], [sflag:s12] =	dma.local [spmem:s13], $0x2800  }
0xca: {  	_ =	swait.ge [sflag:s10], $0x2800  }
0xcb: {  	[sflag:s10] =	ssyncset.done $0x0  }
0xcc: {  	[sflag:s10] =	ssyncadd.s32 $0xFFFFD800  }
0xcd: {  	_ =	sfence.sel $0x180000  }
0xce: {  	[bflag:$0x0] =	sbarrier.arrive $0xFFFF  }
0xcf: {  	p0 =	sne.s32 s0, $0x0;
	_ =	strace $0x9000004D  }
0xd0: {  	s0 =	sadd.s32 @!p0 $0x100000, s1;
	[bflag:$0x2] =	sbarrier.arrive $0xFFFF  }
0xd1: {  	[sflag:s0] =	ssyncadd.tile.s32 @!p0 $0x1;
	_ =	shalt  }
.Lfunc_end2:
_tile_overlayer_lowered:
.L_overlay_start_2:
0xd2: {  	(tag) =	ssettag $0x2  }
0xd3: {  	s0 =	rddreg [dreg:$0x0];
	s2 =	stileid.u32  }
0xd4: {  	s1 =	rddreg [dreg:$0x1];
	p0 =	sne.s32 s2, $0x0  }
0xd5: {  	s3 =	rddreg [dreg:$0x2];
	[bflag:$0x3] =	sbarrier.arrive $0xFFFF;
	s2 =	simm.s32 @!p0 $0x1C03  }
0xd6: {  	[timem:s3], [sflag:s2] =	dma.local @!p0 [hbm:s0], s1  }
0xd7: {  	s0 =	simm.s32 @!p0 $0x3  }
0xd8: {  	_ =	swait.ge @!p0 [sflag:s0], s1  }
0xd9: {  	s1 =	ssub.s32 @!p0 $0x0, s1;
	[sflag:s0] =	ssyncset.done @!p0 $0x0  }
0xda: {  	[sflag:s0] =	ssyncadd.s32 @!p0 s1  }
0xdb: {  	[bflag:$0x3] =	sbarrier.arrive $0xFFFF  }
0xdc: {  	_ =	shalt  }

// kernel: kernel.19.cloned.1.call-start
scs
__scs_entry_jumppad:
0x0: {  	(pc) =	sbr.rel $0x88, $3  }
0x1: {  	(tag) =	ssettag $0x0;
	lr =	simm.s32 $0x1  }
0x2: {  	[smem:$0x3F92] =	sst lr;
	_ =	strace $0xD0000000  }
0x3: {  	_ = 	snop  }
0x4: {  	_ = 	snop  }
0x5: {  	_ = 	snop  }
0x6: {  	_ = 	snop  }
0x7: {  	_ = 	snop  }
__scs_overlays_trampoline_lowered:
0x8: {  	[smem:$0x3FA1] =	sst s0  }
0x9: {  	[smem:$0x3FA2] =	sst s1  }
0xa: {  	[smem:$0x3FA3] =	sst s2  }
0xb: {  	[smem:$0x3FA4] =	sst s3  }
0xc: {  	[smem:$0x3FA5] =	sst s4  }
0xd: {  	[smem:$0x3FA6] =	sst s5  }
0xe: {  	[smem:$0x3FA7] =	sst s6  }
0xf: {  	[smem:$0x3FA8] =	sst s7  }
0x10: {  	[smem:$0x3FA9] =	sst s8  }
0x11: {  	[smem:$0x3FAA] =	sst s9;
	s0 =	simm.s32 @!p0 $0x0  }
0x12: {  	s1 =	sld [smem:$0x3F90];
	s0 =	simm.s32 @p0 $0x1  }
0x13: {  	[smem:$0x3FAB] =	sst s0;
	s0 =	simm.s32 @!p1 $0x0  }
0x14: {  	s2 =	sld [smem:$0x3F8F];
	s0 =	simm.s32 @p1 $0x1  }
0x15: {  	[smem:$0x3FAC] =	sst s0;
	s0 =	simm.s32 @!p2 $0x0  }
0x16: {  	s3 =	sld [smem:$0x3FDB];
	s0 =	simm.s32 @p2 $0x1  }
0x17: {  	s4 =	simm.s32 $0x1BF5;
	[smem:$0x3FAE] =	sst s0  }
0x18: {  	s0 =	sld [smem:$0x3F91];
	_ =	swait.ge [sflag:s4], $0x0  }
0x19: {  	s7 =	sld [smem:$0x3F92]  }
0x1a: {  	s8 =	sadd.s32 $0xFFFFE003, lr  }
0x1b: {  	s9 =	sadd.s32 $0xFFFFFEF7, lr;
	s5 =	simm.s32 $0xFFFFFFFF;
	p2 =	slt.u32 s8, $0xFFFFF086  }
0x1c: {  	p1 =	slt.u32 s9, $0xF7A;
	s5 =	simm.s32 @!p2 $0x0  }
0x1d: {  	s5 =	simm.s32 @p1 $0x1;
	p0 =	seq.s32 s7, s2  }
0x1e: {  	s7 =	smul.u32 @!p0 $0xF7A, s2;
	p2 =	seq.s32 @!p0 s5, $0x0  }
0x1f: {  	s9 =	smul.u32 $0xF7A, s1;
	s8 =	simm.s32 @!p0 $0x1BF5;
	p2 =	por !p2, p0  }
0x20: {  	[sflag:s8] =	ssyncset.s32 @!p0 $0xFFFFF086;
	s6 =	sadd.s32 @!p0 s3, s7;
	s7 =	simm.s32 @!p0 $0x108  }
0x21: {  	s3 =	sadd.s32 s3, s9;
	s6 =	sadd.s32 @!p0 $0x88, s6;
	s7 =	simm.s32 @p2 $0x1082  }
0x22: {  	[simem:s7], [sflag:s8] =	dma.local @!p0 [hbm:s6], $0xF7A  }
0x23: {  	s9 =	sor.u32 $0xD0000000, s2;
	s6 =	simm.s32 $0x108;
	_ =	swait.ge @!p0 [sflag:s8], $0x0  }
0x24: {  	s3 =	sadd.s32 $0x88, s3;
	s6 =	simm.s32 @!p1 $0x1082;
	[sflag:s4] =	ssyncset.s32 $0xFFFFF086  }
0x25: {  	[simem:s6], [sflag:s4] =	dma.local [hbm:s3], $0xF7A  }
0x26: {  	[smem:$0x3F92] =	sst s1;
	(tag) =	ssettag s2;
	_ =	strace s9  }
0x27: {  	s1 =	sld [smem:$0x3FA2]  }
0x28: {  	s2 =	sld [smem:$0x3FA3]  }
0x29: {  	s4 =	sld [smem:$0x3FA5]  }
0x2a: {  	p0 =	seq.s32 s5, $0x0;
	s5 =	sld [smem:$0x3FA6]  }
0x2b: {  	s6 =	sld [smem:$0x3FA7]  }
0x2c: {  	s7 =	sld [smem:$0x3FA8]  }
0x2d: {  	s3 =	simm.s32 $0x108;
	s8 =	sld [smem:$0x3FA9]  }
0x2e: {  	s3 =	simm.s32 @!p0 $0x1082;
	s9 =	sld [smem:$0x3FAA]  }
0x2f: {  	lr =	sadd.s32 s0, s3;
	s0 =	sld [smem:$0x3FA1]  }
0x30: {  	s3 =	sld [smem:$0x3FA4]  }
0x31: {  	[smem:$0x3FAD] =	sst s10  }
0x32: {  	s10 =	sld [smem:$0x3FAB];
	_ =	sdelay $0x3  }
0x33: {  	p0 =	seq.s32 s10, $0x1;
	s10 =	sld [smem:$0x3FAD];
	_ =	sdelay $0x3  }
0x34: {  	[smem:$0x3FAD] =	sst s10  }
0x35: {  	s10 =	sld [smem:$0x3FAC];
	_ =	sdelay $0x3  }
0x36: {  	p1 =	seq.s32 s10, $0x1;
	s10 =	sld [smem:$0x3FAD];
	_ =	sdelay $0x3  }
0x37: {  	[smem:$0x3FAD] =	sst s10  }
0x38: {  	s10 =	sld [smem:$0x3FAE]  }
0x39: {  	_ = 	snop;
	(pc) =	sbr.ind lr, $3  }
0x3a: {  	_ = 	snop  }
0x3b: {  	_ = 	snop  }
0x3c: {  	p2 =	seq.s32 s10, $0x1;
	s10 =	sld [smem:$0x3FAD]  }
0x3d: {  	_ =	shalt  }
0x3e: {  	_ =	shalt  }
0x3f: {  	_ =	shalt  }
0x40: {  	_ =	shalt  }
0x41: {  	_ =	shalt  }
0x42: {  	_ =	shalt  }
0x43: {  	_ =	shalt  }
0x44: {  	_ =	shalt  }
0x45: {  	_ =	shalt  }
0x46: {  	_ =	shalt  }
0x47: {  	_ =	shalt  }
0x48: {  	_ =	shalt  }
0x49: {  	_ =	shalt  }
0x4a: {  	_ =	shalt  }
0x4b: {  	_ =	shalt  }
0x4c: {  	_ =	shalt  }
0x4d: {  	_ =	shalt  }
0x4e: {  	_ =	shalt  }
0x4f: {  	_ =	shalt  }
0x50: {  	_ =	shalt  }
0x51: {  	_ =	shalt  }
0x52: {  	_ =	shalt  }
0x53: {  	_ =	shalt  }
0x54: {  	_ =	shalt  }
0x55: {  	_ =	shalt  }
0x56: {  	_ =	shalt  }
0x57: {  	_ =	shalt  }
0x58: {  	_ =	shalt  }
0x59: {  	_ =	shalt  }
0x5a: {  	_ =	shalt  }
0x5b: {  	_ =	shalt  }
0x5c: {  	_ =	shalt  }
0x5d: {  	_ =	shalt  }
0x5e: {  	_ =	shalt  }
0x5f: {  	_ =	shalt  }
0x60: {  	_ =	shalt  }
0x61: {  	_ =	shalt  }
0x62: {  	_ =	shalt  }
0x63: {  	_ =	shalt  }
0x64: {  	_ =	shalt  }
0x65: {  	_ =	shalt  }
0x66: {  	_ =	shalt  }
0x67: {  	_ =	shalt  }
0x68: {  	_ =	shalt  }
0x69: {  	_ =	shalt  }
0x6a: {  	_ =	shalt  }
0x6b: {  	_ =	shalt  }
0x6c: {  	_ =	shalt  }
0x6d: {  	_ =	shalt  }
0x6e: {  	_ =	shalt  }
0x6f: {  	_ =	shalt  }
0x70: {  	_ =	shalt  }
0x71: {  	_ =	shalt  }
0x72: {  	_ =	shalt  }
0x73: {  	_ =	shalt  }
0x74: {  	_ =	shalt  }
0x75: {  	_ =	shalt  }
0x76: {  	_ =	shalt  }
0x77: {  	_ =	shalt  }
0x78: {  	_ =	shalt  }
0x79: {  	_ =	shalt  }
0x7a: {  	_ =	shalt  }
0x7b: {  	_ =	shalt  }
0x7c: {  	_ =	shalt  }
0x7d: {  	_ =	shalt  }
0x7e: {  	_ =	shalt  }
0x7f: {  	_ =	shalt  }
0x80: {  	_ =	shalt  }
0x81: {  	_ =	shalt  }
0x82: {  	_ =	shalt  }
0x83: {  	_ =	shalt  }
0x84: {  	_ =	shalt  }
0x85: {  	_ =	shalt  }
0x86: {  	_ =	shalt  }
0x87: {  	_ =	shalt  }
.Lfunc_end0:
.L_simem_size_0:
called_computation.3_lowered:
.L_overlay_start_0:
0x88: {  	s2 =	sld [smem:$0x3FD9]  }
0x89: {  	s3 =	sld [smem:$0x3FFE];
	_ =	sdelay $0x1  }
0x8a: {  	s1 =	srdreg.scid  }
0x8b: {  	s0 =	sand.u32 $0x1, s1  }
0x8c: {  	s16 =	sshll.u32 s0, $0xA;
	s2 =	sadd.s32 s3, s2  }
0x8d: {  	s2 =	sadd.s32 s2, s16  }
0x8e: {  	[smem:$0x3FB9] =	sst s2  }
0x8f: {  	_ = 	snop  }
0x90: {  	(tm) =	ssettm $0x1  }
0x91: {  	s17 =	sld [smem:$0x3FFB];
	_ =	sdelay $0x3  }
0x92: {  	_ =	strace s17  }
0x93: {  	s2 =	sld [smem:$0x3FFC];
	_ =	sdelay $0x3  }
0x94: {  	_ =	strace s2  }
0x95: {  	s2 =	sld [smem:$0x3FFD];
	_ =	sdelay $0x3  }
0x96: {  	_ =	strace s2  }
0x97: {  	_ =	strace $0x8FFFFFFF  }
0x98: {  	s18 =	sld [smem:$0x3FDB];
	_ =	sdelay $0x1  }
0x99: {  	s19 =	simm.s32 $_scs_section_size  }
0x9a: {  	s4 =	simm.s32 $_size__tile_overlayer_lowered;
	s5 =	simm.s32 $_tile_overlayer_lowered  }
0x9b: {  	s22 =	simm.s32 $0x1BFF;
	s21 =	sshll.u32 s5, $0x1;
	s2 =	sadd.s32 s19, s18  }
0x9c: {  	s6 =	simm.s32 $0x0;
	s20 =	sshll.u32 s4, $0x1;
	s4 =	sadd.s32 s21, s2  }
0x9d: {  	[timem:s6], [sflag:s22] =	dma.local [hbm:s4], s20  }
0x9e: {  	_ =	swait.ge [sflag:s22], s20  }
0x9f: {  	s3 =	ssub.s32 $0x0, s20;
	[sflag:s22] =	ssyncset.done $0x0  }
0xa0: {  	[sflag:s22] =	ssyncadd.s32 s3;
	_ =	sdelay $0x1  }
0xa1: {  	s23 =	simm.s32 $0x1B8B  }
0xa2: {  	_ =	swait.ge [sflag:s23], $0x1  }
0xa3: {  	[sflag:s23] =	ssyncset.done $0x0  }
0xa4: {  	s25 =	simm.s32 $0x1B8E;
	s24 =	sld [smem:$0x3FFE];
	[sflag:s23] =	ssyncadd.s32 $0xFFFFFFFF  }
0xa5: {  	s26 =	simm.s32 $execute0_lowered;
	[smem:$0x3FD2] =	sst s25  }
0xa6: {  	s4 =	sshll.u32 s26, $0x1;
	_ =	strace $0x8000004F;
	[dreg:$0x1] =	wrdreg $0xFFFFFFFF  }
0xa7: {  	s28 =	simm.s32 $_size_execute0_lowered;
	s2 =	sadd.s32 s2, s4;
	[dreg:$0x0] =	wrdreg $0x0  }
0xa8: {  	s4 =	sshll.u32 s28, $0x1;
	[dreg:$0x2] =	wrdreg s2  }
0xa9: {  	[dreg:$0x3] =	wrdreg s4  }
0xaa: {  	[dreg:$0x4] =	wrdreg $0xC0  }
0xab: {  	_ =	task [dreg:s6], $0x5FFFF  }
0xac: {  	[dreg:$0x1] =	wrdreg $0xFFFFFFFF  }
0xad: {  	[dreg:$0x0] =	wrdreg $0x60  }
0xae: {  	[dreg:$0x2] =	wrdreg s24  }
0xaf: {  	[dreg:$0x3] =	wrdreg $0xB0000  }
0xb0: {  	[dreg:$0x4] =	wrdreg $0x9  }
0xb1: {  	_ =	task.clear_ibuf [dreg:s6], $0x5FFFF;
	_ =	strace $0x9000004F  }
0xb2: {  	s29 =	simm.s32 $0x9;
	_ =	strace $0x80000051  }
0xb3: {  	_ =	swait.ge [sflag:s29], $0x1  }
0xb4: {  	[sflag:s29] =	ssyncadd.s32 $0xFFFFFFFF  }
0xb5: {  	_ =	strace $0x90000051  }
0xb6: {  	_ =	sfence  }
0xb7: {  	s30 =	sld [smem:$0x0];
	_ =	sdelay $0x2  }
0xb8: {  	s31 =	sshll.u32 s1, $0xD;
	s1 =	sshrl.u32 s1, $0x2  }
0xb9: {  	s3 =	sand.u32 $0x4000, s31;
	s1 =	sadd.s32 s1, s30  }
0xba: {  	s0 =	sor.u32 s3, s0;
	s1 =	sshll.u32 s1, $0x11  }
0xbb: {  	s0 =	sor.u32 s1, s0  }
0xbc: {  	s0 =	sadd.s32 $0x8F2B, s0  }
0xbd: {  	[sflag:s0] =	ssyncadd.remote.s32 $0x1  }
0xbe: {  	_ =	sfence.sel $0xFFFF  }
0xbf: {  	[dreg:$0x0] =	wrdreg $0xFFFFFFFF;
	(pc) =	sbr.abs _section_cstart, $3  }
0xc0: {  	[dreg:$0x1] =	wrdreg $0xFFFFFFFF  }
0xc1: {  	_ =	task.clear_ibuf [dreg:s6], $0x2FFFF;
	_ =	strace $0x9FFFFFFF  }
0xc2: {  	(tm) =	ssettm $0x7FFFFFFF  }
0xc3: {  	_ =	shalt  }
tec
execute0_lowered:
.L_overlay_start_1:
0x0: {  	(tag) =	ssettag $0x1  }
0x1: {  	s5 =	rddreg [dreg:$0x0]  }
0x2: {  	s2 =	rddreg [dreg:$0x1]  }
0x3: {  	s0 =	srdreg.scid;
	s1 =	rddreg [dreg:$0x2];
	s3 =	simm.s32 $0x0  }
0x4: {  	s14 =	simm.s32 $0x60;
	s15 =	simm.s32 $0x5000;
	s16 =	simm.s32 $0x1  }
0x5: {  	s17 =	simm.s32 $0x8000;
	s18 =	simm.s32 $0x4F00;
	s6 =	sand.u32 $0x1, s0  }
0x6: {  	s19 =	simm.s32 $0x2;
	s0 =	stileid.u32;
	s4 =	smul.u32 $0x27100, s6  }
0x7: {  	s20 =	simm.s32 $0x26A0;
	s21 =	simm.s32 $0x10;
	s7 =	smul.u32 $0x2710, s0  }
0x8: {  	s22 =	simm.s32 $0x2700;
	s23 =	simm.s32 $0x4F80;
	s30 =	smul.u32 $0x2800, s0  }
0x9: {  	s24 =	simm.s32 $0x0;
	[smem:$0x7FF] =	sst s3;
	s9 =	smul.u32 $0x28000, s6  }
0xa: {  	_ =	strace $0x80000050;
	s6 =	ssub.s32 $0x2, s6;
	s12 =	sshll.u32 s0, $0x6  }
0xb: {  	s10 =	smul.u32 $0x50000, s0;
	s31 =	sshrl.u32 s6, $0x1;
	s12 =	sor.u32 $0x1C03, s12  }
0xc: {  	s4 =	sadd.s32 s7, s4;
	s9 =	sadd.s32 s30, s9;
	s7 =	sadd.s32 s30, s5  }
0xd: {  	s11 =	ssub.s32 s6, s31;
	s10 =	sshrl.u32 s10, $0x2;
	s8 =	sshrl.u32 s4, $0x3  }
0xe: {  	s4 =	sadd.s32 $0x8FE00, s5;
	s9 =	sadd.s32 s9, s5;
	s13 =	sadd.s32 s10, s2  }
0xf: {  	s7 =	sadd.s32 $0x17E00, s7;
	s10 =	simm.s32 $0x3;
	s8 =	sadd.s32 s8, s5  }
0x10: {  	s13 =	sshrl.u32 s13, $0x3;
	s5 =	sadd.s32 $0x4200, s8;
	s6 =	sadd.s32 $0xE000, s8  }
0x11: {  	s8 =	sadd.s32 $0xB7000, s9;
	s9 =	smax.u32 s11, $0x1;
	s11 =	simm.s32 $0x2780  }
.LBB2_1:
0x12: {  	[tilespmem:s3], [sflag:$0x3] =	stream.linear.gather [hbm4b:s5+s3], $0x2710, $0x38;
	[tilespmem:$0x1F000] =	vst v63  }
0x13: {  	_ =	swait.ge [sflag:s10], $0x2710  }
0x14: {  	[sflag:s10] =	ssyncset.done $0x0  }
0x15: {  	[sflag:s10] =	ssyncadd.s32 $0xFFFFD8F0  }
0x16: {  	[tilespmem:s11], [sflag:$0x3] =	stream.linear.gather [hbm4b:s6+s3], $0x2710, $0x38;
	[tilespmem:$0x1F000] =	vst v63  }
0x17: {  	_ =	swait.ge [sflag:s10], $0x2710  }
0x18: {  	[sflag:s10] =	ssyncset.done $0x0  }
0x19: {  	[sflag:s10] =	ssyncadd.s32 $0xFFFFD8F0  }
0x1a: {  	[spmem:s13], [sflag:s12] =	dma.local [hbm:s7], $0x2800  }
0x1b: {  	_ =	swait.ge [sflag:s10], $0x2800  }
0x1c: {  	[sflag:s10] =	ssyncset.done $0x0  }
0x1d: {  	[sflag:s10] =	ssyncadd.s32 $0xFFFFD800  }
0x1e: {  	[bflag:$0x0] =	sbarrier.arrive $0xFFFF  }
0x1f: {  	[tilespmem:s15], [sflag:$0x1] =	stream.indirect.gather [hbm4b:s4+s14], $0x80, s3, s14, $0xb8;
	[tilespmem:$0x1F000] =	vst v63  }
0x20: {  	_ =	swait.ge [sflag:s16], $0x3000  }
0x21: {  	[sflag:s16] =	ssyncset.done $0x0  }
0x22: {  	s25 =	simm.s32 $0x27E0;
	s26 =	simm.s32 $0x60;
	[sflag:s16] =	ssyncadd.s32 $0xFFFFD000  }
0x23: {  	[tilespmem:s17], [sflag:$0x2] =	stream.indirect.gather [hbm4b:s4+s14], $0x80, s26, s14, $0xb8;
	[tilespmem:$0x1F000] =	vst v63  }
0x24: {  	v0 =	vld [tilespmem:s25+$0xFFFFFFA0];
	_ =	sdelay $0x4  }
0x25: {  	[tilespmem:$0x4F00] =	vst v0  }
0x26: {  	v0 =	vld [tilespmem:s25+$0xFFFFFFB0];
	_ =	sdelay $0x4  }
0x27: {  	[tilespmem:$0x4F10] =	vst v0  }
0x28: {  	v0 =	vld [tilespmem:s25+$0xFFFFFFC0];
	_ =	sdelay $0x4  }
0x29: {  	[tilespmem:$0x4F20] =	vst v0  }
0x2a: {  	v0 =	vld [tilespmem:s25+$0xFFFFFFD0];
	_ =	sdelay $0x4  }
0x2b: {  	[tilespmem:$0x4F30] =	vst v0  }
0x2c: {  	v0 =	vld [tilespmem:s25+$0xFFFFFFE0];
	_ =	sdelay $0x4  }
0x2d: {  	[tilespmem:$0x4F40] =	vst v0  }
0x2e: {  	v0 =	vld [tilespmem:s25+$0xFFFFFFF0];
	_ =	sdelay $0x4  }
0x2f: {  	[tilespmem:$0x4F50] =	vst v0  }
0x30: {  	[spmem:s2] =	stream.indirect.scatter.add.f32 [tilespmem:s15], [sflag:$0x3], $0x80, s18, s14, $0xb8;
	[tilespmem:$0x1F000] =	vst v63  }
0x31: {  	_ =	swait.ge [sflag:s10], $0x3000  }
0x32: {  	[sflag:s10] =	ssyncset.done $0x0  }
0x33: {  	[sflag:s10] =	ssyncadd.s32 $0xFFFFD000  }
0x34: {  	_ =	swait.ge [sflag:s19], $0x3000  }
0x35: {  	[sflag:s19] =	ssyncset.done $0x0  }
0x36: {  	s30 =	simm.s32 $0xC0;
	[sflag:s19] =	ssyncadd.s32 $0xFFFFD000  }
0x37: {  	[tilespmem:s15], [sflag:$0x1] =	stream.indirect.gather [hbm4b:s4+s14], $0x80, s30, s14, $0xb8;
	[tilespmem:$0x1F000] =	vst v63  }
0x38: {  	v63 =	vld [tilespmem:s25+$0x0];
	_ =	sdelay $0x4  }
0x39: {  	[tilespmem:$0x4F00] =	vst v63  }
0x3a: {  	v0 =	vld [tilespmem:s25+$0x10];
	_ =	sdelay $0x4  }
0x3b: {  	s31 =	sand.u32 $0x3FC0, s3;
	[tilespmem:$0x4F10] =	vst v0  }
0x3c: {  	v0 =	vld [tilespmem:s31+$0x2800];
	_ =	sdelay $0x4  }
0x3d: {  	[tilespmem:$0x4F20] =	vst v0  }
0x3e: {  	v0 =	vld [tilespmem:s25+$0x30];
	_ =	sdelay $0x4  }
0x3f: {  	[tilespmem:$0x4F30] =	vst v0  }
0x40: {  	v0 =	vld [tilespmem:s25+$0x40];
	_ =	sdelay $0x4  }
0x41: {  	[tilespmem:$0x4F40] =	vst v0  }
0x42: {  	v0 =	vld [tilespmem:s25+$0x50];
	_ =	sdelay $0x4  }
0x43: {  	[tilespmem:$0x4F50] =	vst v0  }
0x44: {  	[spmem:s2] =	stream.indirect.scatter.add.f32 [tilespmem:s17], [sflag:$0x3], $0x80, s18, s14, $0xb8;
	[tilespmem:$0x1F000] =	vst v63  }
0x45: {  	_ =	swait.ge [sflag:s10], $0x3000  }
0x46: {  	[sflag:s10] =	ssyncset.done $0x0  }
0x47: {  	[sflag:s10] =	ssyncadd.s32 $0xFFFFD000  }
0x48: {  	s29 =	simm.s32 $0x180;
	_ =	swait.ge [sflag:s16], $0x3000  }
0x49: {  	s28 =	simm.s32 $0x180;
	s26 =	simm.s32 $0xC0;
	[sflag:s16] =	ssyncset.done $0x0  }
.LBB2_2:
0x4a: {  	s30 =	sadd.s32 $0xFFFFFFA0, s28;
	[sflag:s16] =	ssyncadd.s32 $0xFFFFD000;
	s25 =	sadd.s32 $0xC0, s25  }
0x4b: {  	[tilespmem:s17], [sflag:$0x2] =	stream.indirect.gather [hbm4b:s4+s14], $0x80, s30, s14, $0xb8;
	[tilespmem:$0x1F000] =	vst v63  }
0x4c: {  	p0 =	sne.s32 s29, $0x2580;
	s30 =	smov.u32 s29;
	s29 =	sadd.s32 $0xC0, s29;
	v0 =	vld [tilespmem:s25+$0xFFFFFFA0]  }
0x4d: {  	_ =	sdelay $0x3  }
0x4e: {  	[tilespmem:$0x4F00] =	vst v0  }
0x4f: {  	v0 =	vld [tilespmem:s25+$0xFFFFFFB0];
	_ =	sdelay $0x4  }
0x50: {  	[tilespmem:$0x4F10] =	vst v0  }
0x51: {  	v0 =	vld [tilespmem:s25+$0xFFFFFFC0];
	_ =	sdelay $0x4  }
0x52: {  	[tilespmem:$0x4F20] =	vst v0  }
0x53: {  	v0 =	vld [tilespmem:s25+$0xFFFFFFD0];
	_ =	sdelay $0x4  }
0x54: {  	[tilespmem:$0x4F30] =	vst v0  }
0x55: {  	v0 =	vld [tilespmem:s25+$0xFFFFFFE0];
	_ =	sdelay $0x4  }
0x56: {  	[tilespmem:$0x4F40] =	vst v0  }
0x57: {  	v0 =	vld [tilespmem:s25+$0xFFFFFFF0];
	_ =	sdelay $0x4  }
0x58: {  	[tilespmem:$0x4F50] =	vst v0  }
0x59: {  	[spmem:s2] =	stream.indirect.scatter.add.f32 [tilespmem:s15], [sflag:$0x3], $0x80, s18, s14, $0xb8;
	[tilespmem:$0x1F000] =	vst v63  }
0x5a: {  	_ =	swait.ge [sflag:s10], $0x3000  }
0x5b: {  	[sflag:s10] =	ssyncset.done $0x0  }
0x5c: {  	[sflag:s10] =	ssyncadd.s32 $0xFFFFD000  }
0x5d: {  	_ =	swait.ge [sflag:s19], $0x3000  }
0x5e: {  	[sflag:s19] =	ssyncset.done $0x0  }
0x5f: {  	[sflag:s19] =	ssyncadd.s32 $0xFFFFD000  }
0x60: {  	[tilespmem:s15], [sflag:$0x1] =	stream.indirect.gather [hbm4b:s4+s14], $0x80, s28, s14, $0xb8;
	[tilespmem:$0x1F000] =	vst v63  }
0x61: {  	v0 =	vld [tilespmem:s25+$0x0];
	_ =	sdelay $0x4  }
0x62: {  	[tilespmem:$0x4F00] =	vst v0  }
0x63: {  	v0 =	vld [tilespmem:s25+$0x10];
	_ =	sdelay $0x4  }
0x64: {  	s31 =	sand.u32 $0x3FC0, s26;
	s26 =	smov.u32 s30;
	[tilespmem:$0x4F10] =	vst v0  }
0x65: {  	v0 =	vld [tilespmem:s31+$0x2800];
	_ =	sdelay $0x4  }
0x66: {  	[tilespmem:$0x4F20] =	vst v0  }
0x67: {  	v0 =	vld [tilespmem:s25+$0x30];
	_ =	sdelay $0x4  }
0x68: {  	[tilespmem:$0x4F30] =	vst v0  }
0x69: {  	v0 =	vld [tilespmem:s25+$0x40];
	_ =	sdelay $0x4  }
0x6a: {  	[tilespmem:$0x4F40] =	vst v0  }
0x6b: {  	v0 =	vld [tilespmem:s25+$0x50];
	_ =	sdelay $0x4  }
0x6c: {  	[tilespmem:$0x4F50] =	vst v0  }
0x6d: {  	[spmem:s2] =	stream.indirect.scatter.add.f32 [tilespmem:s17], [sflag:$0x3], $0x80, s18, s14, $0xb8;
	[tilespmem:$0x1F000] =	vst v63  }
.Ltmp0:
0x6e: {  	_ =	swait.ge [sflag:s10], $0x3000;
	(pc) =	sbr.rel @p0 .LBB2_2-.Ltmp0, $4  }
0x6f: {  	[sflag:s10] =	ssyncset.done $0x0  }
0x70: {  	[sflag:s10] =	ssyncadd.s32 $0xFFFFD000  }
0x71: {  	_ =	swait.ge [sflag:s16], $0x3000  }
0x72: {  	s28 =	sadd.s32 $0xC0, s28;
	[sflag:s16] =	ssyncset.done $0x0  }
0x73: {  	s29 =	sadd.s32 $0xFFFFFFA0, s28;
	[sflag:s16] =	ssyncadd.s32 $0xFFFFD000;
	s25 =	sadd.s32 $0xC0, s25  }
0x74: {  	[tilespmem:s17], [sflag:$0x2] =	stream.indirect.gather [hbm4b:s4+s14], $0x80, s29, s14, $0xb8;
	[tilespmem:$0x1F000] =	vst v63  }
0x75: {  	v0 =	vld [tilespmem:s25+$0xFFFFFFA0];
	_ =	sdelay $0x4  }
0x76: {  	[tilespmem:$0x4F00] =	vst v0  }
0x77: {  	v0 =	vld [tilespmem:s25+$0xFFFFFFB0];
	_ =	sdelay $0x4  }
0x78: {  	[tilespmem:$0x4F10] =	vst v0  }
0x79: {  	v0 =	vld [tilespmem:s25+$0xFFFFFFC0];
	_ =	sdelay $0x4  }
0x7a: {  	[tilespmem:$0x4F20] =	vst v0  }
0x7b: {  	v0 =	vld [tilespmem:s25+$0xFFFFFFD0];
	_ =	sdelay $0x4  }
0x7c: {  	[tilespmem:$0x4F30] =	vst v0  }
0x7d: {  	v0 =	vld [tilespmem:s25+$0xFFFFFFE0];
	_ =	sdelay $0x4  }
0x7e: {  	[tilespmem:$0x4F40] =	vst v0  }
0x7f: {  	v0 =	vld [tilespmem:s25+$0xFFFFFFF0];
	_ =	sdelay $0x4  }
0x80: {  	[tilespmem:$0x4F50] =	vst v0  }
0x81: {  	[spmem:s2] =	stream.indirect.scatter.add.f32 [tilespmem:s15], [sflag:$0x3], $0x80, s18, s14, $0xb8;
	[tilespmem:$0x1F000] =	vst v63  }
0x82: {  	_ =	swait.ge [sflag:s10], $0x3000  }
0x83: {  	[sflag:s10] =	ssyncset.done $0x0  }
0x84: {  	[sflag:s10] =	ssyncadd.s32 $0xFFFFD000  }
0x85: {  	_ =	swait.ge [sflag:s19], $0x3000  }
0x86: {  	[sflag:s19] =	ssyncset.done $0x0  }
0x87: {  	[sflag:s19] =	ssyncadd.s32 $0xFFFFD000  }
0x88: {  	[tilespmem:s15], [sflag:$0x1] =	stream.indirect.gather [hbm4b:s4+s14], $0x80, s28, s14, $0xb8;
	[tilespmem:$0x1F000] =	vst v63  }
0x89: {  	v54 =	vld [tilespmem:s25+$0x0];
	_ =	sdelay $0x4  }
0x8a: {  	[tilespmem:$0x4F00] =	vst v54  }
0x8b: {  	v0 =	vld [tilespmem:s25+$0x10];
	_ =	sdelay $0x4  }
0x8c: {  	s26 =	sand.u32 $0x3FC0, s26;
	[tilespmem:$0x4F10] =	vst v0  }
0x8d: {  	v0 =	vld [tilespmem:s26+$0x2800];
	_ =	sdelay $0x4  }
0x8e: {  	[tilespmem:$0x4F20] =	vst v0  }
0x8f: {  	v0 =	vld [tilespmem:s25+$0x30];
	_ =	sdelay $0x4  }
0x90: {  	[tilespmem:$0x4F30] =	vst v0  }
0x91: {  	v0 =	vld [tilespmem:s25+$0x40];
	_ =	sdelay $0x4  }
0x92: {  	[tilespmem:$0x4F40] =	vst v0  }
0x93: {  	v0 =	vld [tilespmem:s25+$0x50];
	_ =	sdelay $0x4  }
0x94: {  	[tilespmem:$0x4F50] =	vst v0  }
0x95: {  	[spmem:s2] =	stream.indirect.scatter.add.f32 [tilespmem:s17], [sflag:$0x3], $0x80, s18, s14, $0xb8;
	[tilespmem:$0x1F000] =	vst v63  }
0x96: {  	_ =	swait.ge [sflag:s10], $0x3000  }
0x97: {  	[sflag:s10] =	ssyncset.done $0x0  }
0x98: {  	[sflag:s10] =	ssyncadd.s32 $0xFFFFD000  }
0x99: {  	_ =	swait.ge [sflag:s16], $0x3000  }
0x9a: {  	[sflag:s16] =	ssyncset.done $0x0  }
0x9b: {  	[sflag:s16] =	ssyncadd.s32 $0xFFFFD000  }
0x9c: {  	[tilespmem:s17], [sflag:$0x2] =	stream.indirect.gather [hbm4b:s4+s14], $0x80, s20, s14, $0xb8;
	[tilespmem:$0x1F000] =	vst v63  }
0x9d: {  	v55 =	vld [tilespmem:$0x4DC0]  }
0x9e: {  	v1 =	vld [tilespmem:$0x4DD0]  }
0x9f: {  	v2 =	vld [tilespmem:$0x4DE0]  }
0xa0: {  	v3 =	vld [tilespmem:$0x4DF0]  }
0xa1: {  	v4 =	vld [tilespmem:$0x4E00]  }
0xa2: {  	v56 =	vld [tilespmem:$0x4E10];
	[tilespmem:$0x4F00] =	vst v55  }
0xa3: {  	[tilespmem:$0x4F10] =	vst v1  }
0xa4: {  	[tilespmem:$0x4F20] =	vst v2  }
0xa5: {  	[tilespmem:$0x4F30] =	vst v3  }
0xa6: {  	[tilespmem:$0x4F40] =	vst v4  }
0xa7: {  	[tilespmem:$0x4F50] =	vst v56  }
0xa8: {  	[spmem:s2] =	stream.indirect.scatter.add.f32 [tilespmem:s15], [sflag:$0x3], $0x80, s18, s14, $0xb8;
	[tilespmem:$0x1F000] =	vst v63  }
0xa9: {  	_ =	swait.ge [sflag:s10], $0x3000  }
0xaa: {  	[sflag:s10] =	ssyncset.done $0x0  }
0xab: {  	[sflag:s10] =	ssyncadd.s32 $0xFFFFD000  }
0xac: {  	_ =	swait.ge [sflag:s19], $0x3000  }
0xad: {  	[sflag:s19] =	ssyncset.done $0x0  }
0xae: {  	[sflag:s19] =	ssyncadd.s32 $0xFFFFD000  }
0xaf: {  	v57 =	vld [tilespmem:$0x4E20]  }
0xb0: {  	v58 =	vld [tilespmem:$0x4E30]  }
0xb1: {  	v59 =	vld [tilespmem:$0x4E40]  }
0xb2: {  	v60 =	vld [tilespmem:$0x4E50]  }
0xb3: {  	v61 =	vld [tilespmem:$0x4E60]  }
0xb4: {  	v62 =	vld [tilespmem:$0x4E70];
	[tilespmem:$0x4F00] =	vst v57  }
0xb5: {  	[tilespmem:$0x4F10] =	vst v58  }
0xb6: {  	[tilespmem:$0x4F20] =	vst v59  }
0xb7: {  	[tilespmem:$0x4F30] =	vst v60  }
0xb8: {  	[tilespmem:$0x4F40] =	vst v61  }
0xb9: {  	[tilespmem:$0x4F50] =	vst v62  }
0xba: {  	[spmem:s2] =	stream.indirect.scatter.add.f32 [tilespmem:s17], [sflag:$0x3], $0x80, s18, s14, $0xb8;
	[tilespmem:$0x1F000] =	vst v63  }
0xbb: {  	_ =	swait.ge [sflag:s10], $0x3000  }
0xbc: {  	[sflag:s10] =	ssyncset.done $0x0  }
0xbd: {  	[sflag:s10] =	ssyncadd.s32 $0xFFFFD000  }
0xbe: {  	[tilespmem:s15], [sflag:$0x1] =	stream.indirect.gather [hbm4b:s4+s21], $0x80, s22, s21, $0xb8;
	[tilespmem:$0x1F000] =	vst v63  }
0xbf: {  	_ =	swait.ge [sflag:s16], $0x800  }
0xc0: {  	[sflag:s16] =	ssyncset.done $0x0  }
0xc1: {  	[sflag:s16] =	ssyncadd.s32 $0xFFFFF800  }
0xc2: {  	v63 =	vld [tilespmem:$0x4E80];
	_ =	sdelay $0x4  }
0xc3: {  	[tilespmem:$0x4F80] =	vst v63  }
0xc4: {  	[spmem:s2] =	stream.indirect.scatter.add.f32 [tilespmem:s15], [sflag:$0x3], $0x80, s23, s21, $0xb8;
	[tilespmem:$0x1F000] =	vst v63  }
0xc5: {  	_ =	swait.ge [sflag:s10], $0x800  }
0xc6: {  	s24 =	sadd.s32 $0x1, s24;
	[sflag:s10] =	ssyncset.done $0x0  }
0xc7: {  	p0 =	sne.s32 s24, s9;
	[sflag:s10] =	ssyncadd.s32 $0xFFFFF800  }
.Ltmp1:
0xc8: {  	[bflag:$0x0] =	sbarrier.arrive $0xFFFF;
	(pc) =	sbr.rel @p0 .LBB2_1-.Ltmp1, $4  }
0xc9: {  	[hbm:s8], [sflag:s12] =	dma.local [spmem:s13], $0x2800  }
0xca: {  	_ =	swait.ge [sflag:s10], $0x2800  }
0xcb: {  	[sflag:s10] =	ssyncset.done $0x0  }
0xcc: {  	[sflag:s10] =	ssyncadd.s32 $0xFFFFD800  }
0xcd: {  	_ =	sfence.sel $0x180000  }
0xce: {  	[bflag:$0x0] =	sbarrier.arrive $0xFFFF  }
0xcf: {  	p0 =	sne.s32 s0, $0x0;
	_ =	strace $0x90000050  }
0xd0: {  	s0 =	sadd.s32 @!p0 $0x100000, s1;
	[bflag:$0x2] =	sbarrier.arrive $0xFFFF  }
0xd1: {  	[sflag:s0] =	ssyncadd.tile.s32 @!p0 $0x1;
	_ =	shalt  }
.Lfunc_end2:
_tile_overlayer_lowered:
.L_overlay_start_2:
0xd2: {  	(tag) =	ssettag $0x2  }
0xd3: {  	s0 =	rddreg [dreg:$0x0];
	s2 =	stileid.u32  }
0xd4: {  	s1 =	rddreg [dreg:$0x1];
	p0 =	sne.s32 s2, $0x0  }
0xd5: {  	s3 =	rddreg [dreg:$0x2];
	[bflag:$0x3] =	sbarrier.arrive $0xFFFF;
	s2 =	simm.s32 @!p0 $0x1C03  }
0xd6: {  	[timem:s3], [sflag:s2] =	dma.local @!p0 [hbm:s0], s1  }
0xd7: {  	s0 =	simm.s32 @!p0 $0x3  }
0xd8: {  	_ =	swait.ge @!p0 [sflag:s0], s1  }
0xd9: {  	s1 =	ssub.s32 @!p0 $0x0, s1;
	[sflag:s0] =	ssyncset.done @!p0 $0x0  }
0xda: {  	[sflag:s0] =	ssyncadd.s32 @!p0 s1  }
0xdb: {  	[bflag:$0x3] =	sbarrier.arrive $0xFFFF  }
0xdc: {  	_ =	shalt  }

</sc_bundles>
